<compile_context>
chip_gen: v7x
topology: tpu7x:2x2x1
jax: 0.10.2.dev20260603
libtpu: 0.0.44.dev20260713+nightly
codegen_flags: <defaults>
</compile_context>

<pallas_src>
import functools

import jax
import jax.numpy as jnp
from jax import lax
from jax.experimental import pallas as pl
from jax.experimental.pallas import tpu as pltpu
from jax.experimental.pallas import tpu_sc as plsc

_N = 10000
_E = 320000
_D = 128
_H = 256
_CHUNK = 64
_NSUB = 16
_EP = 327680
_NCHUNKS = _EP // _CHUNK
_ACC_ROWS = 10240
_RPT = _ACC_ROWS // _NSUB
_G = 16
_K = 4
_NBUF = 5


def _make_sc_agg(split_edges: bool, n_tables: int):
    chunks_per_core = _NCHUNKS // 2 if split_edges else _NCHUNKS
    cpt = chunks_per_core // _NSUB
    n_groups = cpt // _G
    mesh = plsc.VectorSubcoreMesh(core_axis_name="c", subcore_axis_name="s")

    @functools.partial(
        pl.kernel,
        mesh=mesh,
        out_type=jax.ShapeDtypeStruct((2, _N, _D), jnp.float32),
        scratch_types=[
            pltpu.VMEM((2, _G, _CHUNK), jnp.int32),
            pltpu.VMEM((2, _G, _CHUNK), jnp.int32),
            pltpu.VMEM((_NBUF, _CHUNK, _D), jnp.float32),
            pltpu.VMEM_SHARED((_ACC_ROWS, _D), jnp.float32),
            pltpu.SemaphoreType.DMA((_NBUF,)),
            pltpu.SemaphoreType.DMA,
        ],
    )
    def agg(table, src2d, dst2d, out, srcb, dstb, rows, acc, gsem, isem):
        c = lax.axis_index("c")
        s = lax.axis_index("s")
        tix = 0 if split_edges else c
        chunk0 = s * cpt + (c * chunks_per_core if split_edges else 0)

        def zero_body(i, carry):
            r = i // 8
            col = (i % 8) * 16
            rows[0, r, pl.ds(col, 16)] = jnp.zeros((16,), jnp.float32)
            return carry

        lax.fori_loop(0, _CHUNK * 8, zero_body, 0)
        for j in range(_RPT // _CHUNK):
            pltpu.sync_copy(rows.at[0],
                            acc.at[pl.ds(s * _RPT + j * _CHUNK, _CHUNK)])

        def start_idx(g):
            gb = lax.rem(g, 2)
            pltpu.async_copy(src2d.at[pl.ds(chunk0 + g * _G, _G)],
                             srcb.at[gb], isem)
            pltpu.async_copy(dst2d.at[pl.ds(chunk0 + g * _G, _G)],
                             dstb.at[gb], isem)

        def wait_idx(g):
            gb = lax.rem(g, 2)
            pltpu.make_async_copy(src2d.at[pl.ds(chunk0 + g * _G, _G)],
                                  srcb.at[gb], isem).wait()
            pltpu.make_async_copy(dst2d.at[pl.ds(chunk0 + g * _G, _G)],
                                  dstb.at[gb], isem).wait()

        def start_gather(i, b):
            g = i // _G
            pltpu.async_copy(
                table.at[tix].at[srcb.at[lax.rem(g, 2), i - g * _G]],
                rows.at[b], gsem.at[b])

        def wait_gather(i, b):
            g = i // _G
            pltpu.make_async_copy(
                table.at[tix].at[srcb.at[lax.rem(g, 2), i - g * _G]],
                rows.at[b], gsem.at[b]).wait()

        start_idx(0)
        wait_idx(0)
        for k in range(_K):
            start_gather(k, k)

        plsc.subcore_barrier()

        def body(i, carry):
            g = i // _G
            j = i - g * _G
            b = lax.rem(i, _NBUF)
            nxt = i + _K

            @pl.when(nxt < cpt)
            def _():
                ng = nxt // _G

                @pl.when(nxt == ng * _G)
                def _():
                    wait_idx(ng)

                start_gather(nxt, lax.rem(nxt, _NBUF))

            @pl.when((j == 0) & (g + 1 < n_groups))
            def _():
                start_idx(g + 1)

            wait_gather(i, b)
            pltpu.sync_copy(rows.at[b],
                            acc.at[dstb.at[lax.rem(g, 2), i - g * _G]],
                            add=True)
            return carry

        lax.fori_loop(0, cpt, body, 0)

        plsc.subcore_barrier()

        @pl.when(s < _NSUB - 1)
        def _():
            r0 = s * _RPT
            pltpu.sync_copy(acc.at[pl.ds(r0, _RPT)],
                            out.at[c, pl.ds(r0, _RPT)])

        @pl.when(s == _NSUB - 1)
        def _():
            r0 = (_NSUB - 1) * _RPT
            nlast = _N - r0
            pltpu.sync_copy(acc.at[pl.ds(r0, nlast)],
                            out.at[c, pl.ds(r0, nlast)])

    return agg


_agg_edge_split = _make_sc_agg(split_edges=True, n_tables=1)
_agg_feat_split = _make_sc_agg(split_edges=False, n_tables=2)



_BLK = 1000


def _h1_body(x_ref, p_ref, w_ref, b_ref, o_ref):
    u = x_ref[...] + p_ref[0] + p_ref[1]
    h = jnp.dot(u, w_ref[...], preferred_element_type=jnp.float32) + b_ref[...]
    h = jnp.maximum(h, 0.0)
    o_ref[0] = h[:, :_D]
    o_ref[1] = h[:, _D:]


def _tc_h1(x, p, w1, b1):
    return pl.pallas_call(
        _h1_body,
        grid=(_N // _BLK,),
        in_specs=[
            pl.BlockSpec((_BLK, _D), lambda i: (i, 0)),
            pl.BlockSpec((2, _BLK, _D), lambda i: (0, i, 0)),
            pl.BlockSpec((_D, _H), lambda i: (0, 0)),
            pl.BlockSpec((1, _H), lambda i: (0, 0)),
        ],
        out_specs=pl.BlockSpec((2, _BLK, _D), lambda i: (0, i, 0)),
        out_shape=jax.ShapeDtypeStruct((2, _N, _D), jnp.float32),
    )(x, p, w1, b1)


_NB = _N // _BLK


def _tail_body(h_ref, a_ref, w2_ref, b2_ref, wxz_ref, bz_ref, wxh_ref, bh_ref,
               w3_ref, b3_ref, w4_ref, b4_ref, o_ref, z_ref, f_ref, zs_ref):
    i = pl.program_id(0)

    @pl.when(i < _NB)
    def _():
        ua = h_ref[0] + a_ref[0]
        ub = h_ref[1] + a_ref[1]
        z = (jnp.dot(ua, w2_ref[0], preferred_element_type=jnp.float32)
             + jnp.dot(ub, w2_ref[1], preferred_element_type=jnp.float32)
             + b2_ref[...])
        z_ref[pl.ds(i * _BLK, _BLK), :] = z

        @pl.when(i == 0)
        def _():
            f_ref[...] = jnp.zeros_like(f_ref)

        f_ref[...] += jnp.sum(z, axis=0, keepdims=True)

    @pl.when(i == _NB)
    def _():
        f = f_ref[...] * (1.0 / _N)
        zg = jax.nn.sigmoid(
            jnp.dot(f, wxz_ref[...], preferred_element_type=jnp.float32)
            + bz_ref[...])
        hh = jnp.tanh(
            jnp.dot(f, wxh_ref[...], preferred_element_type=jnp.float32)
            + bh_ref[...])
        ht = (1.0 - zg) * hh
        e = jnp.maximum(
            jnp.dot(ht, w3_ref[...], preferred_element_type=jnp.float32)
            + b3_ref[...], 0.0)
        zs_ref[...] = (jnp.dot(e, w4_ref[...], preferred_element_type=jnp.float32)
                       + b4_ref[...])

    @pl.when(i >= _NB)
    def _():
        k = i - _NB
        o_ref[...] = lax.dot_general(
            z_ref[pl.ds(k * _BLK, _BLK), :], zs_ref[...],
            dimension_numbers=(((1,), (1,)), ((), ())),
            preferred_element_type=jnp.float32)


def _tc_tail(h1pair, a2, w2, b2, wxz, bz, wxh, bh, w3, b3, w4, b4):
    def hspec():
        return pl.BlockSpec((2, _BLK, _D),
                            lambda i: (0, jnp.minimum(i, _NB - 1), 0))

    return pl.pallas_call(
        _tail_body,
        grid=(2 * _NB,),
        in_specs=[
            hspec(),
            hspec(),
            pl.BlockSpec((2, _D, _D), lambda i: (0, 0, 0)),
            pl.BlockSpec((1, _D), lambda i: (0, 0)),
            pl.BlockSpec((_D, _H), lambda i: (0, 0)),
            pl.BlockSpec((1, _H), lambda i: (0, 0)),
            pl.BlockSpec((_D, _H), lambda i: (0, 0)),
            pl.BlockSpec((1, _H), lambda i: (0, 0)),
            pl.BlockSpec((_H, _H), lambda i: (0, 0)),
            pl.BlockSpec((1, _H), lambda i: (0, 0)),
            pl.BlockSpec((_H, _D), lambda i: (0, 0)),
            pl.BlockSpec((1, _D), lambda i: (0, 0)),
        ],
        out_specs=pl.BlockSpec((_BLK, 1),
                               lambda i: (jnp.maximum(i - _NB, 0), 0)),
        out_shape=jax.ShapeDtypeStruct((_N, 1), jnp.float32),
        scratch_shapes=[
            pltpu.VMEM((_N, _D), jnp.float32),
            pltpu.VMEM((1, _D), jnp.float32),
            pltpu.VMEM((1, _D), jnp.float32),
        ],
    )(h1pair, a2, w2, b2, wxz, bz, wxh, bh, w3, b3, w4, b4)


def kernel(x, edge_index, W1, b1, W2, b2, Wxz, Whz, bz, Wxr, Whr, br,
           Wxh, Whh, bh, W3, b3, W4, b4):
    pad = _EP - _E
    ar = jnp.arange(pad, dtype=jnp.int32)
    src_pad = (ar * 37) % _N
    dst_pad = _N + (ar % (_ACC_ROWS - _N))
    src2d = jnp.concatenate([edge_index[0], src_pad]).reshape(_NCHUNKS, _CHUNK)
    dst2d = jnp.concatenate([edge_index[1], dst_pad]).reshape(_NCHUNKS, _CHUNK)

    p1 = _agg_edge_split(x.reshape(1, _N, _D), src2d, dst2d)
    h1pair = _tc_h1(x, p1, W1, b1.reshape(1, _H))
    a2 = _agg_feat_split(h1pair, src2d, dst2d)
    logits = _tc_tail(h1pair, a2, W2.reshape(2, _D, _D), b2.reshape(1, _D),
                      Wxz, bz.reshape(1, _H), Wxh, bh.reshape(1, _H),
                      W3, b3.reshape(1, _H), W4, b4.reshape(1, _D))
    return logits.reshape(_N)

# --- scband reference (transcript-rebuilt; emitter-appended) ---
"""Pipeline reference for scband-trainer-32229434589688 (READ-ONLY COPY).

The authoritative reference and input builder live on the scoring server;
editing this copy changes nothing except your own understanding.
"""

import jax, jax.numpy as jnp
import numpy as np

N = 10000
E = 320000
D = 128   # in_feat
H = 256   # h_dim_encoder
Z = 128   # z_dim_encoder
R = 256   # h_dim_rnn
M = 256   # h_dim_embedding
EPS = 0.0


def setup_inputs(seed: int = 0) -> dict:
    key = jax.random.key(seed)
    ks = jax.random.split(key, 24)
    s = lambda k, shp, fan: jax.random.normal(k, shp, dtype=jnp.float32) * (1.0 / np.sqrt(fan))
    inp = {}
    inp["x"] = jax.random.normal(ks[0], (N, D), dtype=jnp.float32)
    inp["edge_index"] = jax.random.randint(ks[1], (2, E), 0, N, dtype=jnp.int32)
    # GIN layer MLPs
    inp["W1"] = s(ks[2], (D, H), D)
    inp["b1"] = jnp.zeros((H,), dtype=jnp.float32)
    inp["W2"] = s(ks[3], (H, Z), H)
    inp["b2"] = jnp.zeros((Z,), dtype=jnp.float32)
    # GRU cell (RecurrentNetwork, single layer)
    inp["Wxz"] = s(ks[4], (Z, R), Z)
    inp["Whz"] = s(ks[5], (R, R), R)
    inp["bz"] = jnp.zeros((R,), dtype=jnp.float32)
    inp["Wxr"] = s(ks[6], (Z, R), Z)
    inp["Whr"] = s(ks[7], (R, R), R)
    inp["br"] = jnp.zeros((R,), dtype=jnp.float32)
    inp["Wxh"] = s(ks[8], (Z, R), Z)
    inp["Whh"] = s(ks[9], (R, R), R)
    inp["bh"] = jnp.zeros((R,), dtype=jnp.float32)
    # netEmbedding MLP: h_dim_rnn -> h_dim_embedding -> z_dim
    inp["W3"] = s(ks[10], (R, M), R)
    inp["b3"] = jnp.zeros((M,), dtype=jnp.float32)
    inp["W4"] = s(ks[11], (M, Z), M)
    inp["b4"] = jnp.zeros((Z,), dtype=jnp.float32)
    return inp


def reference(x, edge_index, W1, b1, W2, b2, Wxz, Whz, bz, Wxr, Whr, br, Wxh, Whh, bh, W3, b3, W4, b4):
    src = edge_index[0]
    dst = edge_index[1]
    # --- EncoderGIN layer 1: scatter-add neighbor aggregation + MLP ---
    agg1 = jnp.zeros_like(x).at[dst].add(x[src])
    h1 = jax.nn.relu(((1.0 + EPS) * x + agg1) @ W1 + b1)
    # --- EncoderGIN layer 2 ---
    agg2 = jnp.zeros_like(h1).at[dst].add(h1[src])
    z_last = ((1.0 + EPS) * h1 + agg2) @ W2 + b2  # [N, Z]
    # --- global mean pool (single-graph batch) -> f_tot ---
    f_tot = jnp.mean(z_last, axis=0, keepdims=True)  # [1, Z]
    # --- RecurrentNetwork: one GRU step from zero state ---
    h0 = jnp.zeros((1, Wxz.shape[1]), dtype=jnp.float32)
    zg = jax.nn.sigmoid(f_tot @ Wxz + h0 @ Whz + bz)
    rg = jax.nn.sigmoid(f_tot @ Wxr + h0 @ Whr + br)
    hh = jnp.tanh(f_tot @ Wxh + (rg * h0) @ Whh + bh)
    h_t = (1.0 - zg) * hh + zg * h0  # [1, R]
    h_t = h_t.flatten().reshape(1, -1)
    # --- netEmbedding -> z_source ---
    z_source = jax.nn.relu(h_t @ W3 + b3) @ W4 + b4  # [1, Z]
    # --- logit_source = z_last @ z_source.T flattened ---
    logit_source = (z_last @ z_source.T).flatten()  # [N]
    return logit_source

if __name__ == "__main__":
    import jax
    _d = setup_inputs()
    print(jax.jit(kernel)(*tuple(_d.values())))

</pallas_src>

<mosaic_0001>
#map = affine_map<(d0, d1) -> (0, 0, 0)>
#map1 = affine_map<(d0, d1) -> (0, 0)>
module attributes {stable_mosaic.version = 14 : i64} {
  func.func @agg(%arg0: i32, %arg1: i32, %arg2: memref<2x10000x128xf32, #tpu.memory_space<hbm>>, %arg3: memref<5120x64xi32, #tpu.memory_space<hbm>>, %arg4: memref<5120x64xi32, #tpu.memory_space<hbm>>, %arg5: memref<2x10000x128xf32, #tpu.memory_space<hbm>>, %arg6: memref<2x16x64xi32, #tpu.memory_space<vmem>>, %arg7: memref<2x16x64xi32, #tpu.memory_space<vmem>>, %arg8: memref<5x64x128xf32, #tpu.memory_space<vmem>>, %arg9: memref<10240x128xf32, #tpu.memory_space<vmem_shared>>, %arg10: memref<5x!tpu.dma_semaphore, #tpu.memory_space<semaphore_mem>>, %arg11: memref<!tpu.dma_semaphore, #tpu.memory_space<semaphore_mem>>) attributes {dimension_semantics = [#tpu.dimension_semantics<core_parallel>, #tpu.dimension_semantics<subcore_parallel>], iteration_bounds = array<i64: 2, 16>, scalar_prefetch = 0 : i64, scratch_operands = 6 : i64, tpu.core_type = #tpu.core_type<sc_vector_subcore>, window_params = [{transform_indices = #map}, {transform_indices = #map1}, {transform_indices = #map1}, {transform_indices = #map}]} {
    %mul3A = arith.constant 320 : i32
    %mul3A_0 = arith.muli %arg1, %mul3A : i32
    %add3A = arith.constant 0 : i32
    %add3A_1 = arith.addi %mul3A_0, %add3A : i32
    %scan3A = arith.constant 0 : i32
    %scan3A_2 = arith.constant 0 : i32
    %scan3A_3 = arith.constant 512 : i32
    %scan3A_4 = arith.addi %scan3A_2, %scan3A_3 : i32
    %scan3A_5 = arith.constant 1 : i32
    scf.for %scan3A_216 = %scan3A_2 to %scan3A_4 step %scan3A_5  : i32 {
      %jit3A = arith.constant 8 : i32
      %div3A = arith.divsi %scan3A_216, %jit3A : i32
      %sign3A = arith.constant 0 : i32
      %sign3A_217 = arith.cmpi sgt, %scan3A_216, %sign3A : i32
      %sign3A_218 = arith.extui %sign3A_217 : i1 to i32
      %sign3A_219 = arith.constant 0 : i32
      %sign3A_220 = arith.cmpi slt, %scan3A_216, %sign3A_219 : i32
      %sign3A_221 = arith.extui %sign3A_220 : i1 to i32
      %sign3A_222 = arith.subi %sign3A_218, %sign3A_221 : i32
      %sign3A_223 = arith.constant 0 : i32
      %sign3A_224 = arith.cmpi sgt, %jit3A, %sign3A_223 : i32
      %sign3A_225 = arith.extui %sign3A_224 : i1 to i32
      %sign3A_226 = arith.constant 0 : i32
      %sign3A_227 = arith.cmpi slt, %jit3A, %sign3A_226 : i32
      %sign3A_228 = arith.extui %sign3A_227 : i1 to i32
      %sign3A_229 = arith.subi %sign3A_225, %sign3A_228 : i32
      %ne3A = arith.cmpi ne, %sign3A_222, %sign3A_229 : i32
      %rem3A_230 = arith.remsi %scan3A_216, %jit3A : i32
      %ne3A_231 = arith.constant 0 : i32
      %ne3A_232 = arith.cmpi ne, %rem3A_230, %ne3A_231 : i32
      %and3A = arith.andi %ne3A, %ne3A_232 : i1
      %sub3A = arith.constant 1 : i32
      %sub3A_233 = arith.subi %div3A, %sub3A : i32
      %select_n3A = arith.select %and3A, %sub3A_233, %div3A : i32
      %jit3A_234 = arith.constant 8 : i32
      %eq3A_235 = arith.constant 0 : i32
      %eq3A_236 = arith.cmpi eq, %jit3A_234, %eq3A_235 : i32
      %jit3A_237 = arith.constant 1 : i32
      %select_n3A_238 = arith.select %eq3A_236, %jit3A_237, %jit3A_234 : i32
      %rem3A_239 = arith.remsi %scan3A_216, %select_n3A_238 : i32
      %ne3A_240 = arith.constant 0 : i32
      %ne3A_241 = arith.cmpi ne, %rem3A_239, %ne3A_240 : i32
      %lt3A_242 = arith.constant 0 : i32
      %lt3A_243 = arith.cmpi slt, %rem3A_239, %lt3A_242 : i32
      %lt3A_244 = arith.constant 0 : i32
      %lt3A_245 = arith.cmpi slt, %select_n3A_238, %lt3A_244 : i32
      %ne3A_246 = arith.xori %lt3A_243, %lt3A_245 : i1
      %and3A_247 = arith.andi %ne3A_246, %ne3A_241 : i1
      %add3A_248 = arith.addi %rem3A_239, %select_n3A_238 : i32
      %select_n3A_249 = arith.select %and3A_247, %add3A_248, %rem3A_239 : i32
      %mul3A_250 = arith.constant 16 : i32
      %mul3A_251 = arith.muli %select_n3A_249, %mul3A_250 : i32
      %broadcast_in_dim3A = arith.constant 0.000000e+00 : f32
      %broadcast_in_dim3A_252 = vector.broadcast %broadcast_in_dim3A : f32 to vector<16xf32>
      %swap3A = arith.constant 0 : i32
      %swap3A_253 = arith.index_cast %swap3A : i32 to index
      %swap3A_254 = arith.index_cast %select_n3A : i32 to index
      %swap3A_255 = arith.index_cast %mul3A_251 : i32 to index
      %swap3A_256 = tpu.vector_load %arg8[%swap3A_253, %swap3A_254, %swap3A_255] {strides = array<i32>} : memref<5x64x128xf32, #tpu.memory_space<vmem>>, vector<1x1x16xf32>,
      %swap3A_257 = vector.shape_cast %swap3A_256 : vector<1x1x16xf32> to vector<16xf32>
      %swap3A_258 = vector.shape_cast %broadcast_in_dim3A_252 : vector<16xf32> to vector<1x1x16xf32>
      tpu.vector_store %arg8[%swap3A_253, %swap3A_254, %swap3A_255], %swap3A_258 {strides = array<i32>} : memref<5x64x128xf32, #tpu.memory_space<vmem>>, vector<1x1x16xf32>,
    }
    %scan3A_6 = arith.constant 512 : i32
    %mul3A_7 = arith.constant 640 : i32
    %mul3A_8 = arith.muli %arg1, %mul3A_7 : i32
    %add3A_9 = arith.constant 0 : i32
    %add3A_10 = arith.addi %mul3A_8, %add3A_9 : i32
    %run_scoped3A = arith.constant 0 : i32
    "tpu.region"() ({
      %run_scoped3A_216 = tpu.sem_alloc : memref<!tpu.dma_semaphore, #tpu.memory_space<semaphore_mem>>
      %dma_start3A_217 = arith.constant 0 : i32
      %dma_start3A_218 = arith.constant 0 : i32
      %dma_start3A_219 = tpu.memref_slice %arg8[%run_scoped3A, %dma_start3A_217, %dma_start3A_218] : memref<5x64x128xf32, #tpu.memory_space<vmem>> -> memref<1x64x128xf32, #tpu.memory_space<vmem>>
      %dma_start3A_220 = tpu.memref_squeeze %dma_start3A_219 : memref<1x64x128xf32, #tpu.memory_space<vmem>> -> memref<64x128xf32, #tpu.memory_space<vmem>>
      %dma_start3A_221 = arith.constant 0 : i32
      %dma_start3A_222 = tpu.memref_slice %arg9[%add3A_10, %dma_start3A_221] : memref<10240x128xf32, #tpu.memory_space<vmem_shared>> -> memref<64x128xf32, #tpu.memory_space<vmem_shared>>
      %dma_start3A_223 = arith.constant 0 : i32
      %dma_start3A_224 = tpu.memref_slice %arg9[%add3A_10, %dma_start3A_223] : memref<10240x128xf32, #tpu.memory_space<vmem_shared>> -> memref<64x128xf32, #tpu.memory_space<vmem_shared>>
      %dma_start3A_225 = arith.constant 0 : i32
      %dma_start3A_226 = arith.constant 0 : i32
      %dma_start3A_227 = tpu.memref_slice %arg8[%run_scoped3A, %dma_start3A_225, %dma_start3A_226] : memref<5x64x128xf32, #tpu.memory_space<vmem>> -> memref<1x64x128xf32, #tpu.memory_space<vmem>>
      %dma_start3A_228 = tpu.memref_squeeze %dma_start3A_227 : memref<1x64x128xf32, #tpu.memory_space<vmem>> -> memref<64x128xf32, #tpu.memory_space<vmem>>
      tpu.enqueue_dma source(%dma_start3A_228 : memref<64x128xf32, #tpu.memory_space<vmem>>) target(%dma_start3A_224 : memref<64x128xf32, #tpu.memory_space<vmem_shared>>) target_semaphore(%run_scoped3A_216 : memref<!tpu.dma_semaphore, #tpu.memory_space<semaphore_mem>>)
      %dma_wait3A_229 = arith.constant 0 : i32
      %dma_wait3A_230 = arith.constant 0 : i32
      %dma_wait3A_231 = tpu.memref_slice %arg8[%run_scoped3A, %dma_wait3A_229, %dma_wait3A_230] : memref<5x64x128xf32, #tpu.memory_space<vmem>> -> memref<1x64x128xf32, #tpu.memory_space<vmem>>
      %dma_wait3A_232 = tpu.memref_squeeze %dma_wait3A_231 : memref<1x64x128xf32, #tpu.memory_space<vmem>> -> memref<64x128xf32, #tpu.memory_space<vmem>>
      %dma_wait3A_233 = arith.constant 0 : i32
      %dma_wait3A_234 = tpu.memref_slice %arg9[%add3A_10, %dma_wait3A_233] : memref<10240x128xf32, #tpu.memory_space<vmem_shared>> -> memref<64x128xf32, #tpu.memory_space<vmem_shared>>
      %dma_wait3A_235 = arith.constant 0 : i32
      %dma_wait3A_236 = tpu.memref_slice %arg9[%add3A_10, %dma_wait3A_235] : memref<10240x128xf32, #tpu.memory_space<vmem_shared>> -> memref<64x128xf32, #tpu.memory_space<vmem_shared>>
      %dma_wait3A_237 = arith.constant 0 : i32
      %dma_wait3A_238 = arith.constant 0 : i32
      %dma_wait3A_239 = tpu.memref_slice %arg8[%run_scoped3A, %dma_wait3A_237, %dma_wait3A_238] : memref<5x64x128xf32, #tpu.memory_space<vmem>> -> memref<1x64x128xf32, #tpu.memory_space<vmem>>
      %dma_wait3A_240 = tpu.memref_squeeze %dma_wait3A_239 : memref<1x64x128xf32, #tpu.memory_space<vmem>> -> memref<64x128xf32, #tpu.memory_space<vmem>>
      tpu.wait_dma2 semaphore(%run_scoped3A_216 : memref<!tpu.dma_semaphore, #tpu.memory_space<semaphore_mem>>) src(%dma_wait3A_240 : memref<64x128xf32, #tpu.memory_space<vmem>>) dst(%dma_wait3A_236 : memref<64x128xf32, #tpu.memory_space<vmem_shared>>)
      tpu.yield
    }) : () -> ()
    %mul3A_11 = arith.constant 640 : i32
    %mul3A_12 = arith.muli %arg1, %mul3A_11 : i32
    %add3A_13 = arith.constant 64 : i32
    %add3A_14 = arith.addi %mul3A_12, %add3A_13 : i32
    %run_scoped3A_15 = arith.constant 0 : i32
    "tpu.region"() ({
      %run_scoped3A_216 = tpu.sem_alloc : memref<!tpu.dma_semaphore, #tpu.memory_space<semaphore_mem>>
      %dma_start3A_217 = arith.constant 0 : i32
      %dma_start3A_218 = arith.constant 0 : i32
      %dma_start3A_219 = tpu.memref_slice %arg8[%run_scoped3A_15, %dma_start3A_217, %dma_start3A_218] : memref<5x64x128xf32, #tpu.memory_space<vmem>> -> memref<1x64x128xf32, #tpu.memory_space<vmem>>
      %dma_start3A_220 = tpu.memref_squeeze %dma_start3A_219 : memref<1x64x128xf32, #tpu.memory_space<vmem>> -> memref<64x128xf32, #tpu.memory_space<vmem>>
      %dma_start3A_221 = arith.constant 0 : i32
      %dma_start3A_222 = tpu.memref_slice %arg9[%add3A_14, %dma_start3A_221] : memref<10240x128xf32, #tpu.memory_space<vmem_shared>> -> memref<64x128xf32, #tpu.memory_space<vmem_shared>>
      %dma_start3A_223 = arith.constant 0 : i32
      %dma_start3A_224 = tpu.memref_slice %arg9[%add3A_14, %dma_start3A_223] : memref<10240x128xf32, #tpu.memory_space<vmem_shared>> -> memref<64x128xf32, #tpu.memory_space<vmem_shared>>
      %dma_start3A_225 = arith.constant 0 : i32
      %dma_start3A_226 = arith.constant 0 : i32
      %dma_start3A_227 = tpu.memref_slice %arg8[%run_scoped3A_15, %dma_start3A_225, %dma_start3A_226] : memref<5x64x128xf32, #tpu.memory_space<vmem>> -> memref<1x64x128xf32, #tpu.memory_space<vmem>>
      %dma_start3A_228 = tpu.memref_squeeze %dma_start3A_227 : memref<1x64x128xf32, #tpu.memory_space<vmem>> -> memref<64x128xf32, #tpu.memory_space<vmem>>
      tpu.enqueue_dma source(%dma_start3A_228 : memref<64x128xf32, #tpu.memory_space<vmem>>) target(%dma_start3A_224 : memref<64x128xf32, #tpu.memory_space<vmem_shared>>) target_semaphore(%run_scoped3A_216 : memref<!tpu.dma_semaphore, #tpu.memory_space<semaphore_mem>>)
      %dma_wait3A_229 = arith.constant 0 : i32
      %dma_wait3A_230 = arith.constant 0 : i32
      %dma_wait3A_231 = tpu.memref_slice %arg8[%run_scoped3A_15, %dma_wait3A_229, %dma_wait3A_230] : memref<5x64x128xf32, #tpu.memory_space<vmem>> -> memref<1x64x128xf32, #tpu.memory_space<vmem>>
      %dma_wait3A_232 = tpu.memref_squeeze %dma_wait3A_231 : memref<1x64x128xf32, #tpu.memory_space<vmem>> -> memref<64x128xf32, #tpu.memory_space<vmem>>
      %dma_wait3A_233 = arith.constant 0 : i32
      %dma_wait3A_234 = tpu.memref_slice %arg9[%add3A_14, %dma_wait3A_233] : memref<10240x128xf32, #tpu.memory_space<vmem_shared>> -> memref<64x128xf32, #tpu.memory_space<vmem_shared>>
      %dma_wait3A_235 = arith.constant 0 : i32
      %dma_wait3A_236 = tpu.memref_slice %arg9[%add3A_14, %dma_wait3A_235] : memref<10240x128xf32, #tpu.memory_space<vmem_shared>> -> memref<64x128xf32, #tpu.memory_space<vmem_shared>>
      %dma_wait3A_237 = arith.constant 0 : i32
      %dma_wait3A_238 = arith.constant 0 : i32
      %dma_wait3A_239 = tpu.memref_slice %arg8[%run_scoped3A_15, %dma_wait3A_237, %dma_wait3A_238] : memref<5x64x128xf32, #tpu.memory_space<vmem>> -> memref<1x64x128xf32, #tpu.memory_space<vmem>>
      %dma_wait3A_240 = tpu.memref_squeeze %dma_wait3A_239 : memref<1x64x128xf32, #tpu.memory_space<vmem>> -> memref<64x128xf32, #tpu.memory_space<vmem>>
      tpu.wait_dma2 semaphore(%run_scoped3A_216 : memref<!tpu.dma_semaphore, #tpu.memory_space<semaphore_mem>>) src(%dma_wait3A_240 : memref<64x128xf32, #tpu.memory_space<vmem>>) dst(%dma_wait3A_236 : memref<64x128xf32, #tpu.memory_space<vmem_shared>>)
      tpu.yield
    }) : () -> ()
    %mul3A_16 = arith.constant 640 : i32
    %mul3A_17 = arith.muli %arg1, %mul3A_16 : i32
    %add3A_18 = arith.constant 128 : i32
    %add3A_19 = arith.addi %mul3A_17, %add3A_18 : i32
    %run_scoped3A_20 = arith.constant 0 : i32
    "tpu.region"() ({
      %run_scoped3A_216 = tpu.sem_alloc : memref<!tpu.dma_semaphore, #tpu.memory_space<semaphore_mem>>
      %dma_start3A_217 = arith.constant 0 : i32
      %dma_start3A_218 = arith.constant 0 : i32
      %dma_start3A_219 = tpu.memref_slice %arg8[%run_scoped3A_20, %dma_start3A_217, %dma_start3A_218] : memref<5x64x128xf32, #tpu.memory_space<vmem>> -> memref<1x64x128xf32, #tpu.memory_space<vmem>>
      %dma_start3A_220 = tpu.memref_squeeze %dma_start3A_219 : memref<1x64x128xf32, #tpu.memory_space<vmem>> -> memref<64x128xf32, #tpu.memory_space<vmem>>
      %dma_start3A_221 = arith.constant 0 : i32
      %dma_start3A_222 = tpu.memref_slice %arg9[%add3A_19, %dma_start3A_221] : memref<10240x128xf32, #tpu.memory_space<vmem_shared>> -> memref<64x128xf32, #tpu.memory_space<vmem_shared>>
      %dma_start3A_223 = arith.constant 0 : i32
      %dma_start3A_224 = tpu.memref_slice %arg9[%add3A_19, %dma_start3A_223] : memref<10240x128xf32, #tpu.memory_space<vmem_shared>> -> memref<64x128xf32, #tpu.memory_space<vmem_shared>>
      %dma_start3A_225 = arith.constant 0 : i32
      %dma_start3A_226 = arith.constant 0 : i32
      %dma_start3A_227 = tpu.memref_slice %arg8[%run_scoped3A_20, %dma_start3A_225, %dma_start3A_226] : memref<5x64x128xf32, #tpu.memory_space<vmem>> -> memref<1x64x128xf32, #tpu.memory_space<vmem>>
      %dma_start3A_228 = tpu.memref_squeeze %dma_start3A_227 : memref<1x64x128xf32, #tpu.memory_space<vmem>> -> memref<64x128xf32, #tpu.memory_space<vmem>>
      tpu.enqueue_dma source(%dma_start3A_228 : memref<64x128xf32, #tpu.memory_space<vmem>>) target(%dma_start3A_224 : memref<64x128xf32, #tpu.memory_space<vmem_shared>>) target_semaphore(%run_scoped3A_216 : memref<!tpu.dma_semaphore, #tpu.memory_space<semaphore_mem>>)
      %dma_wait3A_229 = arith.constant 0 : i32
      %dma_wait3A_230 = arith.constant 0 : i32
      %dma_wait3A_231 = tpu.memref_slice %arg8[%run_scoped3A_20, %dma_wait3A_229, %dma_wait3A_230] : memref<5x64x128xf32, #tpu.memory_space<vmem>> -> memref<1x64x128xf32, #tpu.memory_space<vmem>>
      %dma_wait3A_232 = tpu.memref_squeeze %dma_wait3A_231 : memref<1x64x128xf32, #tpu.memory_space<vmem>> -> memref<64x128xf32, #tpu.memory_space<vmem>>
      %dma_wait3A_233 = arith.constant 0 : i32
      %dma_wait3A_234 = tpu.memref_slice %arg9[%add3A_19, %dma_wait3A_233] : memref<10240x128xf32, #tpu.memory_space<vmem_shared>> -> memref<64x128xf32, #tpu.memory_space<vmem_shared>>
      %dma_wait3A_235 = arith.constant 0 : i32
      %dma_wait3A_236 = tpu.memref_slice %arg9[%add3A_19, %dma_wait3A_235] : memref<10240x128xf32, #tpu.memory_space<vmem_shared>> -> memref<64x128xf32, #tpu.memory_space<vmem_shared>>
      %dma_wait3A_237 = arith.constant 0 : i32
      %dma_wait3A_238 = arith.constant 0 : i32
      %dma_wait3A_239 = tpu.memref_slice %arg8[%run_scoped3A_20, %dma_wait3A_237, %dma_wait3A_238] : memref<5x64x128xf32, #tpu.memory_space<vmem>> -> memref<1x64x128xf32, #tpu.memory_space<vmem>>
      %dma_wait3A_240 = tpu.memref_squeeze %dma_wait3A_239 : memref<1x64x128xf32, #tpu.memory_space<vmem>> -> memref<64x128xf32, #tpu.memory_space<vmem>>
      tpu.wait_dma2 semaphore(%run_scoped3A_216 : memref<!tpu.dma_semaphore, #tpu.memory_space<semaphore_mem>>) src(%dma_wait3A_240 : memref<64x128xf32, #tpu.memory_space<vmem>>) dst(%dma_wait3A_236 : memref<64x128xf32, #tpu.memory_space<vmem_shared>>)
      tpu.yield
    }) : () -> ()
    %mul3A_21 = arith.constant 640 : i32
    %mul3A_22 = arith.muli %arg1, %mul3A_21 : i32
    %add3A_23 = arith.constant 192 : i32
    %add3A_24 = arith.addi %mul3A_22, %add3A_23 : i32
    %run_scoped3A_25 = arith.constant 0 : i32
    "tpu.region"() ({
      %run_scoped3A_216 = tpu.sem_alloc : memref<!tpu.dma_semaphore, #tpu.memory_space<semaphore_mem>>
      %dma_start3A_217 = arith.constant 0 : i32
      %dma_start3A_218 = arith.constant 0 : i32
      %dma_start3A_219 = tpu.memref_slice %arg8[%run_scoped3A_25, %dma_start3A_217, %dma_start3A_218] : memref<5x64x128xf32, #tpu.memory_space<vmem>> -> memref<1x64x128xf32, #tpu.memory_space<vmem>>
      %dma_start3A_220 = tpu.memref_squeeze %dma_start3A_219 : memref<1x64x128xf32, #tpu.memory_space<vmem>> -> memref<64x128xf32, #tpu.memory_space<vmem>>
      %dma_start3A_221 = arith.constant 0 : i32
      %dma_start3A_222 = tpu.memref_slice %arg9[%add3A_24, %dma_start3A_221] : memref<10240x128xf32, #tpu.memory_space<vmem_shared>> -> memref<64x128xf32, #tpu.memory_space<vmem_shared>>
      %dma_start3A_223 = arith.constant 0 : i32
      %dma_start3A_224 = tpu.memref_slice %arg9[%add3A_24, %dma_start3A_223] : memref<10240x128xf32, #tpu.memory_space<vmem_shared>> -> memref<64x128xf32, #tpu.memory_space<vmem_shared>>
      %dma_start3A_225 = arith.constant 0 : i32
      %dma_start3A_226 = arith.constant 0 : i32
      %dma_start3A_227 = tpu.memref_slice %arg8[%run_scoped3A_25, %dma_start3A_225, %dma_start3A_226] : memref<5x64x128xf32, #tpu.memory_space<vmem>> -> memref<1x64x128xf32, #tpu.memory_space<vmem>>
      %dma_start3A_228 = tpu.memref_squeeze %dma_start3A_227 : memref<1x64x128xf32, #tpu.memory_space<vmem>> -> memref<64x128xf32, #tpu.memory_space<vmem>>
      tpu.enqueue_dma source(%dma_start3A_228 : memref<64x128xf32, #tpu.memory_space<vmem>>) target(%dma_start3A_224 : memref<64x128xf32, #tpu.memory_space<vmem_shared>>) target_semaphore(%run_scoped3A_216 : memref<!tpu.dma_semaphore, #tpu.memory_space<semaphore_mem>>)
      %dma_wait3A_229 = arith.constant 0 : i32
      %dma_wait3A_230 = arith.constant 0 : i32
      %dma_wait3A_231 = tpu.memref_slice %arg8[%run_scoped3A_25, %dma_wait3A_229, %dma_wait3A_230] : memref<5x64x128xf32, #tpu.memory_space<vmem>> -> memref<1x64x128xf32, #tpu.memory_space<vmem>>
      %dma_wait3A_232 = tpu.memref_squeeze %dma_wait3A_231 : memref<1x64x128xf32, #tpu.memory_space<vmem>> -> memref<64x128xf32, #tpu.memory_space<vmem>>
      %dma_wait3A_233 = arith.constant 0 : i32
      %dma_wait3A_234 = tpu.memref_slice %arg9[%add3A_24, %dma_wait3A_233] : memref<10240x128xf32, #tpu.memory_space<vmem_shared>> -> memref<64x128xf32, #tpu.memory_space<vmem_shared>>
      %dma_wait3A_235 = arith.constant 0 : i32
      %dma_wait3A_236 = tpu.memref_slice %arg9[%add3A_24, %dma_wait3A_235] : memref<10240x128xf32, #tpu.memory_space<vmem_shared>> -> memref<64x128xf32, #tpu.memory_space<vmem_shared>>
      %dma_wait3A_237 = arith.constant 0 : i32
      %dma_wait3A_238 = arith.constant 0 : i32
      %dma_wait3A_239 = tpu.memref_slice %arg8[%run_scoped3A_25, %dma_wait3A_237, %dma_wait3A_238] : memref<5x64x128xf32, #tpu.memory_space<vmem>> -> memref<1x64x128xf32, #tpu.memory_space<vmem>>
      %dma_wait3A_240 = tpu.memref_squeeze %dma_wait3A_239 : memref<1x64x128xf32, #tpu.memory_space<vmem>> -> memref<64x128xf32, #tpu.memory_space<vmem>>
      tpu.wait_dma2 semaphore(%run_scoped3A_216 : memref<!tpu.dma_semaphore, #tpu.memory_space<semaphore_mem>>) src(%dma_wait3A_240 : memref<64x128xf32, #tpu.memory_space<vmem>>) dst(%dma_wait3A_236 : memref<64x128xf32, #tpu.memory_space<vmem_shared>>)
      tpu.yield
    }) : () -> ()
    %mul3A_26 = arith.constant 640 : i32
    %mul3A_27 = arith.muli %arg1, %mul3A_26 : i32
    %add3A_28 = arith.constant 256 : i32
    %add3A_29 = arith.addi %mul3A_27, %add3A_28 : i32
    %run_scoped3A_30 = arith.constant 0 : i32
    "tpu.region"() ({
      %run_scoped3A_216 = tpu.sem_alloc : memref<!tpu.dma_semaphore, #tpu.memory_space<semaphore_mem>>
      %dma_start3A_217 = arith.constant 0 : i32
      %dma_start3A_218 = arith.constant 0 : i32
      %dma_start3A_219 = tpu.memref_slice %arg8[%run_scoped3A_30, %dma_start3A_217, %dma_start3A_218] : memref<5x64x128xf32, #tpu.memory_space<vmem>> -> memref<1x64x128xf32, #tpu.memory_space<vmem>>
      %dma_start3A_220 = tpu.memref_squeeze %dma_start3A_219 : memref<1x64x128xf32, #tpu.memory_space<vmem>> -> memref<64x128xf32, #tpu.memory_space<vmem>>
      %dma_start3A_221 = arith.constant 0 : i32
      %dma_start3A_222 = tpu.memref_slice %arg9[%add3A_29, %dma_start3A_221] : memref<10240x128xf32, #tpu.memory_space<vmem_shared>> -> memref<64x128xf32, #tpu.memory_space<vmem_shared>>
      %dma_start3A_223 = arith.constant 0 : i32
      %dma_start3A_224 = tpu.memref_slice %arg9[%add3A_29, %dma_start3A_223] : memref<10240x128xf32, #tpu.memory_space<vmem_shared>> -> memref<64x128xf32, #tpu.memory_space<vmem_shared>>
      %dma_start3A_225 = arith.constant 0 : i32
      %dma_start3A_226 = arith.constant 0 : i32
      %dma_start3A_227 = tpu.memref_slice %arg8[%run_scoped3A_30, %dma_start3A_225, %dma_start3A_226] : memref<5x64x128xf32, #tpu.memory_space<vmem>> -> memref<1x64x128xf32, #tpu.memory_space<vmem>>
      %dma_start3A_228 = tpu.memref_squeeze %dma_start3A_227 : memref<1x64x128xf32, #tpu.memory_space<vmem>> -> memref<64x128xf32, #tpu.memory_space<vmem>>
      tpu.enqueue_dma source(%dma_start3A_228 : memref<64x128xf32, #tpu.memory_space<vmem>>) target(%dma_start3A_224 : memref<64x128xf32, #tpu.memory_space<vmem_shared>>) target_semaphore(%run_scoped3A_216 : memref<!tpu.dma_semaphore, #tpu.memory_space<semaphore_mem>>)
      %dma_wait3A_229 = arith.constant 0 : i32
      %dma_wait3A_230 = arith.constant 0 : i32
      %dma_wait3A_231 = tpu.memref_slice %arg8[%run_scoped3A_30, %dma_wait3A_229, %dma_wait3A_230] : memref<5x64x128xf32, #tpu.memory_space<vmem>> -> memref<1x64x128xf32, #tpu.memory_space<vmem>>
      %dma_wait3A_232 = tpu.memref_squeeze %dma_wait3A_231 : memref<1x64x128xf32, #tpu.memory_space<vmem>> -> memref<64x128xf32, #tpu.memory_space<vmem>>
      %dma_wait3A_233 = arith.constant 0 : i32
      %dma_wait3A_234 = tpu.memref_slice %arg9[%add3A_29, %dma_wait3A_233] : memref<10240x128xf32, #tpu.memory_space<vmem_shared>> -> memref<64x128xf32, #tpu.memory_space<vmem_shared>>
      %dma_wait3A_235 = arith.constant 0 : i32
      %dma_wait3A_236 = tpu.memref_slice %arg9[%add3A_29, %dma_wait3A_235] : memref<10240x128xf32, #tpu.memory_space<vmem_shared>> -> memref<64x128xf32, #tpu.memory_space<vmem_shared>>
      %dma_wait3A_237 = arith.constant 0 : i32
      %dma_wait3A_238 = arith.constant 0 : i32
      %dma_wait3A_239 = tpu.memref_slice %arg8[%run_scoped3A_30, %dma_wait3A_237, %dma_wait3A_238] : memref<5x64x128xf32, #tpu.memory_space<vmem>> -> memref<1x64x128xf32, #tpu.memory_space<vmem>>
      %dma_wait3A_240 = tpu.memref_squeeze %dma_wait3A_239 : memref<1x64x128xf32, #tpu.memory_space<vmem>> -> memref<64x128xf32, #tpu.memory_space<vmem>>
      tpu.wait_dma2 semaphore(%run_scoped3A_216 : memref<!tpu.dma_semaphore, #tpu.memory_space<semaphore_mem>>) src(%dma_wait3A_240 : memref<64x128xf32, #tpu.memory_space<vmem>>) dst(%dma_wait3A_236 : memref<64x128xf32, #tpu.memory_space<vmem_shared>>)
      tpu.yield
    }) : () -> ()
    %mul3A_31 = arith.constant 640 : i32
    %mul3A_32 = arith.muli %arg1, %mul3A_31 : i32
    %add3A_33 = arith.constant 320 : i32
    %add3A_34 = arith.addi %mul3A_32, %add3A_33 : i32
    %run_scoped3A_35 = arith.constant 0 : i32
    "tpu.region"() ({
      %run_scoped3A_216 = tpu.sem_alloc : memref<!tpu.dma_semaphore, #tpu.memory_space<semaphore_mem>>
      %dma_start3A_217 = arith.constant 0 : i32
      %dma_start3A_218 = arith.constant 0 : i32
      %dma_start3A_219 = tpu.memref_slice %arg8[%run_scoped3A_35, %dma_start3A_217, %dma_start3A_218] : memref<5x64x128xf32, #tpu.memory_space<vmem>> -> memref<1x64x128xf32, #tpu.memory_space<vmem>>
      %dma_start3A_220 = tpu.memref_squeeze %dma_start3A_219 : memref<1x64x128xf32, #tpu.memory_space<vmem>> -> memref<64x128xf32, #tpu.memory_space<vmem>>
      %dma_start3A_221 = arith.constant 0 : i32
      %dma_start3A_222 = tpu.memref_slice %arg9[%add3A_34, %dma_start3A_221] : memref<10240x128xf32, #tpu.memory_space<vmem_shared>> -> memref<64x128xf32, #tpu.memory_space<vmem_shared>>
      %dma_start3A_223 = arith.constant 0 : i32
      %dma_start3A_224 = tpu.memref_slice %arg9[%add3A_34, %dma_start3A_223] : memref<10240x128xf32, #tpu.memory_space<vmem_shared>> -> memref<64x128xf32, #tpu.memory_space<vmem_shared>>
      %dma_start3A_225 = arith.constant 0 : i32
      %dma_start3A_226 = arith.constant 0 : i32
      %dma_start3A_227 = tpu.memref_slice %arg8[%run_scoped3A_35, %dma_start3A_225, %dma_start3A_226] : memref<5x64x128xf32, #tpu.memory_space<vmem>> -> memref<1x64x128xf32, #tpu.memory_space<vmem>>
      %dma_start3A_228 = tpu.memref_squeeze %dma_start3A_227 : memref<1x64x128xf32, #tpu.memory_space<vmem>> -> memref<64x128xf32, #tpu.memory_space<vmem>>
      tpu.enqueue_dma source(%dma_start3A_228 : memref<64x128xf32, #tpu.memory_space<vmem>>) target(%dma_start3A_224 : memref<64x128xf32, #tpu.memory_space<vmem_shared>>) target_semaphore(%run_scoped3A_216 : memref<!tpu.dma_semaphore, #tpu.memory_space<semaphore_mem>>)
      %dma_wait3A_229 = arith.constant 0 : i32
      %dma_wait3A_230 = arith.constant 0 : i32
      %dma_wait3A_231 = tpu.memref_slice %arg8[%run_scoped3A_35, %dma_wait3A_229, %dma_wait3A_230] : memref<5x64x128xf32, #tpu.memory_space<vmem>> -> memref<1x64x128xf32, #tpu.memory_space<vmem>>
      %dma_wait3A_232 = tpu.memref_squeeze %dma_wait3A_231 : memref<1x64x128xf32, #tpu.memory_space<vmem>> -> memref<64x128xf32, #tpu.memory_space<vmem>>
      %dma_wait3A_233 = arith.constant 0 : i32
      %dma_wait3A_234 = tpu.memref_slice %arg9[%add3A_34, %dma_wait3A_233] : memref<10240x128xf32, #tpu.memory_space<vmem_shared>> -> memref<64x128xf32, #tpu.memory_space<vmem_shared>>
      %dma_wait3A_235 = arith.constant 0 : i32
      %dma_wait3A_236 = tpu.memref_slice %arg9[%add3A_34, %dma_wait3A_235] : memref<10240x128xf32, #tpu.memory_space<vmem_shared>> -> memref<64x128xf32, #tpu.memory_space<vmem_shared>>
      %dma_wait3A_237 = arith.constant 0 : i32
      %dma_wait3A_238 = arith.constant 0 : i32
      %dma_wait3A_239 = tpu.memref_slice %arg8[%run_scoped3A_35, %dma_wait3A_237, %dma_wait3A_238] : memref<5x64x128xf32, #tpu.memory_space<vmem>> -> memref<1x64x128xf32, #tpu.memory_space<vmem>>
      %dma_wait3A_240 = tpu.memref_squeeze %dma_wait3A_239 : memref<1x64x128xf32, #tpu.memory_space<vmem>> -> memref<64x128xf32, #tpu.memory_space<vmem>>
      tpu.wait_dma2 semaphore(%run_scoped3A_216 : memref<!tpu.dma_semaphore, #tpu.memory_space<semaphore_mem>>) src(%dma_wait3A_240 : memref<64x128xf32, #tpu.memory_space<vmem>>) dst(%dma_wait3A_236 : memref<64x128xf32, #tpu.memory_space<vmem_shared>>)
      tpu.yield
    }) : () -> ()
    %mul3A_36 = arith.constant 640 : i32
    %mul3A_37 = arith.muli %arg1, %mul3A_36 : i32
    %add3A_38 = arith.constant 384 : i32
    %add3A_39 = arith.addi %mul3A_37, %add3A_38 : i32
    %run_scoped3A_40 = arith.constant 0 : i32
    "tpu.region"() ({
      %run_scoped3A_216 = tpu.sem_alloc : memref<!tpu.dma_semaphore, #tpu.memory_space<semaphore_mem>>
      %dma_start3A_217 = arith.constant 0 : i32
      %dma_start3A_218 = arith.constant 0 : i32
      %dma_start3A_219 = tpu.memref_slice %arg8[%run_scoped3A_40, %dma_start3A_217, %dma_start3A_218] : memref<5x64x128xf32, #tpu.memory_space<vmem>> -> memref<1x64x128xf32, #tpu.memory_space<vmem>>
      %dma_start3A_220 = tpu.memref_squeeze %dma_start3A_219 : memref<1x64x128xf32, #tpu.memory_space<vmem>> -> memref<64x128xf32, #tpu.memory_space<vmem>>
      %dma_start3A_221 = arith.constant 0 : i32
      %dma_start3A_222 = tpu.memref_slice %arg9[%add3A_39, %dma_start3A_221] : memref<10240x128xf32, #tpu.memory_space<vmem_shared>> -> memref<64x128xf32, #tpu.memory_space<vmem_shared>>
      %dma_start3A_223 = arith.constant 0 : i32
      %dma_start3A_224 = tpu.memref_slice %arg9[%add3A_39, %dma_start3A_223] : memref<10240x128xf32, #tpu.memory_space<vmem_shared>> -> memref<64x128xf32, #tpu.memory_space<vmem_shared>>
      %dma_start3A_225 = arith.constant 0 : i32
      %dma_start3A_226 = arith.constant 0 : i32
      %dma_start3A_227 = tpu.memref_slice %arg8[%run_scoped3A_40, %dma_start3A_225, %dma_start3A_226] : memref<5x64x128xf32, #tpu.memory_space<vmem>> -> memref<1x64x128xf32, #tpu.memory_space<vmem>>
      %dma_start3A_228 = tpu.memref_squeeze %dma_start3A_227 : memref<1x64x128xf32, #tpu.memory_space<vmem>> -> memref<64x128xf32, #tpu.memory_space<vmem>>
      tpu.enqueue_dma source(%dma_start3A_228 : memref<64x128xf32, #tpu.memory_space<vmem>>) target(%dma_start3A_224 : memref<64x128xf32, #tpu.memory_space<vmem_shared>>) target_semaphore(%run_scoped3A_216 : memref<!tpu.dma_semaphore, #tpu.memory_space<semaphore_mem>>)
      %dma_wait3A_229 = arith.constant 0 : i32
      %dma_wait3A_230 = arith.constant 0 : i32
      %dma_wait3A_231 = tpu.memref_slice %arg8[%run_scoped3A_40, %dma_wait3A_229, %dma_wait3A_230] : memref<5x64x128xf32, #tpu.memory_space<vmem>> -> memref<1x64x128xf32, #tpu.memory_space<vmem>>
      %dma_wait3A_232 = tpu.memref_squeeze %dma_wait3A_231 : memref<1x64x128xf32, #tpu.memory_space<vmem>> -> memref<64x128xf32, #tpu.memory_space<vmem>>
      %dma_wait3A_233 = arith.constant 0 : i32
      %dma_wait3A_234 = tpu.memref_slice %arg9[%add3A_39, %dma_wait3A_233] : memref<10240x128xf32, #tpu.memory_space<vmem_shared>> -> memref<64x128xf32, #tpu.memory_space<vmem_shared>>
      %dma_wait3A_235 = arith.constant 0 : i32
      %dma_wait3A_236 = tpu.memref_slice %arg9[%add3A_39, %dma_wait3A_235] : memref<10240x128xf32, #tpu.memory_space<vmem_shared>> -> memref<64x128xf32, #tpu.memory_space<vmem_shared>>
      %dma_wait3A_237 = arith.constant 0 : i32
      %dma_wait3A_238 = arith.constant 0 : i32
      %dma_wait3A_239 = tpu.memref_slice %arg8[%run_scoped3A_40, %dma_wait3A_237, %dma_wait3A_238] : memref<5x64x128xf32, #tpu.memory_space<vmem>> -> memref<1x64x128xf32, #tpu.memory_space<vmem>>
      %dma_wait3A_240 = tpu.memref_squeeze %dma_wait3A_239 : memref<1x64x128xf32, #tpu.memory_space<vmem>> -> memref<64x128xf32, #tpu.memory_space<vmem>>
      tpu.wait_dma2 semaphore(%run_scoped3A_216 : memref<!tpu.dma_semaphore, #tpu.memory_space<semaphore_mem>>) src(%dma_wait3A_240 : memref<64x128xf32, #tpu.memory_space<vmem>>) dst(%dma_wait3A_236 : memref<64x128xf32, #tpu.memory_space<vmem_shared>>)
      tpu.yield
    }) : () -> ()
    %mul3A_41 = arith.constant 640 : i32
    %mul3A_42 = arith.muli %arg1, %mul3A_41 : i32
    %add3A_43 = arith.constant 448 : i32
    %add3A_44 = arith.addi %mul3A_42, %add3A_43 : i32
    %run_scoped3A_45 = arith.constant 0 : i32
    "tpu.region"() ({
      %run_scoped3A_216 = tpu.sem_alloc : memref<!tpu.dma_semaphore, #tpu.memory_space<semaphore_mem>>
      %dma_start3A_217 = arith.constant 0 : i32
      %dma_start3A_218 = arith.constant 0 : i32
      %dma_start3A_219 = tpu.memref_slice %arg8[%run_scoped3A_45, %dma_start3A_217, %dma_start3A_218] : memref<5x64x128xf32, #tpu.memory_space<vmem>> -> memref<1x64x128xf32, #tpu.memory_space<vmem>>
      %dma_start3A_220 = tpu.memref_squeeze %dma_start3A_219 : memref<1x64x128xf32, #tpu.memory_space<vmem>> -> memref<64x128xf32, #tpu.memory_space<vmem>>
      %dma_start3A_221 = arith.constant 0 : i32
      %dma_start3A_222 = tpu.memref_slice %arg9[%add3A_44, %dma_start3A_221] : memref<10240x128xf32, #tpu.memory_space<vmem_shared>> -> memref<64x128xf32, #tpu.memory_space<vmem_shared>>
      %dma_start3A_223 = arith.constant 0 : i32
      %dma_start3A_224 = tpu.memref_slice %arg9[%add3A_44, %dma_start3A_223] : memref<10240x128xf32, #tpu.memory_space<vmem_shared>> -> memref<64x128xf32, #tpu.memory_space<vmem_shared>>
      %dma_start3A_225 = arith.constant 0 : i32
      %dma_start3A_226 = arith.constant 0 : i32
      %dma_start3A_227 = tpu.memref_slice %arg8[%run_scoped3A_45, %dma_start3A_225, %dma_start3A_226] : memref<5x64x128xf32, #tpu.memory_space<vmem>> -> memref<1x64x128xf32, #tpu.memory_space<vmem>>
      %dma_start3A_228 = tpu.memref_squeeze %dma_start3A_227 : memref<1x64x128xf32, #tpu.memory_space<vmem>> -> memref<64x128xf32, #tpu.memory_space<vmem>>
      tpu.enqueue_dma source(%dma_start3A_228 : memref<64x128xf32, #tpu.memory_space<vmem>>) target(%dma_start3A_224 : memref<64x128xf32, #tpu.memory_space<vmem_shared>>) target_semaphore(%run_scoped3A_216 : memref<!tpu.dma_semaphore, #tpu.memory_space<semaphore_mem>>)
      %dma_wait3A_229 = arith.constant 0 : i32
      %dma_wait3A_230 = arith.constant 0 : i32
      %dma_wait3A_231 = tpu.memref_slice %arg8[%run_scoped3A_45, %dma_wait3A_229, %dma_wait3A_230] : memref<5x64x128xf32, #tpu.memory_space<vmem>> -> memref<1x64x128xf32, #tpu.memory_space<vmem>>
      %dma_wait3A_232 = tpu.memref_squeeze %dma_wait3A_231 : memref<1x64x128xf32, #tpu.memory_space<vmem>> -> memref<64x128xf32, #tpu.memory_space<vmem>>
      %dma_wait3A_233 = arith.constant 0 : i32
      %dma_wait3A_234 = tpu.memref_slice %arg9[%add3A_44, %dma_wait3A_233] : memref<10240x128xf32, #tpu.memory_space<vmem_shared>> -> memref<64x128xf32, #tpu.memory_space<vmem_shared>>
      %dma_wait3A_235 = arith.constant 0 : i32
      %dma_wait3A_236 = tpu.memref_slice %arg9[%add3A_44, %dma_wait3A_235] : memref<10240x128xf32, #tpu.memory_space<vmem_shared>> -> memref<64x128xf32, #tpu.memory_space<vmem_shared>>
      %dma_wait3A_237 = arith.constant 0 : i32
      %dma_wait3A_238 = arith.constant 0 : i32
      %dma_wait3A_239 = tpu.memref_slice %arg8[%run_scoped3A_45, %dma_wait3A_237, %dma_wait3A_238] : memref<5x64x128xf32, #tpu.memory_space<vmem>> -> memref<1x64x128xf32, #tpu.memory_space<vmem>>
      %dma_wait3A_240 = tpu.memref_squeeze %dma_wait3A_239 : memref<1x64x128xf32, #tpu.memory_space<vmem>> -> memref<64x128xf32, #tpu.memory_space<vmem>>
      tpu.wait_dma2 semaphore(%run_scoped3A_216 : memref<!tpu.dma_semaphore, #tpu.memory_space<semaphore_mem>>) src(%dma_wait3A_240 : memref<64x128xf32, #tpu.memory_space<vmem>>) dst(%dma_wait3A_236 : memref<64x128xf32, #tpu.memory_space<vmem_shared>>)
      tpu.yield
    }) : () -> ()
    %mul3A_46 = arith.constant 640 : i32
    %mul3A_47 = arith.muli %arg1, %mul3A_46 : i32
    %add3A_48 = arith.constant 512 : i32
    %add3A_49 = arith.addi %mul3A_47, %add3A_48 : i32
    %run_scoped3A_50 = arith.constant 0 : i32
    "tpu.region"() ({
      %run_scoped3A_216 = tpu.sem_alloc : memref<!tpu.dma_semaphore, #tpu.memory_space<semaphore_mem>>
      %dma_start3A_217 = arith.constant 0 : i32
      %dma_start3A_218 = arith.constant 0 : i32
      %dma_start3A_219 = tpu.memref_slice %arg8[%run_scoped3A_50, %dma_start3A_217, %dma_start3A_218] : memref<5x64x128xf32, #tpu.memory_space<vmem>> -> memref<1x64x128xf32, #tpu.memory_space<vmem>>
      %dma_start3A_220 = tpu.memref_squeeze %dma_start3A_219 : memref<1x64x128xf32, #tpu.memory_space<vmem>> -> memref<64x128xf32, #tpu.memory_space<vmem>>
      %dma_start3A_221 = arith.constant 0 : i32
      %dma_start3A_222 = tpu.memref_slice %arg9[%add3A_49, %dma_start3A_221] : memref<10240x128xf32, #tpu.memory_space<vmem_shared>> -> memref<64x128xf32, #tpu.memory_space<vmem_shared>>
      %dma_start3A_223 = arith.constant 0 : i32
      %dma_start3A_224 = tpu.memref_slice %arg9[%add3A_49, %dma_start3A_223] : memref<10240x128xf32, #tpu.memory_space<vmem_shared>> -> memref<64x128xf32, #tpu.memory_space<vmem_shared>>
      %dma_start3A_225 = arith.constant 0 : i32
      %dma_start3A_226 = arith.constant 0 : i32
      %dma_start3A_227 = tpu.memref_slice %arg8[%run_scoped3A_50, %dma_start3A_225, %dma_start3A_226] : memref<5x64x128xf32, #tpu.memory_space<vmem>> -> memref<1x64x128xf32, #tpu.memory_space<vmem>>
      %dma_start3A_228 = tpu.memref_squeeze %dma_start3A_227 : memref<1x64x128xf32, #tpu.memory_space<vmem>> -> memref<64x128xf32, #tpu.memory_space<vmem>>
      tpu.enqueue_dma source(%dma_start3A_228 : memref<64x128xf32, #tpu.memory_space<vmem>>) target(%dma_start3A_224 : memref<64x128xf32, #tpu.memory_space<vmem_shared>>) target_semaphore(%run_scoped3A_216 : memref<!tpu.dma_semaphore, #tpu.memory_space<semaphore_mem>>)
      %dma_wait3A_229 = arith.constant 0 : i32
      %dma_wait3A_230 = arith.constant 0 : i32
      %dma_wait3A_231 = tpu.memref_slice %arg8[%run_scoped3A_50, %dma_wait3A_229, %dma_wait3A_230] : memref<5x64x128xf32, #tpu.memory_space<vmem>> -> memref<1x64x128xf32, #tpu.memory_space<vmem>>
      %dma_wait3A_232 = tpu.memref_squeeze %dma_wait3A_231 : memref<1x64x128xf32, #tpu.memory_space<vmem>> -> memref<64x128xf32, #tpu.memory_space<vmem>>
      %dma_wait3A_233 = arith.constant 0 : i32
      %dma_wait3A_234 = tpu.memref_slice %arg9[%add3A_49, %dma_wait3A_233] : memref<10240x128xf32, #tpu.memory_space<vmem_shared>> -> memref<64x128xf32, #tpu.memory_space<vmem_shared>>
      %dma_wait3A_235 = arith.constant 0 : i32
      %dma_wait3A_236 = tpu.memref_slice %arg9[%add3A_49, %dma_wait3A_235] : memref<10240x128xf32, #tpu.memory_space<vmem_shared>> -> memref<64x128xf32, #tpu.memory_space<vmem_shared>>
      %dma_wait3A_237 = arith.constant 0 : i32
      %dma_wait3A_238 = arith.constant 0 : i32
      %dma_wait3A_239 = tpu.memref_slice %arg8[%run_scoped3A_50, %dma_wait3A_237, %dma_wait3A_238] : memref<5x64x128xf32, #tpu.memory_space<vmem>> -> memref<1x64x128xf32, #tpu.memory_space<vmem>>
      %dma_wait3A_240 = tpu.memref_squeeze %dma_wait3A_239 : memref<1x64x128xf32, #tpu.memory_space<vmem>> -> memref<64x128xf32, #tpu.memory_space<vmem>>
      tpu.wait_dma2 semaphore(%run_scoped3A_216 : memref<!tpu.dma_semaphore, #tpu.memory_space<semaphore_mem>>) src(%dma_wait3A_240 : memref<64x128xf32, #tpu.memory_space<vmem>>) dst(%dma_wait3A_236 : memref<64x128xf32, #tpu.memory_space<vmem_shared>>)
      tpu.yield
    }) : () -> ()
    %mul3A_51 = arith.constant 640 : i32
    %mul3A_52 = arith.muli %arg1, %mul3A_51 : i32
    %add3A_53 = arith.constant 576 : i32
    %add3A_54 = arith.addi %mul3A_52, %add3A_53 : i32
    %run_scoped3A_55 = arith.constant 0 : i32
    "tpu.region"() ({
      %run_scoped3A_216 = tpu.sem_alloc : memref<!tpu.dma_semaphore, #tpu.memory_space<semaphore_mem>>
      %dma_start3A_217 = arith.constant 0 : i32
      %dma_start3A_218 = arith.constant 0 : i32
      %dma_start3A_219 = tpu.memref_slice %arg8[%run_scoped3A_55, %dma_start3A_217, %dma_start3A_218] : memref<5x64x128xf32, #tpu.memory_space<vmem>> -> memref<1x64x128xf32, #tpu.memory_space<vmem>>
      %dma_start3A_220 = tpu.memref_squeeze %dma_start3A_219 : memref<1x64x128xf32, #tpu.memory_space<vmem>> -> memref<64x128xf32, #tpu.memory_space<vmem>>
      %dma_start3A_221 = arith.constant 0 : i32
      %dma_start3A_222 = tpu.memref_slice %arg9[%add3A_54, %dma_start3A_221] : memref<10240x128xf32, #tpu.memory_space<vmem_shared>> -> memref<64x128xf32, #tpu.memory_space<vmem_shared>>
      %dma_start3A_223 = arith.constant 0 : i32
      %dma_start3A_224 = tpu.memref_slice %arg9[%add3A_54, %dma_start3A_223] : memref<10240x128xf32, #tpu.memory_space<vmem_shared>> -> memref<64x128xf32, #tpu.memory_space<vmem_shared>>
      %dma_start3A_225 = arith.constant 0 : i32
      %dma_start3A_226 = arith.constant 0 : i32
      %dma_start3A_227 = tpu.memref_slice %arg8[%run_scoped3A_55, %dma_start3A_225, %dma_start3A_226] : memref<5x64x128xf32, #tpu.memory_space<vmem>> -> memref<1x64x128xf32, #tpu.memory_space<vmem>>
      %dma_start3A_228 = tpu.memref_squeeze %dma_start3A_227 : memref<1x64x128xf32, #tpu.memory_space<vmem>> -> memref<64x128xf32, #tpu.memory_space<vmem>>
      tpu.enqueue_dma source(%dma_start3A_228 : memref<64x128xf32, #tpu.memory_space<vmem>>) target(%dma_start3A_224 : memref<64x128xf32, #tpu.memory_space<vmem_shared>>) target_semaphore(%run_scoped3A_216 : memref<!tpu.dma_semaphore, #tpu.memory_space<semaphore_mem>>)
      %dma_wait3A_229 = arith.constant 0 : i32
      %dma_wait3A_230 = arith.constant 0 : i32
      %dma_wait3A_231 = tpu.memref_slice %arg8[%run_scoped3A_55, %dma_wait3A_229, %dma_wait3A_230] : memref<5x64x128xf32, #tpu.memory_space<vmem>> -> memref<1x64x128xf32, #tpu.memory_space<vmem>>
      %dma_wait3A_232 = tpu.memref_squeeze %dma_wait3A_231 : memref<1x64x128xf32, #tpu.memory_space<vmem>> -> memref<64x128xf32, #tpu.memory_space<vmem>>
      %dma_wait3A_233 = arith.constant 0 : i32
      %dma_wait3A_234 = tpu.memref_slice %arg9[%add3A_54, %dma_wait3A_233] : memref<10240x128xf32, #tpu.memory_space<vmem_shared>> -> memref<64x128xf32, #tpu.memory_space<vmem_shared>>
      %dma_wait3A_235 = arith.constant 0 : i32
      %dma_wait3A_236 = tpu.memref_slice %arg9[%add3A_54, %dma_wait3A_235] : memref<10240x128xf32, #tpu.memory_space<vmem_shared>> -> memref<64x128xf32, #tpu.memory_space<vmem_shared>>
      %dma_wait3A_237 = arith.constant 0 : i32
      %dma_wait3A_238 = arith.constant 0 : i32
      %dma_wait3A_239 = tpu.memref_slice %arg8[%run_scoped3A_55, %dma_wait3A_237, %dma_wait3A_238] : memref<5x64x128xf32, #tpu.memory_space<vmem>> -> memref<1x64x128xf32, #tpu.memory_space<vmem>>
      %dma_wait3A_240 = tpu.memref_squeeze %dma_wait3A_239 : memref<1x64x128xf32, #tpu.memory_space<vmem>> -> memref<64x128xf32, #tpu.memory_space<vmem>>
      tpu.wait_dma2 semaphore(%run_scoped3A_216 : memref<!tpu.dma_semaphore, #tpu.memory_space<semaphore_mem>>) src(%dma_wait3A_240 : memref<64x128xf32, #tpu.memory_space<vmem>>) dst(%dma_wait3A_236 : memref<64x128xf32, #tpu.memory_space<vmem_shared>>)
      tpu.yield
    }) : () -> ()
    %rem3A = arith.constant 0 : i32
    %rem3A_56 = arith.constant 2 : i32
    %rem3A_57 = arith.remsi %rem3A, %rem3A_56 : i32
    %add3A_58 = arith.constant 0 : i32
    %add3A_59 = arith.addi %add3A_1, %add3A_58 : i32
    %dma_start3A = arith.constant 0 : i32
    %dma_start3A_60 = arith.constant 0 : i32
    %dma_start3A_61 = tpu.memref_slice %arg6[%rem3A_57, %dma_start3A, %dma_start3A_60] : memref<2x16x64xi32, #tpu.memory_space<vmem>> -> memref<1x16x64xi32, #tpu.memory_space<vmem>>
    %dma_start3A_62 = tpu.memref_squeeze %dma_start3A_61 : memref<1x16x64xi32, #tpu.memory_space<vmem>> -> memref<16x64xi32, #tpu.memory_space<vmem>>
    %dma_start3A_63 = arith.constant 0 : i32
    %dma_start3A_64 = tpu.memref_slice %arg3[%add3A_59, %dma_start3A_63] : memref<5120x64xi32, #tpu.memory_space<hbm>> -> memref<16x64xi32, #tpu.memory_space<hbm>>
    %dma_start3A_65 = arith.constant 0 : i32
    %dma_start3A_66 = arith.constant 0 : i32
    %dma_start3A_67 = tpu.memref_slice %arg6[%rem3A_57, %dma_start3A_65, %dma_start3A_66] : memref<2x16x64xi32, #tpu.memory_space<vmem>> -> memref<1x16x64xi32, #tpu.memory_space<vmem>>
    %dma_start3A_68 = tpu.memref_squeeze %dma_start3A_67 : memref<1x16x64xi32, #tpu.memory_space<vmem>> -> memref<16x64xi32, #tpu.memory_space<vmem>>
    %dma_start3A_69 = arith.constant 0 : i32
    %dma_start3A_70 = tpu.memref_slice %arg3[%add3A_59, %dma_start3A_69] : memref<5120x64xi32, #tpu.memory_space<hbm>> -> memref<16x64xi32, #tpu.memory_space<hbm>>
    tpu.enqueue_dma source(%dma_start3A_70 : memref<16x64xi32, #tpu.memory_space<hbm>>) target(%dma_start3A_68 : memref<16x64xi32, #tpu.memory_space<vmem>>) target_semaphore(%arg11 : memref<!tpu.dma_semaphore, #tpu.memory_space<semaphore_mem>>)
    %add3A_71 = arith.constant 0 : i32
    %add3A_72 = arith.addi %add3A_1, %add3A_71 : i32
    %dma_start3A_73 = arith.constant 0 : i32
    %dma_start3A_74 = arith.constant 0 : i32
    %dma_start3A_75 = tpu.memref_slice %arg7[%rem3A_57, %dma_start3A_73, %dma_start3A_74] : memref<2x16x64xi32, #tpu.memory_space<vmem>> -> memref<1x16x64xi32, #tpu.memory_space<vmem>>
    %dma_start3A_76 = tpu.memref_squeeze %dma_start3A_75 : memref<1x16x64xi32, #tpu.memory_space<vmem>> -> memref<16x64xi32, #tpu.memory_space<vmem>>
    %dma_start3A_77 = arith.constant 0 : i32
    %dma_start3A_78 = tpu.memref_slice %arg4[%add3A_72, %dma_start3A_77] : memref<5120x64xi32, #tpu.memory_space<hbm>> -> memref<16x64xi32, #tpu.memory_space<hbm>>
    %dma_start3A_79 = arith.constant 0 : i32
    %dma_start3A_80 = arith.constant 0 : i32
    %dma_start3A_81 = tpu.memref_slice %arg7[%rem3A_57, %dma_start3A_79, %dma_start3A_80] : memref<2x16x64xi32, #tpu.memory_space<vmem>> -> memref<1x16x64xi32, #tpu.memory_space<vmem>>
    %dma_start3A_82 = tpu.memref_squeeze %dma_start3A_81 : memref<1x16x64xi32, #tpu.memory_space<vmem>> -> memref<16x64xi32, #tpu.memory_space<vmem>>
    %dma_start3A_83 = arith.constant 0 : i32
    %dma_start3A_84 = tpu.memref_slice %arg4[%add3A_72, %dma_start3A_83] : memref<5120x64xi32, #tpu.memory_space<hbm>> -> memref<16x64xi32, #tpu.memory_space<hbm>>
    tpu.enqueue_dma source(%dma_start3A_84 : memref<16x64xi32, #tpu.memory_space<hbm>>) target(%dma_start3A_82 : memref<16x64xi32, #tpu.memory_space<vmem>>) target_semaphore(%arg11 : memref<!tpu.dma_semaphore, #tpu.memory_space<semaphore_mem>>)
    %rem3A_85 = arith.constant 0 : i32
    %rem3A_86 = arith.constant 2 : i32
    %rem3A_87 = arith.remsi %rem3A_85, %rem3A_86 : i32
    %add3A_88 = arith.constant 0 : i32
    %add3A_89 = arith.addi %add3A_1, %add3A_88 : i32
    %dma_wait3A = arith.constant 0 : i32
    %dma_wait3A_90 = arith.constant 0 : i32
    %dma_wait3A_91 = tpu.memref_slice %arg6[%rem3A_87, %dma_wait3A, %dma_wait3A_90] : memref<2x16x64xi32, #tpu.memory_space<vmem>> -> memref<1x16x64xi32, #tpu.memory_space<vmem>>
    %dma_wait3A_92 = tpu.memref_squeeze %dma_wait3A_91 : memref<1x16x64xi32, #tpu.memory_space<vmem>> -> memref<16x64xi32, #tpu.memory_space<vmem>>
    %dma_wait3A_93 = arith.constant 0 : i32
    %dma_wait3A_94 = tpu.memref_slice %arg3[%add3A_89, %dma_wait3A_93] : memref<5120x64xi32, #tpu.memory_space<hbm>> -> memref<16x64xi32, #tpu.memory_space<hbm>>
    %dma_wait3A_95 = arith.constant 0 : i32
    %dma_wait3A_96 = arith.constant 0 : i32
    %dma_wait3A_97 = tpu.memref_slice %arg6[%rem3A_87, %dma_wait3A_95, %dma_wait3A_96] : memref<2x16x64xi32, #tpu.memory_space<vmem>> -> memref<1x16x64xi32, #tpu.memory_space<vmem>>
    %dma_wait3A_98 = tpu.memref_squeeze %dma_wait3A_97 : memref<1x16x64xi32, #tpu.memory_space<vmem>> -> memref<16x64xi32, #tpu.memory_space<vmem>>
    %dma_wait3A_99 = arith.constant 0 : i32
    %dma_wait3A_100 = tpu.memref_slice %arg3[%add3A_89, %dma_wait3A_99] : memref<5120x64xi32, #tpu.memory_space<hbm>> -> memref<16x64xi32, #tpu.memory_space<hbm>>
    tpu.wait_dma2 semaphore(%arg11 : memref<!tpu.dma_semaphore, #tpu.memory_space<semaphore_mem>>) src(%dma_wait3A_100 : memref<16x64xi32, #tpu.memory_space<hbm>>) dst(%dma_wait3A_98 : memref<16x64xi32, #tpu.memory_space<vmem>>)
    %add3A_101 = arith.constant 0 : i32
    %add3A_102 = arith.addi %add3A_1, %add3A_101 : i32
    %dma_wait3A_103 = arith.constant 0 : i32
    %dma_wait3A_104 = arith.constant 0 : i32
    %dma_wait3A_105 = tpu.memref_slice %arg7[%rem3A_87, %dma_wait3A_103, %dma_wait3A_104] : memref<2x16x64xi32, #tpu.memory_space<vmem>> -> memref<1x16x64xi32, #tpu.memory_space<vmem>>
    %dma_wait3A_106 = tpu.memref_squeeze %dma_wait3A_105 : memref<1x16x64xi32, #tpu.memory_space<vmem>> -> memref<16x64xi32, #tpu.memory_space<vmem>>
    %dma_wait3A_107 = arith.constant 0 : i32
    %dma_wait3A_108 = tpu.memref_slice %arg4[%add3A_102, %dma_wait3A_107] : memref<5120x64xi32, #tpu.memory_space<hbm>> -> memref<16x64xi32, #tpu.memory_space<hbm>>
    %dma_wait3A_109 = arith.constant 0 : i32
    %dma_wait3A_110 = arith.constant 0 : i32
    %dma_wait3A_111 = tpu.memref_slice %arg7[%rem3A_87, %dma_wait3A_109, %dma_wait3A_110] : memref<2x16x64xi32, #tpu.memory_space<vmem>> -> memref<1x16x64xi32, #tpu.memory_space<vmem>>
    %dma_wait3A_112 = tpu.memref_squeeze %dma_wait3A_111 : memref<1x16x64xi32, #tpu.memory_space<vmem>> -> memref<16x64xi32, #tpu.memory_space<vmem>>
    %dma_wait3A_113 = arith.constant 0 : i32
    %dma_wait3A_114 = tpu.memref_slice %arg4[%add3A_102, %dma_wait3A_113] : memref<5120x64xi32, #tpu.memory_space<hbm>> -> memref<16x64xi32, #tpu.memory_space<hbm>>
    tpu.wait_dma2 semaphore(%arg11 : memref<!tpu.dma_semaphore, #tpu.memory_space<semaphore_mem>>) src(%dma_wait3A_114 : memref<16x64xi32, #tpu.memory_space<hbm>>) dst(%dma_wait3A_112 : memref<16x64xi32, #tpu.memory_space<vmem>>)
    %rem3A_115 = arith.constant 0 : i32
    %rem3A_116 = arith.constant 2 : i32
    %rem3A_117 = arith.remsi %rem3A_115, %rem3A_116 : i32
    %dma_start3A_118 = arith.constant 0 : i32
    %dma_start3A_119 = arith.constant 0 : i32
    %dma_start3A_120 = arith.constant 0 : i32
    %dma_start3A_121 = arith.constant 0 : i32
    %dma_start3A_122 = arith.constant 0 : i32
    %dma_start3A_123 = tpu.memref_slice %arg8[%dma_start3A_119, %dma_start3A_121, %dma_start3A_122] : memref<5x64x128xf32, #tpu.memory_space<vmem>> -> memref<1x64x128xf32, #tpu.memory_space<vmem>>
    %dma_start3A_124 = tpu.memref_squeeze %dma_start3A_123 : memref<1x64x128xf32, #tpu.memory_space<vmem>> -> memref<64x128xf32, #tpu.memory_space<vmem>>
    %dma_start3A_125 = arith.constant 0 : i32
    %dma_start3A_126 = tpu.memref_slice %arg6[%rem3A_117, %dma_start3A_118, %dma_start3A_125] : memref<2x16x64xi32, #tpu.memory_space<vmem>> -> memref<1x1x64xi32, #tpu.memory_space<vmem>>
    %dma_start3A_127 = tpu.memref_squeeze %dma_start3A_126 : memref<1x1x64xi32, #tpu.memory_space<vmem>> -> memref<64xi32, #tpu.memory_space<vmem>>
    %dma_start3A_128 = arith.constant 0 : i32
    %dma_start3A_129 = arith.constant 0 : i32
    %dma_start3A_130 = tpu.memref_slice %arg2[%arg0, %dma_start3A_128, %dma_start3A_129] : memref<2x10000x128xf32, #tpu.memory_space<hbm>> -> memref<1x10000x128xf32, #tpu.memory_space<hbm>>
    %dma_start3A_131 = tpu.memref_squeeze %dma_start3A_130 : memref<1x10000x128xf32, #tpu.memory_space<hbm>> -> memref<10000x128xf32, #tpu.memory_space<hbm>>
    %dma_start3A_132 = arith.constant 0 : i32
    %dma_start3A_133 = arith.constant 0 : i32
    %dma_start3A_134 = tpu.memref_slice %dma_start3A_131[%dma_start3A_132, %dma_start3A_133] : memref<10000x128xf32, #tpu.memory_space<hbm>> -> memref<10000x128xf32, #tpu.memory_space<hbm>>
    %dma_start3A_135 = tpu.memref_slice %arg10[%dma_start3A_120] : memref<5x!tpu.dma_semaphore, #tpu.memory_space<semaphore_mem>> -> memref<1x!tpu.dma_semaphore, #tpu.memory_space<semaphore_mem>>
    %dma_start3A_136 = tpu.memref_squeeze %dma_start3A_135 : memref<1x!tpu.dma_semaphore, #tpu.memory_space<semaphore_mem>> -> memref<!tpu.dma_semaphore, #tpu.memory_space<semaphore_mem>>
    tpu.enqueue_indirect_dma source(%dma_start3A_134 : memref<10000x128xf32, #tpu.memory_space<hbm>>) target(%dma_start3A_124 : memref<64x128xf32, #tpu.memory_space<vmem>>) offsets(%dma_start3A_127 : memref<64xi32, #tpu.memory_space<vmem>>) semaphore(%dma_start3A_136 : memref<!tpu.dma_semaphore, #tpu.memory_space<semaphore_mem>>)
    %rem3A_137 = arith.constant 0 : i32
    %rem3A_138 = arith.constant 2 : i32
    %rem3A_139 = arith.remsi %rem3A_137, %rem3A_138 : i32
    %dma_start3A_140 = arith.constant 1 : i32
    %dma_start3A_141 = arith.constant 1 : i32
    %dma_start3A_142 = arith.constant 1 : i32
    %dma_start3A_143 = arith.constant 0 : i32
    %dma_start3A_144 = arith.constant 0 : i32
    %dma_start3A_145 = tpu.memref_slice %arg8[%dma_start3A_141, %dma_start3A_143, %dma_start3A_144] : memref<5x64x128xf32, #tpu.memory_space<vmem>> -> memref<1x64x128xf32, #tpu.memory_space<vmem>>
    %dma_start3A_146 = tpu.memref_squeeze %dma_start3A_145 : memref<1x64x128xf32, #tpu.memory_space<vmem>> -> memref<64x128xf32, #tpu.memory_space<vmem>>
    %dma_start3A_147 = arith.constant 0 : i32
    %dma_start3A_148 = tpu.memref_slice %arg6[%rem3A_139, %dma_start3A_140, %dma_start3A_147] : memref<2x16x64xi32, #tpu.memory_space<vmem>> -> memref<1x1x64xi32, #tpu.memory_space<vmem>>
    %dma_start3A_149 = tpu.memref_squeeze %dma_start3A_148 : memref<1x1x64xi32, #tpu.memory_space<vmem>> -> memref<64xi32, #tpu.memory_space<vmem>>
    %dma_start3A_150 = arith.constant 0 : i32
    %dma_start3A_151 = arith.constant 0 : i32
    %dma_start3A_152 = tpu.memref_slice %arg2[%arg0, %dma_start3A_150, %dma_start3A_151] : memref<2x10000x128xf32, #tpu.memory_space<hbm>> -> memref<1x10000x128xf32, #tpu.memory_space<hbm>>
    %dma_start3A_153 = tpu.memref_squeeze %dma_start3A_152 : memref<1x10000x128xf32, #tpu.memory_space<hbm>> -> memref<10000x128xf32, #tpu.memory_space<hbm>>
    %dma_start3A_154 = arith.constant 0 : i32
    %dma_start3A_155 = arith.constant 0 : i32
    %dma_start3A_156 = tpu.memref_slice %dma_start3A_153[%dma_start3A_154, %dma_start3A_155] : memref<10000x128xf32, #tpu.memory_space<hbm>> -> memref<10000x128xf32, #tpu.memory_space<hbm>>
    %dma_start3A_157 = tpu.memref_slice %arg10[%dma_start3A_142] : memref<5x!tpu.dma_semaphore, #tpu.memory_space<semaphore_mem>> -> memref<1x!tpu.dma_semaphore, #tpu.memory_space<semaphore_mem>>
    %dma_start3A_158 = tpu.memref_squeeze %dma_start3A_157 : memref<1x!tpu.dma_semaphore, #tpu.memory_space<semaphore_mem>> -> memref<!tpu.dma_semaphore, #tpu.memory_space<semaphore_mem>>
    tpu.enqueue_indirect_dma source(%dma_start3A_156 : memref<10000x128xf32, #tpu.memory_space<hbm>>) target(%dma_start3A_146 : memref<64x128xf32, #tpu.memory_space<vmem>>) offsets(%dma_start3A_149 : memref<64xi32, #tpu.memory_space<vmem>>) semaphore(%dma_start3A_158 : memref<!tpu.dma_semaphore, #tpu.memory_space<semaphore_mem>>)
    %rem3A_159 = arith.constant 0 : i32
    %rem3A_160 = arith.constant 2 : i32
    %rem3A_161 = arith.remsi %rem3A_159, %rem3A_160 : i32
    %dma_start3A_162 = arith.constant 2 : i32
    %dma_start3A_163 = arith.constant 2 : i32
    %dma_start3A_164 = arith.constant 2 : i32
    %dma_start3A_165 = arith.constant 0 : i32
    %dma_start3A_166 = arith.constant 0 : i32
    %dma_start3A_167 = tpu.memref_slice %arg8[%dma_start3A_163, %dma_start3A_165, %dma_start3A_166] : memref<5x64x128xf32, #tpu.memory_space<vmem>> -> memref<1x64x128xf32, #tpu.memory_space<vmem>>
    %dma_start3A_168 = tpu.memref_squeeze %dma_start3A_167 : memref<1x64x128xf32, #tpu.memory_space<vmem>> -> memref<64x128xf32, #tpu.memory_space<vmem>>
    %dma_start3A_169 = arith.constant 0 : i32
    %dma_start3A_170 = tpu.memref_slice %arg6[%rem3A_161, %dma_start3A_162, %dma_start3A_169] : memref<2x16x64xi32, #tpu.memory_space<vmem>> -> memref<1x1x64xi32, #tpu.memory_space<vmem>>
    %dma_start3A_171 = tpu.memref_squeeze %dma_start3A_170 : memref<1x1x64xi32, #tpu.memory_space<vmem>> -> memref<64xi32, #tpu.memory_space<vmem>>
    %dma_start3A_172 = arith.constant 0 : i32
    %dma_start3A_173 = arith.constant 0 : i32
    %dma_start3A_174 = tpu.memref_slice %arg2[%arg0, %dma_start3A_172, %dma_start3A_173] : memref<2x10000x128xf32, #tpu.memory_space<hbm>> -> memref<1x10000x128xf32, #tpu.memory_space<hbm>>
    %dma_start3A_175 = tpu.memref_squeeze %dma_start3A_174 : memref<1x10000x128xf32, #tpu.memory_space<hbm>> -> memref<10000x128xf32, #tpu.memory_space<hbm>>
    %dma_start3A_176 = arith.constant 0 : i32
    %dma_start3A_177 = arith.constant 0 : i32
    %dma_start3A_178 = tpu.memref_slice %dma_start3A_175[%dma_start3A_176, %dma_start3A_177] : memref<10000x128xf32, #tpu.memory_space<hbm>> -> memref<10000x128xf32, #tpu.memory_space<hbm>>
    %dma_start3A_179 = tpu.memref_slice %arg10[%dma_start3A_164] : memref<5x!tpu.dma_semaphore, #tpu.memory_space<semaphore_mem>> -> memref<1x!tpu.dma_semaphore, #tpu.memory_space<semaphore_mem>>
    %dma_start3A_180 = tpu.memref_squeeze %dma_start3A_179 : memref<1x!tpu.dma_semaphore, #tpu.memory_space<semaphore_mem>> -> memref<!tpu.dma_semaphore, #tpu.memory_space<semaphore_mem>>
    tpu.enqueue_indirect_dma source(%dma_start3A_178 : memref<10000x128xf32, #tpu.memory_space<hbm>>) target(%dma_start3A_168 : memref<64x128xf32, #tpu.memory_space<vmem>>) offsets(%dma_start3A_171 : memref<64xi32, #tpu.memory_space<vmem>>) semaphore(%dma_start3A_180 : memref<!tpu.dma_semaphore, #tpu.memory_space<semaphore_mem>>)
    %rem3A_181 = arith.constant 0 : i32
    %rem3A_182 = arith.constant 2 : i32
    %rem3A_183 = arith.remsi %rem3A_181, %rem3A_182 : i32
    %dma_start3A_184 = arith.constant 3 : i32
    %dma_start3A_185 = arith.constant 3 : i32
    %dma_start3A_186 = arith.constant 3 : i32
    %dma_start3A_187 = arith.constant 0 : i32
    %dma_start3A_188 = arith.constant 0 : i32
    %dma_start3A_189 = tpu.memref_slice %arg8[%dma_start3A_185, %dma_start3A_187, %dma_start3A_188] : memref<5x64x128xf32, #tpu.memory_space<vmem>> -> memref<1x64x128xf32, #tpu.memory_space<vmem>>
    %dma_start3A_190 = tpu.memref_squeeze %dma_start3A_189 : memref<1x64x128xf32, #tpu.memory_space<vmem>> -> memref<64x128xf32, #tpu.memory_space<vmem>>
    %dma_start3A_191 = arith.constant 0 : i32
    %dma_start3A_192 = tpu.memref_slice %arg6[%rem3A_183, %dma_start3A_184, %dma_start3A_191] : memref<2x16x64xi32, #tpu.memory_space<vmem>> -> memref<1x1x64xi32, #tpu.memory_space<vmem>>
    %dma_start3A_193 = tpu.memref_squeeze %dma_start3A_192 : memref<1x1x64xi32, #tpu.memory_space<vmem>> -> memref<64xi32, #tpu.memory_space<vmem>>
    %dma_start3A_194 = arith.constant 0 : i32
    %dma_start3A_195 = arith.constant 0 : i32
    %dma_start3A_196 = tpu.memref_slice %arg2[%arg0, %dma_start3A_194, %dma_start3A_195] : memref<2x10000x128xf32, #tpu.memory_space<hbm>> -> memref<1x10000x128xf32, #tpu.memory_space<hbm>>
    %dma_start3A_197 = tpu.memref_squeeze %dma_start3A_196 : memref<1x10000x128xf32, #tpu.memory_space<hbm>> -> memref<10000x128xf32, #tpu.memory_space<hbm>>
    %dma_start3A_198 = arith.constant 0 : i32
    %dma_start3A_199 = arith.constant 0 : i32
    %dma_start3A_200 = tpu.memref_slice %dma_start3A_197[%dma_start3A_198, %dma_start3A_199] : memref<10000x128xf32, #tpu.memory_space<hbm>> -> memref<10000x128xf32, #tpu.memory_space<hbm>>
    %dma_start3A_201 = tpu.memref_slice %arg10[%dma_start3A_186] : memref<5x!tpu.dma_semaphore, #tpu.memory_space<semaphore_mem>> -> memref<1x!tpu.dma_semaphore, #tpu.memory_space<semaphore_mem>>
    %dma_start3A_202 = tpu.memref_squeeze %dma_start3A_201 : memref<1x!tpu.dma_semaphore, #tpu.memory_space<semaphore_mem>> -> memref<!tpu.dma_semaphore, #tpu.memory_space<semaphore_mem>>
    tpu.enqueue_indirect_dma source(%dma_start3A_200 : memref<10000x128xf32, #tpu.memory_space<hbm>>) target(%dma_start3A_190 : memref<64x128xf32, #tpu.memory_space<vmem>>) offsets(%dma_start3A_193 : memref<64xi32, #tpu.memory_space<vmem>>) semaphore(%dma_start3A_202 : memref<!tpu.dma_semaphore, #tpu.memory_space<semaphore_mem>>)
    %barrier3A = arith.constant 0 : index
    tpu.barrier barrier_id(%barrier3A)
    %scan3A_203 = arith.constant 0 : i32
    %scan3A_204 = arith.constant 0 : i32
    %scan3A_205 = arith.constant 320 : i32
    %scan3A_206 = arith.addi %scan3A_204, %scan3A_205 : i32
    %scan3A_207 = arith.constant 1 : i32
    scf.for %scan3A_216 = %scan3A_204 to %scan3A_206 step %scan3A_207  : i32 {
      %jit3A = arith.constant 16 : i32
      %div3A = arith.divsi %scan3A_216, %jit3A : i32
      %sign3A = arith.constant 0 : i32
      %sign3A_217 = arith.cmpi sgt, %scan3A_216, %sign3A : i32
      %sign3A_218 = arith.extui %sign3A_217 : i1 to i32
      %sign3A_219 = arith.constant 0 : i32
      %sign3A_220 = arith.cmpi slt, %scan3A_216, %sign3A_219 : i32
      %sign3A_221 = arith.extui %sign3A_220 : i1 to i32
      %sign3A_222 = arith.subi %sign3A_218, %sign3A_221 : i32
      %sign3A_223 = arith.constant 0 : i32
      %sign3A_224 = arith.cmpi sgt, %jit3A, %sign3A_223 : i32
      %sign3A_225 = arith.extui %sign3A_224 : i1 to i32
      %sign3A_226 = arith.constant 0 : i32
      %sign3A_227 = arith.cmpi slt, %jit3A, %sign3A_226 : i32
      %sign3A_228 = arith.extui %sign3A_227 : i1 to i32
      %sign3A_229 = arith.subi %sign3A_225, %sign3A_228 : i32
      %ne3A = arith.cmpi ne, %sign3A_222, %sign3A_229 : i32
      %rem3A_230 = arith.remsi %scan3A_216, %jit3A : i32
      %ne3A_231 = arith.constant 0 : i32
      %ne3A_232 = arith.cmpi ne, %rem3A_230, %ne3A_231 : i32
      %and3A = arith.andi %ne3A, %ne3A_232 : i1
      %sub3A = arith.constant 1 : i32
      %sub3A_233 = arith.subi %div3A, %sub3A : i32
      %select_n3A = arith.select %and3A, %sub3A_233, %div3A : i32
      %mul3A_234 = arith.constant 16 : i32
      %mul3A_235 = arith.muli %select_n3A, %mul3A_234 : i32
      %sub3A_236 = arith.subi %scan3A_216, %mul3A_235 : i32
      %rem3A_237 = arith.constant 5 : i32
      %rem3A_238 = arith.remsi %scan3A_216, %rem3A_237 : i32
      %add3A_239 = arith.constant 4 : i32
      %add3A_240 = arith.addi %scan3A_216, %add3A_239 : i32
      %lt3A_241 = arith.constant 320 : i32
      %lt3A_242 = arith.cmpi slt, %add3A_240, %lt3A_241 : i32
      %convert_element_type3A_243 = arith.extui %lt3A_242 : i1 to i32
      %cond3A_244 = arith.constant 0 : i32
      %cond3A_245 = arith.cmpi ne, %convert_element_type3A_243, %cond3A_244 : i32
      scf.if %cond3A_245 {
        %jit3A_306 = arith.constant 16 : i32
        %div3A_307 = arith.divsi %add3A_240, %jit3A_306 : i32
        %sign3A_308 = arith.constant 0 : i32
        %sign3A_309 = arith.cmpi sgt, %add3A_240, %sign3A_308 : i32
        %sign3A_310 = arith.extui %sign3A_309 : i1 to i32
        %sign3A_311 = arith.constant 0 : i32
        %sign3A_312 = arith.cmpi slt, %add3A_240, %sign3A_311 : i32
        %sign3A_313 = arith.extui %sign3A_312 : i1 to i32
        %sign3A_314 = arith.subi %sign3A_310, %sign3A_313 : i32
        %sign3A_315 = arith.constant 0 : i32
        %sign3A_316 = arith.cmpi sgt, %jit3A_306, %sign3A_315 : i32
        %sign3A_317 = arith.extui %sign3A_316 : i1 to i32
        %sign3A_318 = arith.constant 0 : i32
        %sign3A_319 = arith.cmpi slt, %jit3A_306, %sign3A_318 : i32
        %sign3A_320 = arith.extui %sign3A_319 : i1 to i32
        %sign3A_321 = arith.subi %sign3A_317, %sign3A_320 : i32
        %ne3A_322 = arith.cmpi ne, %sign3A_314, %sign3A_321 : i32
        %rem3A_323 = arith.remsi %add3A_240, %jit3A_306 : i32
        %ne3A_324 = arith.constant 0 : i32
        %ne3A_325 = arith.cmpi ne, %rem3A_323, %ne3A_324 : i32
        %and3A_326 = arith.andi %ne3A_322, %ne3A_325 : i1
        %sub3A_327 = arith.constant 1 : i32
        %sub3A_328 = arith.subi %div3A_307, %sub3A_327 : i32
        %select_n3A_329 = arith.select %and3A_326, %sub3A_328, %div3A_307 : i32
        %mul3A_330 = arith.constant 16 : i32
        %mul3A_331 = arith.muli %select_n3A_329, %mul3A_330 : i32
        %eq3A_332 = arith.cmpi eq, %add3A_240, %mul3A_331 : i32
        %convert_element_type3A_333 = arith.extui %eq3A_332 : i1 to i32
        %cond3A_334 = arith.constant 0 : i32
        %cond3A_335 = arith.cmpi ne, %convert_element_type3A_333, %cond3A_334 : i32
        scf.if %cond3A_335 {
          %rem3A_383 = arith.constant 2 : i32
          %rem3A_384 = arith.remsi %select_n3A_329, %rem3A_383 : i32
          %mul3A_385 = arith.constant 16 : i32
          %mul3A_386 = arith.muli %select_n3A_329, %mul3A_385 : i32
          %add3A_387 = arith.addi %add3A_1, %mul3A_386 : i32
          %dma_wait3A_388 = arith.constant 0 : i32
          %dma_wait3A_389 = arith.constant 0 : i32
          %dma_wait3A_390 = tpu.memref_slice %arg6[%rem3A_384, %dma_wait3A_388, %dma_wait3A_389] : memref<2x16x64xi32, #tpu.memory_space<vmem>> -> memref<1x16x64xi32, #tpu.memory_space<vmem>>
          %dma_wait3A_391 = tpu.memref_squeeze %dma_wait3A_390 : memref<1x16x64xi32, #tpu.memory_space<vmem>> -> memref<16x64xi32, #tpu.memory_space<vmem>>
          %dma_wait3A_392 = arith.constant 0 : i32
          %dma_wait3A_393 = tpu.memref_slice %arg3[%add3A_387, %dma_wait3A_392] : memref<5120x64xi32, #tpu.memory_space<hbm>> -> memref<16x64xi32, #tpu.memory_space<hbm>>
          %dma_wait3A_394 = arith.constant 0 : i32
          %dma_wait3A_395 = arith.constant 0 : i32
          %dma_wait3A_396 = tpu.memref_slice %arg6[%rem3A_384, %dma_wait3A_394, %dma_wait3A_395] : memref<2x16x64xi32, #tpu.memory_space<vmem>> -> memref<1x16x64xi32, #tpu.memory_space<vmem>>
          %dma_wait3A_397 = tpu.memref_squeeze %dma_wait3A_396 : memref<1x16x64xi32, #tpu.memory_space<vmem>> -> memref<16x64xi32, #tpu.memory_space<vmem>>
          %dma_wait3A_398 = arith.constant 0 : i32
          %dma_wait3A_399 = tpu.memref_slice %arg3[%add3A_387, %dma_wait3A_398] : memref<5120x64xi32, #tpu.memory_space<hbm>> -> memref<16x64xi32, #tpu.memory_space<hbm>>
          tpu.wait_dma2 semaphore(%arg11 : memref<!tpu.dma_semaphore, #tpu.memory_space<semaphore_mem>>) src(%dma_wait3A_399 : memref<16x64xi32, #tpu.memory_space<hbm>>) dst(%dma_wait3A_397 : memref<16x64xi32, #tpu.memory_space<vmem>>)
          %mul3A_400 = arith.constant 16 : i32
          %mul3A_401 = arith.muli %select_n3A_329, %mul3A_400 : i32
          %add3A_402 = arith.addi %add3A_1, %mul3A_401 : i32
          %dma_wait3A_403 = arith.constant 0 : i32
          %dma_wait3A_404 = arith.constant 0 : i32
          %dma_wait3A_405 = tpu.memref_slice %arg7[%rem3A_384, %dma_wait3A_403, %dma_wait3A_404] : memref<2x16x64xi32, #tpu.memory_space<vmem>> -> memref<1x16x64xi32, #tpu.memory_space<vmem>>
          %dma_wait3A_406 = tpu.memref_squeeze %dma_wait3A_405 : memref<1x16x64xi32, #tpu.memory_space<vmem>> -> memref<16x64xi32, #tpu.memory_space<vmem>>
          %dma_wait3A_407 = arith.constant 0 : i32
          %dma_wait3A_408 = tpu.memref_slice %arg4[%add3A_402, %dma_wait3A_407] : memref<5120x64xi32, #tpu.memory_space<hbm>> -> memref<16x64xi32, #tpu.memory_space<hbm>>
          %dma_wait3A_409 = arith.constant 0 : i32
          %dma_wait3A_410 = arith.constant 0 : i32
          %dma_wait3A_411 = tpu.memref_slice %arg7[%rem3A_384, %dma_wait3A_409, %dma_wait3A_410] : memref<2x16x64xi32, #tpu.memory_space<vmem>> -> memref<1x16x64xi32, #tpu.memory_space<vmem>>
          %dma_wait3A_412 = tpu.memref_squeeze %dma_wait3A_411 : memref<1x16x64xi32, #tpu.memory_space<vmem>> -> memref<16x64xi32, #tpu.memory_space<vmem>>
          %dma_wait3A_413 = arith.constant 0 : i32
          %dma_wait3A_414 = tpu.memref_slice %arg4[%add3A_402, %dma_wait3A_413] : memref<5120x64xi32, #tpu.memory_space<hbm>> -> memref<16x64xi32, #tpu.memory_space<hbm>>
          tpu.wait_dma2 semaphore(%arg11 : memref<!tpu.dma_semaphore, #tpu.memory_space<semaphore_mem>>) src(%dma_wait3A_414 : memref<16x64xi32, #tpu.memory_space<hbm>>) dst(%dma_wait3A_412 : memref<16x64xi32, #tpu.memory_space<vmem>>)
        } else {
        }
        %rem3A_336 = arith.constant 5 : i32
        %rem3A_337 = arith.remsi %add3A_240, %rem3A_336 : i32
        %jit3A_338 = arith.constant 16 : i32
        %div3A_339 = arith.divsi %add3A_240, %jit3A_338 : i32
        %sign3A_340 = arith.constant 0 : i32
        %sign3A_341 = arith.cmpi sgt, %add3A_240, %sign3A_340 : i32
        %sign3A_342 = arith.extui %sign3A_341 : i1 to i32
        %sign3A_343 = arith.constant 0 : i32
        %sign3A_344 = arith.cmpi slt, %add3A_240, %sign3A_343 : i32
        %sign3A_345 = arith.extui %sign3A_344 : i1 to i32
        %sign3A_346 = arith.subi %sign3A_342, %sign3A_345 : i32
        %sign3A_347 = arith.constant 0 : i32
        %sign3A_348 = arith.cmpi sgt, %jit3A_338, %sign3A_347 : i32
        %sign3A_349 = arith.extui %sign3A_348 : i1 to i32
        %sign3A_350 = arith.constant 0 : i32
        %sign3A_351 = arith.cmpi slt, %jit3A_338, %sign3A_350 : i32
        %sign3A_352 = arith.extui %sign3A_351 : i1 to i32
        %sign3A_353 = arith.subi %sign3A_349, %sign3A_352 : i32
        %ne3A_354 = arith.cmpi ne, %sign3A_346, %sign3A_353 : i32
        %rem3A_355 = arith.remsi %add3A_240, %jit3A_338 : i32
        %ne3A_356 = arith.constant 0 : i32
        %ne3A_357 = arith.cmpi ne, %rem3A_355, %ne3A_356 : i32
        %and3A_358 = arith.andi %ne3A_354, %ne3A_357 : i1
        %sub3A_359 = arith.constant 1 : i32
        %sub3A_360 = arith.subi %div3A_339, %sub3A_359 : i32
        %select_n3A_361 = arith.select %and3A_358, %sub3A_360, %div3A_339 : i32
        %rem3A_362 = arith.constant 2 : i32
        %rem3A_363 = arith.remsi %select_n3A_361, %rem3A_362 : i32
        %mul3A_364 = arith.constant 16 : i32
        %mul3A_365 = arith.muli %select_n3A_361, %mul3A_364 : i32
        %sub3A_366 = arith.subi %add3A_240, %mul3A_365 : i32
        %dma_start3A_367 = arith.constant 0 : i32
        %dma_start3A_368 = arith.constant 0 : i32
        %dma_start3A_369 = tpu.memref_slice %arg8[%rem3A_337, %dma_start3A_367, %dma_start3A_368] : memref<5x64x128xf32, #tpu.memory_space<vmem>> -> memref<1x64x128xf32, #tpu.memory_space<vmem>>
        %dma_start3A_370 = tpu.memref_squeeze %dma_start3A_369 : memref<1x64x128xf32, #tpu.memory_space<vmem>> -> memref<64x128xf32, #tpu.memory_space<vmem>>
        %dma_start3A_371 = arith.constant 0 : i32
        %dma_start3A_372 = tpu.memref_slice %arg6[%rem3A_363, %sub3A_366, %dma_start3A_371] : memref<2x16x64xi32, #tpu.memory_space<vmem>> -> memref<1x1x64xi32, #tpu.memory_space<vmem>>
        %dma_start3A_373 = tpu.memref_squeeze %dma_start3A_372 : memref<1x1x64xi32, #tpu.memory_space<vmem>> -> memref<64xi32, #tpu.memory_space<vmem>>
        %dma_start3A_374 = arith.constant 0 : i32
        %dma_start3A_375 = arith.constant 0 : i32
        %dma_start3A_376 = tpu.memref_slice %arg2[%arg0, %dma_start3A_374, %dma_start3A_375] : memref<2x10000x128xf32, #tpu.memory_space<hbm>> -> memref<1x10000x128xf32, #tpu.memory_space<hbm>>
        %dma_start3A_377 = tpu.memref_squeeze %dma_start3A_376 : memref<1x10000x128xf32, #tpu.memory_space<hbm>> -> memref<10000x128xf32, #tpu.memory_space<hbm>>
        %dma_start3A_378 = arith.constant 0 : i32
        %dma_start3A_379 = arith.constant 0 : i32
        %dma_start3A_380 = tpu.memref_slice %dma_start3A_377[%dma_start3A_378, %dma_start3A_379] : memref<10000x128xf32, #tpu.memory_space<hbm>> -> memref<10000x128xf32, #tpu.memory_space<hbm>>
        %dma_start3A_381 = tpu.memref_slice %arg10[%rem3A_337] : memref<5x!tpu.dma_semaphore, #tpu.memory_space<semaphore_mem>> -> memref<1x!tpu.dma_semaphore, #tpu.memory_space<semaphore_mem>>
        %dma_start3A_382 = tpu.memref_squeeze %dma_start3A_381 : memref<1x!tpu.dma_semaphore, #tpu.memory_space<semaphore_mem>> -> memref<!tpu.dma_semaphore, #tpu.memory_space<semaphore_mem>>
        tpu.enqueue_indirect_dma source(%dma_start3A_380 : memref<10000x128xf32, #tpu.memory_space<hbm>>) target(%dma_start3A_370 : memref<64x128xf32, #tpu.memory_space<vmem>>) offsets(%dma_start3A_373 : memref<64xi32, #tpu.memory_space<vmem>>) semaphore(%dma_start3A_382 : memref<!tpu.dma_semaphore, #tpu.memory_space<semaphore_mem>>)
      } else {
      }
      %eq3A_246 = arith.constant 0 : i32
      %eq3A_247 = arith.cmpi eq, %sub3A_236, %eq3A_246 : i32
      %add3A_248 = arith.constant 1 : i32
      %add3A_249 = arith.addi %select_n3A, %add3A_248 : i32
      %lt3A_250 = arith.constant 20 : i32
      %lt3A_251 = arith.cmpi slt, %add3A_249, %lt3A_250 : i32
      %and3A_252 = arith.andi %eq3A_247, %lt3A_251 : i1
      %convert_element_type3A_253 = arith.extui %and3A_252 : i1 to i32
      %cond3A_254 = arith.constant 0 : i32
      %cond3A_255 = arith.cmpi ne, %convert_element_type3A_253, %cond3A_254 : i32
      scf.if %cond3A_255 {
        %add3A_306 = arith.constant 1 : i32
        %add3A_307 = arith.addi %select_n3A, %add3A_306 : i32
        %rem3A_308 = arith.constant 2 : i32
        %rem3A_309 = arith.remsi %add3A_307, %rem3A_308 : i32
        %mul3A_310 = arith.constant 16 : i32
        %mul3A_311 = arith.muli %add3A_307, %mul3A_310 : i32
        %add3A_312 = arith.addi %add3A_1, %mul3A_311 : i32
        %dma_start3A_313 = arith.constant 0 : i32
        %dma_start3A_314 = arith.constant 0 : i32
        %dma_start3A_315 = tpu.memref_slice %arg6[%rem3A_309, %dma_start3A_313, %dma_start3A_314] : memref<2x16x64xi32, #tpu.memory_space<vmem>> -> memref<1x16x64xi32, #tpu.memory_space<vmem>>
        %dma_start3A_316 = tpu.memref_squeeze %dma_start3A_315 : memref<1x16x64xi32, #tpu.memory_space<vmem>> -> memref<16x64xi32, #tpu.memory_space<vmem>>
        %dma_start3A_317 = arith.constant 0 : i32
        %dma_start3A_318 = tpu.memref_slice %arg3[%add3A_312, %dma_start3A_317] : memref<5120x64xi32, #tpu.memory_space<hbm>> -> memref<16x64xi32, #tpu.memory_space<hbm>>
        %dma_start3A_319 = arith.constant 0 : i32
        %dma_start3A_320 = arith.constant 0 : i32
        %dma_start3A_321 = tpu.memref_slice %arg6[%rem3A_309, %dma_start3A_319, %dma_start3A_320] : memref<2x16x64xi32, #tpu.memory_space<vmem>> -> memref<1x16x64xi32, #tpu.memory_space<vmem>>
        %dma_start3A_322 = tpu.memref_squeeze %dma_start3A_321 : memref<1x16x64xi32, #tpu.memory_space<vmem>> -> memref<16x64xi32, #tpu.memory_space<vmem>>
        %dma_start3A_323 = arith.constant 0 : i32
        %dma_start3A_324 = tpu.memref_slice %arg3[%add3A_312, %dma_start3A_323] : memref<5120x64xi32, #tpu.memory_space<hbm>> -> memref<16x64xi32, #tpu.memory_space<hbm>>
        tpu.enqueue_dma source(%dma_start3A_324 : memref<16x64xi32, #tpu.memory_space<hbm>>) target(%dma_start3A_322 : memref<16x64xi32, #tpu.memory_space<vmem>>) target_semaphore(%arg11 : memref<!tpu.dma_semaphore, #tpu.memory_space<semaphore_mem>>)
        %mul3A_325 = arith.constant 16 : i32
        %mul3A_326 = arith.muli %add3A_307, %mul3A_325 : i32
        %add3A_327 = arith.addi %add3A_1, %mul3A_326 : i32
        %dma_start3A_328 = arith.constant 0 : i32
        %dma_start3A_329 = arith.constant 0 : i32
        %dma_start3A_330 = tpu.memref_slice %arg7[%rem3A_309, %dma_start3A_328, %dma_start3A_329] : memref<2x16x64xi32, #tpu.memory_space<vmem>> -> memref<1x16x64xi32, #tpu.memory_space<vmem>>
        %dma_start3A_331 = tpu.memref_squeeze %dma_start3A_330 : memref<1x16x64xi32, #tpu.memory_space<vmem>> -> memref<16x64xi32, #tpu.memory_space<vmem>>
        %dma_start3A_332 = arith.constant 0 : i32
        %dma_start3A_333 = tpu.memref_slice %arg4[%add3A_327, %dma_start3A_332] : memref<5120x64xi32, #tpu.memory_space<hbm>> -> memref<16x64xi32, #tpu.memory_space<hbm>>
        %dma_start3A_334 = arith.constant 0 : i32
        %dma_start3A_335 = arith.constant 0 : i32
        %dma_start3A_336 = tpu.memref_slice %arg7[%rem3A_309, %dma_start3A_334, %dma_start3A_335] : memref<2x16x64xi32, #tpu.memory_space<vmem>> -> memref<1x16x64xi32, #tpu.memory_space<vmem>>
        %dma_start3A_337 = tpu.memref_squeeze %dma_start3A_336 : memref<1x16x64xi32, #tpu.memory_space<vmem>> -> memref<16x64xi32, #tpu.memory_space<vmem>>
        %dma_start3A_338 = arith.constant 0 : i32
        %dma_start3A_339 = tpu.memref_slice %arg4[%add3A_327, %dma_start3A_338] : memref<5120x64xi32, #tpu.memory_space<hbm>> -> memref<16x64xi32, #tpu.memory_space<hbm>>
        tpu.enqueue_dma source(%dma_start3A_339 : memref<16x64xi32, #tpu.memory_space<hbm>>) target(%dma_start3A_337 : memref<16x64xi32, #tpu.memory_space<vmem>>) target_semaphore(%arg11 : memref<!tpu.dma_semaphore, #tpu.memory_space<semaphore_mem>>)
      } else {
      }
      %jit3A_256 = arith.constant 16 : i32
      %div3A_257 = arith.divsi %scan3A_216, %jit3A_256 : i32
      %sign3A_258 = arith.constant 0 : i32
      %sign3A_259 = arith.cmpi sgt, %scan3A_216, %sign3A_258 : i32
      %sign3A_260 = arith.extui %sign3A_259 : i1 to i32
      %sign3A_261 = arith.constant 0 : i32
      %sign3A_262 = arith.cmpi slt, %scan3A_216, %sign3A_261 : i32
      %sign3A_263 = arith.extui %sign3A_262 : i1 to i32
      %sign3A_264 = arith.subi %sign3A_260, %sign3A_263 : i32
      %sign3A_265 = arith.constant 0 : i32
      %sign3A_266 = arith.cmpi sgt, %jit3A_256, %sign3A_265 : i32
      %sign3A_267 = arith.extui %sign3A_266 : i1 to i32
      %sign3A_268 = arith.constant 0 : i32
      %sign3A_269 = arith.cmpi slt, %jit3A_256, %sign3A_268 : i32
      %sign3A_270 = arith.extui %sign3A_269 : i1 to i32
      %sign3A_271 = arith.subi %sign3A_267, %sign3A_270 : i32
      %ne3A_272 = arith.cmpi ne, %sign3A_264, %sign3A_271 : i32
      %rem3A_273 = arith.remsi %scan3A_216, %jit3A_256 : i32
      %ne3A_274 = arith.constant 0 : i32
      %ne3A_275 = arith.cmpi ne, %rem3A_273, %ne3A_274 : i32
      %and3A_276 = arith.andi %ne3A_272, %ne3A_275 : i1
      %sub3A_277 = arith.constant 1 : i32
      %sub3A_278 = arith.subi %div3A_257, %sub3A_277 : i32
      %select_n3A_279 = arith.select %and3A_276, %sub3A_278, %div3A_257 : i32
      %rem3A_280 = arith.constant 2 : i32
      %rem3A_281 = arith.remsi %select_n3A_279, %rem3A_280 : i32
      %mul3A_282 = arith.constant 16 : i32
      %mul3A_283 = arith.muli %select_n3A_279, %mul3A_282 : i32
      %sub3A_284 = arith.subi %scan3A_216, %mul3A_283 : i32
      %dma_wait3A_285 = arith.constant 0 : i32
      %dma_wait3A_286 = arith.constant 0 : i32
      %dma_wait3A_287 = tpu.memref_slice %arg8[%rem3A_238, %dma_wait3A_285, %dma_wait3A_286] : memref<5x64x128xf32, #tpu.memory_space<vmem>> -> memref<1x64x128xf32, #tpu.memory_space<vmem>>
      %dma_wait3A_288 = tpu.memref_squeeze %dma_wait3A_287 : memref<1x64x128xf32, #tpu.memory_space<vmem>> -> memref<64x128xf32, #tpu.memory_space<vmem>>
      %dma_wait3A_289 = arith.constant 0 : i32
      %dma_wait3A_290 = tpu.memref_slice %arg6[%rem3A_281, %sub3A_284, %dma_wait3A_289] : memref<2x16x64xi32, #tpu.memory_space<vmem>> -> memref<1x1x64xi32, #tpu.memory_space<vmem>>
      %dma_wait3A_291 = tpu.memref_squeeze %dma_wait3A_290 : memref<1x1x64xi32, #tpu.memory_space<vmem>> -> memref<64xi32, #tpu.memory_space<vmem>>
      %dma_wait3A_292 = arith.constant 0 : i32
      %dma_wait3A_293 = arith.constant 0 : i32
      %dma_wait3A_294 = tpu.memref_slice %arg2[%arg0, %dma_wait3A_292, %dma_wait3A_293] : memref<2x10000x128xf32, #tpu.memory_space<hbm>> -> memref<1x10000x128xf32, #tpu.memory_space<hbm>>
      %dma_wait3A_295 = tpu.memref_squeeze %dma_wait3A_294 : memref<1x10000x128xf32, #tpu.memory_space<hbm>> -> memref<10000x128xf32, #tpu.memory_space<hbm>>
      %dma_wait3A_296 = arith.constant 0 : i32
      %dma_wait3A_297 = arith.constant 0 : i32
      %dma_wait3A_298 = tpu.memref_slice %dma_wait3A_295[%dma_wait3A_296, %dma_wait3A_297] : memref<10000x128xf32, #tpu.memory_space<hbm>> -> memref<10000x128xf32, #tpu.memory_space<hbm>>
      %dma_wait3A_299 = tpu.memref_slice %arg10[%rem3A_238] : memref<5x!tpu.dma_semaphore, #tpu.memory_space<semaphore_mem>> -> memref<1x!tpu.dma_semaphore, #tpu.memory_space<semaphore_mem>>
      %dma_wait3A_300 = tpu.memref_squeeze %dma_wait3A_299 : memref<1x!tpu.dma_semaphore, #tpu.memory_space<semaphore_mem>> -> memref<!tpu.dma_semaphore, #tpu.memory_space<semaphore_mem>>
      tpu.wait_indirect_dma semaphore(%dma_wait3A_300 : memref<!tpu.dma_semaphore, #tpu.memory_space<semaphore_mem>>) src(%dma_wait3A_298 : memref<10000x128xf32, #tpu.memory_space<hbm>>) dst(%dma_wait3A_288 : memref<64x128xf32, #tpu.memory_space<vmem>>)
      %rem3A_301 = arith.constant 2 : i32
      %rem3A_302 = arith.remsi %select_n3A, %rem3A_301 : i32
      %mul3A_303 = arith.constant 16 : i32
      %mul3A_304 = arith.muli %select_n3A, %mul3A_303 : i32
      %sub3A_305 = arith.subi %scan3A_216, %mul3A_304 : i32
      "tpu.region"() ({
        %run_scoped3A_306 = tpu.sem_alloc : memref<!tpu.dma_semaphore, #tpu.memory_space<semaphore_mem>>
        %dma_start3A_307 = arith.constant 0 : i32
        %dma_start3A_308 = arith.constant 0 : i32
        %dma_start3A_309 = tpu.memref_slice %arg8[%rem3A_238, %dma_start3A_307, %dma_start3A_308] : memref<5x64x128xf32, #tpu.memory_space<vmem>> -> memref<1x64x128xf32, #tpu.memory_space<vmem>>
        %dma_start3A_310 = tpu.memref_squeeze %dma_start3A_309 : memref<1x64x128xf32, #tpu.memory_space<vmem>> -> memref<64x128xf32, #tpu.memory_space<vmem>>
        %dma_start3A_311 = arith.constant 0 : i32
        %dma_start3A_312 = tpu.memref_slice %arg7[%rem3A_302, %sub3A_305, %dma_start3A_311] : memref<2x16x64xi32, #tpu.memory_space<vmem>> -> memref<1x1x64xi32, #tpu.memory_space<vmem>>
        %dma_start3A_313 = tpu.memref_squeeze %dma_start3A_312 : memref<1x1x64xi32, #tpu.memory_space<vmem>> -> memref<64xi32, #tpu.memory_space<vmem>>
        %dma_start3A_314 = arith.constant 0 : i32
        %dma_start3A_315 = arith.constant 0 : i32
        %dma_start3A_316 = tpu.memref_slice %arg9[%dma_start3A_314, %dma_start3A_315] : memref<10240x128xf32, #tpu.memory_space<vmem_shared>> -> memref<10240x128xf32, #tpu.memory_space<vmem_shared>>
        tpu.enqueue_indirect_dma source(%dma_start3A_310 : memref<64x128xf32, #tpu.memory_space<vmem>>) target(%dma_start3A_316 : memref<10240x128xf32, #tpu.memory_space<vmem_shared>>) offsets(%dma_start3A_313 : memref<64xi32, #tpu.memory_space<vmem>>) semaphore(%run_scoped3A_306 : memref<!tpu.dma_semaphore, #tpu.memory_space<semaphore_mem>>) {add = true}
        %dma_wait3A_317 = arith.constant 0 : i32
        %dma_wait3A_318 = arith.constant 0 : i32
        %dma_wait3A_319 = tpu.memref_slice %arg8[%rem3A_238, %dma_wait3A_317, %dma_wait3A_318] : memref<5x64x128xf32, #tpu.memory_space<vmem>> -> memref<1x64x128xf32, #tpu.memory_space<vmem>>
        %dma_wait3A_320 = tpu.memref_squeeze %dma_wait3A_319 : memref<1x64x128xf32, #tpu.memory_space<vmem>> -> memref<64x128xf32, #tpu.memory_space<vmem>>
        %dma_wait3A_321 = arith.constant 0 : i32
        %dma_wait3A_322 = tpu.memref_slice %arg7[%rem3A_302, %sub3A_305, %dma_wait3A_321] : memref<2x16x64xi32, #tpu.memory_space<vmem>> -> memref<1x1x64xi32, #tpu.memory_space<vmem>>
        %dma_wait3A_323 = tpu.memref_squeeze %dma_wait3A_322 : memref<1x1x64xi32, #tpu.memory_space<vmem>> -> memref<64xi32, #tpu.memory_space<vmem>>
        %dma_wait3A_324 = arith.constant 0 : i32
        %dma_wait3A_325 = arith.constant 0 : i32
        %dma_wait3A_326 = tpu.memref_slice %arg9[%dma_wait3A_324, %dma_wait3A_325] : memref<10240x128xf32, #tpu.memory_space<vmem_shared>> -> memref<10240x128xf32, #tpu.memory_space<vmem_shared>>
        tpu.wait_indirect_dma semaphore(%run_scoped3A_306 : memref<!tpu.dma_semaphore, #tpu.memory_space<semaphore_mem>>) src(%dma_wait3A_320 : memref<64x128xf32, #tpu.memory_space<vmem>>) dst(%dma_wait3A_326 : memref<10240x128xf32, #tpu.memory_space<vmem_shared>>)
        tpu.yield
      }) : () -> ()
    }
    %scan3A_208 = arith.constant 320 : i32
    %barrier3A_209 = arith.constant 0 : index
    tpu.barrier barrier_id(%barrier3A_209)
    %lt3A = arith.constant 15 : i32
    %lt3A_210 = arith.cmpi slt, %arg1, %lt3A : i32
    %convert_element_type3A = arith.extui %lt3A_210 : i1 to i32
    %cond3A = arith.constant 0 : i32
    %cond3A_211 = arith.cmpi ne, %convert_element_type3A, %cond3A : i32
    scf.if %cond3A_211 {
      %mul3A_216 = arith.constant 640 : i32
      %mul3A_217 = arith.muli %arg1, %mul3A_216 : i32
      "tpu.region"() ({
        %run_scoped3A_218 = tpu.sem_alloc : memref<!tpu.dma_semaphore, #tpu.memory_space<semaphore_mem>>
        %dma_start3A_219 = arith.constant 0 : i32
        %dma_start3A_220 = tpu.memref_slice %arg5[%arg0, %mul3A_217, %dma_start3A_219] : memref<2x10000x128xf32, #tpu.memory_space<hbm>> -> memref<1x640x128xf32, #tpu.memory_space<hbm>>
        %dma_start3A_221 = tpu.memref_squeeze %dma_start3A_220 : memref<1x640x128xf32, #tpu.memory_space<hbm>> -> memref<640x128xf32, #tpu.memory_space<hbm>>
        %dma_start3A_222 = arith.constant 0 : i32
        %dma_start3A_223 = tpu.memref_slice %arg9[%mul3A_217, %dma_start3A_222] : memref<10240x128xf32, #tpu.memory_space<vmem_shared>> -> memref<640x128xf32, #tpu.memory_space<vmem_shared>>
        tpu.enqueue_dma source(%dma_start3A_223 : memref<640x128xf32, #tpu.memory_space<vmem_shared>>) target(%dma_start3A_221 : memref<640x128xf32, #tpu.memory_space<hbm>>) target_semaphore(%run_scoped3A_218 : memref<!tpu.dma_semaphore, #tpu.memory_space<semaphore_mem>>)
        %dma_wait3A_224 = arith.constant 0 : i32
        %dma_wait3A_225 = tpu.memref_slice %arg5[%arg0, %mul3A_217, %dma_wait3A_224] : memref<2x10000x128xf32, #tpu.memory_space<hbm>> -> memref<1x640x128xf32, #tpu.memory_space<hbm>>
        %dma_wait3A_226 = tpu.memref_squeeze %dma_wait3A_225 : memref<1x640x128xf32, #tpu.memory_space<hbm>> -> memref<640x128xf32, #tpu.memory_space<hbm>>
        %dma_wait3A_227 = arith.constant 0 : i32
        %dma_wait3A_228 = tpu.memref_slice %arg9[%mul3A_217, %dma_wait3A_227] : memref<10240x128xf32, #tpu.memory_space<vmem_shared>> -> memref<640x128xf32, #tpu.memory_space<vmem_shared>>
        tpu.wait_dma2 semaphore(%run_scoped3A_218 : memref<!tpu.dma_semaphore, #tpu.memory_space<semaphore_mem>>) src(%dma_wait3A_228 : memref<640x128xf32, #tpu.memory_space<vmem_shared>>) dst(%dma_wait3A_226 : memref<640x128xf32, #tpu.memory_space<hbm>>)
        tpu.yield
      }) : () -> ()
    } else {
    }
    %eq3A = arith.constant 15 : i32
    %eq3A_212 = arith.cmpi eq, %arg1, %eq3A : i32
    %convert_element_type3A_213 = arith.extui %eq3A_212 : i1 to i32
    %cond3A_214 = arith.constant 0 : i32
    %cond3A_215 = arith.cmpi ne, %convert_element_type3A_213, %cond3A_214 : i32
    scf.if %cond3A_215 {
      "tpu.region"() ({
        %run_scoped3A_216 = tpu.sem_alloc : memref<!tpu.dma_semaphore, #tpu.memory_space<semaphore_mem>>
        %dma_start3A_217 = arith.constant 9600 : i32
        %dma_start3A_218 = arith.constant 0 : i32
        %dma_start3A_219 = tpu.memref_slice %arg5[%arg0, %dma_start3A_217, %dma_start3A_218] : memref<2x10000x128xf32, #tpu.memory_space<hbm>> -> memref<1x400x128xf32, #tpu.memory_space<hbm>>
        %dma_start3A_220 = tpu.memref_squeeze %dma_start3A_219 : memref<1x400x128xf32, #tpu.memory_space<hbm>> -> memref<400x128xf32, #tpu.memory_space<hbm>>
        %dma_start3A_221 = arith.constant 9600 : i32
        %dma_start3A_222 = arith.constant 0 : i32
        %dma_start3A_223 = tpu.memref_slice %arg9[%dma_start3A_221, %dma_start3A_222] : memref<10240x128xf32, #tpu.memory_space<vmem_shared>> -> memref<400x128xf32, #tpu.memory_space<vmem_shared>>
        tpu.enqueue_dma source(%dma_start3A_223 : memref<400x128xf32, #tpu.memory_space<vmem_shared>>) target(%dma_start3A_220 : memref<400x128xf32, #tpu.memory_space<hbm>>) target_semaphore(%run_scoped3A_216 : memref<!tpu.dma_semaphore, #tpu.memory_space<semaphore_mem>>)
        %dma_wait3A_224 = arith.constant 9600 : i32
        %dma_wait3A_225 = arith.constant 0 : i32
        %dma_wait3A_226 = tpu.memref_slice %arg5[%arg0, %dma_wait3A_224, %dma_wait3A_225] : memref<2x10000x128xf32, #tpu.memory_space<hbm>> -> memref<1x400x128xf32, #tpu.memory_space<hbm>>
        %dma_wait3A_227 = tpu.memref_squeeze %dma_wait3A_226 : memref<1x400x128xf32, #tpu.memory_space<hbm>> -> memref<400x128xf32, #tpu.memory_space<hbm>>
        %dma_wait3A_228 = arith.constant 9600 : i32
        %dma_wait3A_229 = arith.constant 0 : i32
        %dma_wait3A_230 = tpu.memref_slice %arg9[%dma_wait3A_228, %dma_wait3A_229] : memref<10240x128xf32, #tpu.memory_space<vmem_shared>> -> memref<400x128xf32, #tpu.memory_space<vmem_shared>>
        tpu.wait_dma2 semaphore(%run_scoped3A_216 : memref<!tpu.dma_semaphore, #tpu.memory_space<semaphore_mem>>) src(%dma_wait3A_230 : memref<400x128xf32, #tpu.memory_space<vmem_shared>>) dst(%dma_wait3A_227 : memref<400x128xf32, #tpu.memory_space<hbm>>)
        tpu.yield
      }) : () -> ()
    } else {
    }
    return
  }
}

#map = affine_map<(d0, d1) -> (0, 0, 0)>
#map1 = affine_map<(d0, d1) -> (0, 0)>
module attributes {stable_mosaic.version = 14 : i64} {
  func.func @agg(%arg0: i32, %arg1: i32, %arg2: memref<1x10000x128xf32, #tpu.memory_space<hbm>>, %arg3: memref<5120x64xi32, #tpu.memory_space<hbm>>, %arg4: memref<5120x64xi32, #tpu.memory_space<hbm>>, %arg5: memref<2x10000x128xf32, #tpu.memory_space<hbm>>, %arg6: memref<2x16x64xi32, #tpu.memory_space<vmem>>, %arg7: memref<2x16x64xi32, #tpu.memory_space<vmem>>, %arg8: memref<5x64x128xf32, #tpu.memory_space<vmem>>, %arg9: memref<10240x128xf32, #tpu.memory_space<vmem_shared>>, %arg10: memref<5x!tpu.dma_semaphore, #tpu.memory_space<semaphore_mem>>, %arg11: memref<!tpu.dma_semaphore, #tpu.memory_space<semaphore_mem>>) attributes {dimension_semantics = [#tpu.dimension_semantics<core_parallel>, #tpu.dimension_semantics<subcore_parallel>], iteration_bounds = array<i64: 2, 16>, scalar_prefetch = 0 : i64, scratch_operands = 6 : i64, tpu.core_type = #tpu.core_type<sc_vector_subcore>, window_params = [{transform_indices = #map}, {transform_indices = #map1}, {transform_indices = #map1}, {transform_indices = #map}]} {
    %mul3A = arith.constant 160 : i32
    %mul3A_0 = arith.muli %arg1, %mul3A : i32
    %mul3A_1 = arith.constant 2560 : i32
    %mul3A_2 = arith.muli %arg0, %mul3A_1 : i32
    %add3A = arith.addi %mul3A_0, %mul3A_2 : i32
    %scan3A = arith.constant 0 : i32
    %scan3A_3 = arith.constant 0 : i32
    %scan3A_4 = arith.constant 512 : i32
    %scan3A_5 = arith.addi %scan3A_3, %scan3A_4 : i32
    %scan3A_6 = arith.constant 1 : i32
    scf.for %scan3A_221 = %scan3A_3 to %scan3A_5 step %scan3A_6  : i32 {
      %jit3A = arith.constant 8 : i32
      %div3A = arith.divsi %scan3A_221, %jit3A : i32
      %sign3A = arith.constant 0 : i32
      %sign3A_222 = arith.cmpi sgt, %scan3A_221, %sign3A : i32
      %sign3A_223 = arith.extui %sign3A_222 : i1 to i32
      %sign3A_224 = arith.constant 0 : i32
      %sign3A_225 = arith.cmpi slt, %scan3A_221, %sign3A_224 : i32
      %sign3A_226 = arith.extui %sign3A_225 : i1 to i32
      %sign3A_227 = arith.subi %sign3A_223, %sign3A_226 : i32
      %sign3A_228 = arith.constant 0 : i32
      %sign3A_229 = arith.cmpi sgt, %jit3A, %sign3A_228 : i32
      %sign3A_230 = arith.extui %sign3A_229 : i1 to i32
      %sign3A_231 = arith.constant 0 : i32
      %sign3A_232 = arith.cmpi slt, %jit3A, %sign3A_231 : i32
      %sign3A_233 = arith.extui %sign3A_232 : i1 to i32
      %sign3A_234 = arith.subi %sign3A_230, %sign3A_233 : i32
      %ne3A = arith.cmpi ne, %sign3A_227, %sign3A_234 : i32
      %rem3A_235 = arith.remsi %scan3A_221, %jit3A : i32
      %ne3A_236 = arith.constant 0 : i32
      %ne3A_237 = arith.cmpi ne, %rem3A_235, %ne3A_236 : i32
      %and3A = arith.andi %ne3A, %ne3A_237 : i1
      %sub3A = arith.constant 1 : i32
      %sub3A_238 = arith.subi %div3A, %sub3A : i32
      %select_n3A = arith.select %and3A, %sub3A_238, %div3A : i32
      %jit3A_239 = arith.constant 8 : i32
      %eq3A_240 = arith.constant 0 : i32
      %eq3A_241 = arith.cmpi eq, %jit3A_239, %eq3A_240 : i32
      %jit3A_242 = arith.constant 1 : i32
      %select_n3A_243 = arith.select %eq3A_241, %jit3A_242, %jit3A_239 : i32
      %rem3A_244 = arith.remsi %scan3A_221, %select_n3A_243 : i32
      %ne3A_245 = arith.constant 0 : i32
      %ne3A_246 = arith.cmpi ne, %rem3A_244, %ne3A_245 : i32
      %lt3A_247 = arith.constant 0 : i32
      %lt3A_248 = arith.cmpi slt, %rem3A_244, %lt3A_247 : i32
      %lt3A_249 = arith.constant 0 : i32
      %lt3A_250 = arith.cmpi slt, %select_n3A_243, %lt3A_249 : i32
      %ne3A_251 = arith.xori %lt3A_248, %lt3A_250 : i1
      %and3A_252 = arith.andi %ne3A_251, %ne3A_246 : i1
      %add3A_253 = arith.addi %rem3A_244, %select_n3A_243 : i32
      %select_n3A_254 = arith.select %and3A_252, %add3A_253, %rem3A_244 : i32
      %mul3A_255 = arith.constant 16 : i32
      %mul3A_256 = arith.muli %select_n3A_254, %mul3A_255 : i32
      %broadcast_in_dim3A = arith.constant 0.000000e+00 : f32
      %broadcast_in_dim3A_257 = vector.broadcast %broadcast_in_dim3A : f32 to vector<16xf32>
      %swap3A = arith.constant 0 : i32
      %swap3A_258 = arith.index_cast %swap3A : i32 to index
      %swap3A_259 = arith.index_cast %select_n3A : i32 to index
      %swap3A_260 = arith.index_cast %mul3A_256 : i32 to index
      %swap3A_261 = tpu.vector_load %arg8[%swap3A_258, %swap3A_259, %swap3A_260] {strides = array<i32>} : memref<5x64x128xf32, #tpu.memory_space<vmem>>, vector<1x1x16xf32>,
      %swap3A_262 = vector.shape_cast %swap3A_261 : vector<1x1x16xf32> to vector<16xf32>
      %swap3A_263 = vector.shape_cast %broadcast_in_dim3A_257 : vector<16xf32> to vector<1x1x16xf32>
      tpu.vector_store %arg8[%swap3A_258, %swap3A_259, %swap3A_260], %swap3A_263 {strides = array<i32>} : memref<5x64x128xf32, #tpu.memory_space<vmem>>, vector<1x1x16xf32>,
    }
    %scan3A_7 = arith.constant 512 : i32
    %mul3A_8 = arith.constant 640 : i32
    %mul3A_9 = arith.muli %arg1, %mul3A_8 : i32
    %add3A_10 = arith.constant 0 : i32
    %add3A_11 = arith.addi %mul3A_9, %add3A_10 : i32
    %run_scoped3A = arith.constant 0 : i32
    "tpu.region"() ({
      %run_scoped3A_221 = tpu.sem_alloc : memref<!tpu.dma_semaphore, #tpu.memory_space<semaphore_mem>>
      %dma_start3A_222 = arith.constant 0 : i32
      %dma_start3A_223 = arith.constant 0 : i32
      %dma_start3A_224 = tpu.memref_slice %arg8[%run_scoped3A, %dma_start3A_222, %dma_start3A_223] : memref<5x64x128xf32, #tpu.memory_space<vmem>> -> memref<1x64x128xf32, #tpu.memory_space<vmem>>
      %dma_start3A_225 = tpu.memref_squeeze %dma_start3A_224 : memref<1x64x128xf32, #tpu.memory_space<vmem>> -> memref<64x128xf32, #tpu.memory_space<vmem>>
      %dma_start3A_226 = arith.constant 0 : i32
      %dma_start3A_227 = tpu.memref_slice %arg9[%add3A_11, %dma_start3A_226] : memref<10240x128xf32, #tpu.memory_space<vmem_shared>> -> memref<64x128xf32, #tpu.memory_space<vmem_shared>>
      %dma_start3A_228 = arith.constant 0 : i32
      %dma_start3A_229 = tpu.memref_slice %arg9[%add3A_11, %dma_start3A_228] : memref<10240x128xf32, #tpu.memory_space<vmem_shared>> -> memref<64x128xf32, #tpu.memory_space<vmem_shared>>
      %dma_start3A_230 = arith.constant 0 : i32
      %dma_start3A_231 = arith.constant 0 : i32
      %dma_start3A_232 = tpu.memref_slice %arg8[%run_scoped3A, %dma_start3A_230, %dma_start3A_231] : memref<5x64x128xf32, #tpu.memory_space<vmem>> -> memref<1x64x128xf32, #tpu.memory_space<vmem>>
      %dma_start3A_233 = tpu.memref_squeeze %dma_start3A_232 : memref<1x64x128xf32, #tpu.memory_space<vmem>> -> memref<64x128xf32, #tpu.memory_space<vmem>>
      tpu.enqueue_dma source(%dma_start3A_233 : memref<64x128xf32, #tpu.memory_space<vmem>>) target(%dma_start3A_229 : memref<64x128xf32, #tpu.memory_space<vmem_shared>>) target_semaphore(%run_scoped3A_221 : memref<!tpu.dma_semaphore, #tpu.memory_space<semaphore_mem>>)
      %dma_wait3A_234 = arith.constant 0 : i32
      %dma_wait3A_235 = arith.constant 0 : i32
      %dma_wait3A_236 = tpu.memref_slice %arg8[%run_scoped3A, %dma_wait3A_234, %dma_wait3A_235] : memref<5x64x128xf32, #tpu.memory_space<vmem>> -> memref<1x64x128xf32, #tpu.memory_space<vmem>>
      %dma_wait3A_237 = tpu.memref_squeeze %dma_wait3A_236 : memref<1x64x128xf32, #tpu.memory_space<vmem>> -> memref<64x128xf32, #tpu.memory_space<vmem>>
      %dma_wait3A_238 = arith.constant 0 : i32
      %dma_wait3A_239 = tpu.memref_slice %arg9[%add3A_11, %dma_wait3A_238] : memref<10240x128xf32, #tpu.memory_space<vmem_shared>> -> memref<64x128xf32, #tpu.memory_space<vmem_shared>>
      %dma_wait3A_240 = arith.constant 0 : i32
      %dma_wait3A_241 = tpu.memref_slice %arg9[%add3A_11, %dma_wait3A_240] : memref<10240x128xf32, #tpu.memory_space<vmem_shared>> -> memref<64x128xf32, #tpu.memory_space<vmem_shared>>
      %dma_wait3A_242 = arith.constant 0 : i32
      %dma_wait3A_243 = arith.constant 0 : i32
      %dma_wait3A_244 = tpu.memref_slice %arg8[%run_scoped3A, %dma_wait3A_242, %dma_wait3A_243] : memref<5x64x128xf32, #tpu.memory_space<vmem>> -> memref<1x64x128xf32, #tpu.memory_space<vmem>>
      %dma_wait3A_245 = tpu.memref_squeeze %dma_wait3A_244 : memref<1x64x128xf32, #tpu.memory_space<vmem>> -> memref<64x128xf32, #tpu.memory_space<vmem>>
      tpu.wait_dma2 semaphore(%run_scoped3A_221 : memref<!tpu.dma_semaphore, #tpu.memory_space<semaphore_mem>>) src(%dma_wait3A_245 : memref<64x128xf32, #tpu.memory_space<vmem>>) dst(%dma_wait3A_241 : memref<64x128xf32, #tpu.memory_space<vmem_shared>>)
      tpu.yield
    }) : () -> ()
    %mul3A_12 = arith.constant 640 : i32
    %mul3A_13 = arith.muli %arg1, %mul3A_12 : i32
    %add3A_14 = arith.constant 64 : i32
    %add3A_15 = arith.addi %mul3A_13, %add3A_14 : i32
    %run_scoped3A_16 = arith.constant 0 : i32
    "tpu.region"() ({
      %run_scoped3A_221 = tpu.sem_alloc : memref<!tpu.dma_semaphore, #tpu.memory_space<semaphore_mem>>
      %dma_start3A_222 = arith.constant 0 : i32
      %dma_start3A_223 = arith.constant 0 : i32
      %dma_start3A_224 = tpu.memref_slice %arg8[%run_scoped3A_16, %dma_start3A_222, %dma_start3A_223] : memref<5x64x128xf32, #tpu.memory_space<vmem>> -> memref<1x64x128xf32, #tpu.memory_space<vmem>>
      %dma_start3A_225 = tpu.memref_squeeze %dma_start3A_224 : memref<1x64x128xf32, #tpu.memory_space<vmem>> -> memref<64x128xf32, #tpu.memory_space<vmem>>
      %dma_start3A_226 = arith.constant 0 : i32
      %dma_start3A_227 = tpu.memref_slice %arg9[%add3A_15, %dma_start3A_226] : memref<10240x128xf32, #tpu.memory_space<vmem_shared>> -> memref<64x128xf32, #tpu.memory_space<vmem_shared>>
      %dma_start3A_228 = arith.constant 0 : i32
      %dma_start3A_229 = tpu.memref_slice %arg9[%add3A_15, %dma_start3A_228] : memref<10240x128xf32, #tpu.memory_space<vmem_shared>> -> memref<64x128xf32, #tpu.memory_space<vmem_shared>>
      %dma_start3A_230 = arith.constant 0 : i32
      %dma_start3A_231 = arith.constant 0 : i32
      %dma_start3A_232 = tpu.memref_slice %arg8[%run_scoped3A_16, %dma_start3A_230, %dma_start3A_231] : memref<5x64x128xf32, #tpu.memory_space<vmem>> -> memref<1x64x128xf32, #tpu.memory_space<vmem>>
      %dma_start3A_233 = tpu.memref_squeeze %dma_start3A_232 : memref<1x64x128xf32, #tpu.memory_space<vmem>> -> memref<64x128xf32, #tpu.memory_space<vmem>>
      tpu.enqueue_dma source(%dma_start3A_233 : memref<64x128xf32, #tpu.memory_space<vmem>>) target(%dma_start3A_229 : memref<64x128xf32, #tpu.memory_space<vmem_shared>>) target_semaphore(%run_scoped3A_221 : memref<!tpu.dma_semaphore, #tpu.memory_space<semaphore_mem>>)
      %dma_wait3A_234 = arith.constant 0 : i32
      %dma_wait3A_235 = arith.constant 0 : i32
      %dma_wait3A_236 = tpu.memref_slice %arg8[%run_scoped3A_16, %dma_wait3A_234, %dma_wait3A_235] : memref<5x64x128xf32, #tpu.memory_space<vmem>> -> memref<1x64x128xf32, #tpu.memory_space<vmem>>
      %dma_wait3A_237 = tpu.memref_squeeze %dma_wait3A_236 : memref<1x64x128xf32, #tpu.memory_space<vmem>> -> memref<64x128xf32, #tpu.memory_space<vmem>>
      %dma_wait3A_238 = arith.constant 0 : i32
      %dma_wait3A_239 = tpu.memref_slice %arg9[%add3A_15, %dma_wait3A_238] : memref<10240x128xf32, #tpu.memory_space<vmem_shared>> -> memref<64x128xf32, #tpu.memory_space<vmem_shared>>
      %dma_wait3A_240 = arith.constant 0 : i32
      %dma_wait3A_241 = tpu.memref_slice %arg9[%add3A_15, %dma_wait3A_240] : memref<10240x128xf32, #tpu.memory_space<vmem_shared>> -> memref<64x128xf32, #tpu.memory_space<vmem_shared>>
      %dma_wait3A_242 = arith.constant 0 : i32
      %dma_wait3A_243 = arith.constant 0 : i32
      %dma_wait3A_244 = tpu.memref_slice %arg8[%run_scoped3A_16, %dma_wait3A_242, %dma_wait3A_243] : memref<5x64x128xf32, #tpu.memory_space<vmem>> -> memref<1x64x128xf32, #tpu.memory_space<vmem>>
      %dma_wait3A_245 = tpu.memref_squeeze %dma_wait3A_244 : memref<1x64x128xf32, #tpu.memory_space<vmem>> -> memref<64x128xf32, #tpu.memory_space<vmem>>
      tpu.wait_dma2 semaphore(%run_scoped3A_221 : memref<!tpu.dma_semaphore, #tpu.memory_space<semaphore_mem>>) src(%dma_wait3A_245 : memref<64x128xf32, #tpu.memory_space<vmem>>) dst(%dma_wait3A_241 : memref<64x128xf32, #tpu.memory_space<vmem_shared>>)
      tpu.yield
    }) : () -> ()
    %mul3A_17 = arith.constant 640 : i32
    %mul3A_18 = arith.muli %arg1, %mul3A_17 : i32
    %add3A_19 = arith.constant 128 : i32
    %add3A_20 = arith.addi %mul3A_18, %add3A_19 : i32
    %run_scoped3A_21 = arith.constant 0 : i32
    "tpu.region"() ({
      %run_scoped3A_221 = tpu.sem_alloc : memref<!tpu.dma_semaphore, #tpu.memory_space<semaphore_mem>>
      %dma_start3A_222 = arith.constant 0 : i32
      %dma_start3A_223 = arith.constant 0 : i32
      %dma_start3A_224 = tpu.memref_slice %arg8[%run_scoped3A_21, %dma_start3A_222, %dma_start3A_223] : memref<5x64x128xf32, #tpu.memory_space<vmem>> -> memref<1x64x128xf32, #tpu.memory_space<vmem>>
      %dma_start3A_225 = tpu.memref_squeeze %dma_start3A_224 : memref<1x64x128xf32, #tpu.memory_space<vmem>> -> memref<64x128xf32, #tpu.memory_space<vmem>>
      %dma_start3A_226 = arith.constant 0 : i32
      %dma_start3A_227 = tpu.memref_slice %arg9[%add3A_20, %dma_start3A_226] : memref<10240x128xf32, #tpu.memory_space<vmem_shared>> -> memref<64x128xf32, #tpu.memory_space<vmem_shared>>
      %dma_start3A_228 = arith.constant 0 : i32
      %dma_start3A_229 = tpu.memref_slice %arg9[%add3A_20, %dma_start3A_228] : memref<10240x128xf32, #tpu.memory_space<vmem_shared>> -> memref<64x128xf32, #tpu.memory_space<vmem_shared>>
      %dma_start3A_230 = arith.constant 0 : i32
      %dma_start3A_231 = arith.constant 0 : i32
      %dma_start3A_232 = tpu.memref_slice %arg8[%run_scoped3A_21, %dma_start3A_230, %dma_start3A_231] : memref<5x64x128xf32, #tpu.memory_space<vmem>> -> memref<1x64x128xf32, #tpu.memory_space<vmem>>
      %dma_start3A_233 = tpu.memref_squeeze %dma_start3A_232 : memref<1x64x128xf32, #tpu.memory_space<vmem>> -> memref<64x128xf32, #tpu.memory_space<vmem>>
      tpu.enqueue_dma source(%dma_start3A_233 : memref<64x128xf32, #tpu.memory_space<vmem>>) target(%dma_start3A_229 : memref<64x128xf32, #tpu.memory_space<vmem_shared>>) target_semaphore(%run_scoped3A_221 : memref<!tpu.dma_semaphore, #tpu.memory_space<semaphore_mem>>)
      %dma_wait3A_234 = arith.constant 0 : i32
      %dma_wait3A_235 = arith.constant 0 : i32
      %dma_wait3A_236 = tpu.memref_slice %arg8[%run_scoped3A_21, %dma_wait3A_234, %dma_wait3A_235] : memref<5x64x128xf32, #tpu.memory_space<vmem>> -> memref<1x64x128xf32, #tpu.memory_space<vmem>>
      %dma_wait3A_237 = tpu.memref_squeeze %dma_wait3A_236 : memref<1x64x128xf32, #tpu.memory_space<vmem>> -> memref<64x128xf32, #tpu.memory_space<vmem>>
      %dma_wait3A_238 = arith.constant 0 : i32
      %dma_wait3A_239 = tpu.memref_slice %arg9[%add3A_20, %dma_wait3A_238] : memref<10240x128xf32, #tpu.memory_space<vmem_shared>> -> memref<64x128xf32, #tpu.memory_space<vmem_shared>>
      %dma_wait3A_240 = arith.constant 0 : i32
      %dma_wait3A_241 = tpu.memref_slice %arg9[%add3A_20, %dma_wait3A_240] : memref<10240x128xf32, #tpu.memory_space<vmem_shared>> -> memref<64x128xf32, #tpu.memory_space<vmem_shared>>
      %dma_wait3A_242 = arith.constant 0 : i32
      %dma_wait3A_243 = arith.constant 0 : i32
      %dma_wait3A_244 = tpu.memref_slice %arg8[%run_scoped3A_21, %dma_wait3A_242, %dma_wait3A_243] : memref<5x64x128xf32, #tpu.memory_space<vmem>> -> memref<1x64x128xf32, #tpu.memory_space<vmem>>
      %dma_wait3A_245 = tpu.memref_squeeze %dma_wait3A_244 : memref<1x64x128xf32, #tpu.memory_space<vmem>> -> memref<64x128xf32, #tpu.memory_space<vmem>>
      tpu.wait_dma2 semaphore(%run_scoped3A_221 : memref<!tpu.dma_semaphore, #tpu.memory_space<semaphore_mem>>) src(%dma_wait3A_245 : memref<64x128xf32, #tpu.memory_space<vmem>>) dst(%dma_wait3A_241 : memref<64x128xf32, #tpu.memory_space<vmem_shared>>)
      tpu.yield
    }) : () -> ()
    %mul3A_22 = arith.constant 640 : i32
    %mul3A_23 = arith.muli %arg1, %mul3A_22 : i32
    %add3A_24 = arith.constant 192 : i32
    %add3A_25 = arith.addi %mul3A_23, %add3A_24 : i32
    %run_scoped3A_26 = arith.constant 0 : i32
    "tpu.region"() ({
      %run_scoped3A_221 = tpu.sem_alloc : memref<!tpu.dma_semaphore, #tpu.memory_space<semaphore_mem>>
      %dma_start3A_222 = arith.constant 0 : i32
      %dma_start3A_223 = arith.constant 0 : i32
      %dma_start3A_224 = tpu.memref_slice %arg8[%run_scoped3A_26, %dma_start3A_222, %dma_start3A_223] : memref<5x64x128xf32, #tpu.memory_space<vmem>> -> memref<1x64x128xf32, #tpu.memory_space<vmem>>
      %dma_start3A_225 = tpu.memref_squeeze %dma_start3A_224 : memref<1x64x128xf32, #tpu.memory_space<vmem>> -> memref<64x128xf32, #tpu.memory_space<vmem>>
      %dma_start3A_226 = arith.constant 0 : i32
      %dma_start3A_227 = tpu.memref_slice %arg9[%add3A_25, %dma_start3A_226] : memref<10240x128xf32, #tpu.memory_space<vmem_shared>> -> memref<64x128xf32, #tpu.memory_space<vmem_shared>>
      %dma_start3A_228 = arith.constant 0 : i32
      %dma_start3A_229 = tpu.memref_slice %arg9[%add3A_25, %dma_start3A_228] : memref<10240x128xf32, #tpu.memory_space<vmem_shared>> -> memref<64x128xf32, #tpu.memory_space<vmem_shared>>
      %dma_start3A_230 = arith.constant 0 : i32
      %dma_start3A_231 = arith.constant 0 : i32
      %dma_start3A_232 = tpu.memref_slice %arg8[%run_scoped3A_26, %dma_start3A_230, %dma_start3A_231] : memref<5x64x128xf32, #tpu.memory_space<vmem>> -> memref<1x64x128xf32, #tpu.memory_space<vmem>>
      %dma_start3A_233 = tpu.memref_squeeze %dma_start3A_232 : memref<1x64x128xf32, #tpu.memory_space<vmem>> -> memref<64x128xf32, #tpu.memory_space<vmem>>
      tpu.enqueue_dma source(%dma_start3A_233 : memref<64x128xf32, #tpu.memory_space<vmem>>) target(%dma_start3A_229 : memref<64x128xf32, #tpu.memory_space<vmem_shared>>) target_semaphore(%run_scoped3A_221 : memref<!tpu.dma_semaphore, #tpu.memory_space<semaphore_mem>>)
      %dma_wait3A_234 = arith.constant 0 : i32
      %dma_wait3A_235 = arith.constant 0 : i32
      %dma_wait3A_236 = tpu.memref_slice %arg8[%run_scoped3A_26, %dma_wait3A_234, %dma_wait3A_235] : memref<5x64x128xf32, #tpu.memory_space<vmem>> -> memref<1x64x128xf32, #tpu.memory_space<vmem>>
      %dma_wait3A_237 = tpu.memref_squeeze %dma_wait3A_236 : memref<1x64x128xf32, #tpu.memory_space<vmem>> -> memref<64x128xf32, #tpu.memory_space<vmem>>
      %dma_wait3A_238 = arith.constant 0 : i32
      %dma_wait3A_239 = tpu.memref_slice %arg9[%add3A_25, %dma_wait3A_238] : memref<10240x128xf32, #tpu.memory_space<vmem_shared>> -> memref<64x128xf32, #tpu.memory_space<vmem_shared>>
      %dma_wait3A_240 = arith.constant 0 : i32
      %dma_wait3A_241 = tpu.memref_slice %arg9[%add3A_25, %dma_wait3A_240] : memref<10240x128xf32, #tpu.memory_space<vmem_shared>> -> memref<64x128xf32, #tpu.memory_space<vmem_shared>>
      %dma_wait3A_242 = arith.constant 0 : i32
      %dma_wait3A_243 = arith.constant 0 : i32
      %dma_wait3A_244 = tpu.memref_slice %arg8[%run_scoped3A_26, %dma_wait3A_242, %dma_wait3A_243] : memref<5x64x128xf32, #tpu.memory_space<vmem>> -> memref<1x64x128xf32, #tpu.memory_space<vmem>>
      %dma_wait3A_245 = tpu.memref_squeeze %dma_wait3A_244 : memref<1x64x128xf32, #tpu.memory_space<vmem>> -> memref<64x128xf32, #tpu.memory_space<vmem>>
      tpu.wait_dma2 semaphore(%run_scoped3A_221 : memref<!tpu.dma_semaphore, #tpu.memory_space<semaphore_mem>>) src(%dma_wait3A_245 : memref<64x128xf32, #tpu.memory_space<vmem>>) dst(%dma_wait3A_241 : memref<64x128xf32, #tpu.memory_space<vmem_shared>>)
      tpu.yield
    }) : () -> ()
    %mul3A_27 = arith.constant 640 : i32
    %mul3A_28 = arith.muli %arg1, %mul3A_27 : i32
    %add3A_29 = arith.constant 256 : i32
    %add3A_30 = arith.addi %mul3A_28, %add3A_29 : i32
    %run_scoped3A_31 = arith.constant 0 : i32
    "tpu.region"() ({
      %run_scoped3A_221 = tpu.sem_alloc : memref<!tpu.dma_semaphore, #tpu.memory_space<semaphore_mem>>
      %dma_start3A_222 = arith.constant 0 : i32
      %dma_start3A_223 = arith.constant 0 : i32
      %dma_start3A_224 = tpu.memref_slice %arg8[%run_scoped3A_31, %dma_start3A_222, %dma_start3A_223] : memref<5x64x128xf32, #tpu.memory_space<vmem>> -> memref<1x64x128xf32, #tpu.memory_space<vmem>>
      %dma_start3A_225 = tpu.memref_squeeze %dma_start3A_224 : memref<1x64x128xf32, #tpu.memory_space<vmem>> -> memref<64x128xf32, #tpu.memory_space<vmem>>
      %dma_start3A_226 = arith.constant 0 : i32
      %dma_start3A_227 = tpu.memref_slice %arg9[%add3A_30, %dma_start3A_226] : memref<10240x128xf32, #tpu.memory_space<vmem_shared>> -> memref<64x128xf32, #tpu.memory_space<vmem_shared>>
      %dma_start3A_228 = arith.constant 0 : i32
      %dma_start3A_229 = tpu.memref_slice %arg9[%add3A_30, %dma_start3A_228] : memref<10240x128xf32, #tpu.memory_space<vmem_shared>> -> memref<64x128xf32, #tpu.memory_space<vmem_shared>>
      %dma_start3A_230 = arith.constant 0 : i32
      %dma_start3A_231 = arith.constant 0 : i32
      %dma_start3A_232 = tpu.memref_slice %arg8[%run_scoped3A_31, %dma_start3A_230, %dma_start3A_231] : memref<5x64x128xf32, #tpu.memory_space<vmem>> -> memref<1x64x128xf32, #tpu.memory_space<vmem>>
      %dma_start3A_233 = tpu.memref_squeeze %dma_start3A_232 : memref<1x64x128xf32, #tpu.memory_space<vmem>> -> memref<64x128xf32, #tpu.memory_space<vmem>>
      tpu.enqueue_dma source(%dma_start3A_233 : memref<64x128xf32, #tpu.memory_space<vmem>>) target(%dma_start3A_229 : memref<64x128xf32, #tpu.memory_space<vmem_shared>>) target_semaphore(%run_scoped3A_221 : memref<!tpu.dma_semaphore, #tpu.memory_space<semaphore_mem>>)
      %dma_wait3A_234 = arith.constant 0 : i32
      %dma_wait3A_235 = arith.constant 0 : i32
      %dma_wait3A_236 = tpu.memref_slice %arg8[%run_scoped3A_31, %dma_wait3A_234, %dma_wait3A_235] : memref<5x64x128xf32, #tpu.memory_space<vmem>> -> memref<1x64x128xf32, #tpu.memory_space<vmem>>
      %dma_wait3A_237 = tpu.memref_squeeze %dma_wait3A_236 : memref<1x64x128xf32, #tpu.memory_space<vmem>> -> memref<64x128xf32, #tpu.memory_space<vmem>>
      %dma_wait3A_238 = arith.constant 0 : i32
      %dma_wait3A_239 = tpu.memref_slice %arg9[%add3A_30, %dma_wait3A_238] : memref<10240x128xf32, #tpu.memory_space<vmem_shared>> -> memref<64x128xf32, #tpu.memory_space<vmem_shared>>
      %dma_wait3A_240 = arith.constant 0 : i32
      %dma_wait3A_241 = tpu.memref_slice %arg9[%add3A_30, %dma_wait3A_240] : memref<10240x128xf32, #tpu.memory_space<vmem_shared>> -> memref<64x128xf32, #tpu.memory_space<vmem_shared>>
      %dma_wait3A_242 = arith.constant 0 : i32
      %dma_wait3A_243 = arith.constant 0 : i32
      %dma_wait3A_244 = tpu.memref_slice %arg8[%run_scoped3A_31, %dma_wait3A_242, %dma_wait3A_243] : memref<5x64x128xf32, #tpu.memory_space<vmem>> -> memref<1x64x128xf32, #tpu.memory_space<vmem>>
      %dma_wait3A_245 = tpu.memref_squeeze %dma_wait3A_244 : memref<1x64x128xf32, #tpu.memory_space<vmem>> -> memref<64x128xf32, #tpu.memory_space<vmem>>
      tpu.wait_dma2 semaphore(%run_scoped3A_221 : memref<!tpu.dma_semaphore, #tpu.memory_space<semaphore_mem>>) src(%dma_wait3A_245 : memref<64x128xf32, #tpu.memory_space<vmem>>) dst(%dma_wait3A_241 : memref<64x128xf32, #tpu.memory_space<vmem_shared>>)
      tpu.yield
    }) : () -> ()
    %mul3A_32 = arith.constant 640 : i32
    %mul3A_33 = arith.muli %arg1, %mul3A_32 : i32
    %add3A_34 = arith.constant 320 : i32
    %add3A_35 = arith.addi %mul3A_33, %add3A_34 : i32
    %run_scoped3A_36 = arith.constant 0 : i32
    "tpu.region"() ({
      %run_scoped3A_221 = tpu.sem_alloc : memref<!tpu.dma_semaphore, #tpu.memory_space<semaphore_mem>>
      %dma_start3A_222 = arith.constant 0 : i32
      %dma_start3A_223 = arith.constant 0 : i32
      %dma_start3A_224 = tpu.memref_slice %arg8[%run_scoped3A_36, %dma_start3A_222, %dma_start3A_223] : memref<5x64x128xf32, #tpu.memory_space<vmem>> -> memref<1x64x128xf32, #tpu.memory_space<vmem>>
      %dma_start3A_225 = tpu.memref_squeeze %dma_start3A_224 : memref<1x64x128xf32, #tpu.memory_space<vmem>> -> memref<64x128xf32, #tpu.memory_space<vmem>>
      %dma_start3A_226 = arith.constant 0 : i32
      %dma_start3A_227 = tpu.memref_slice %arg9[%add3A_35, %dma_start3A_226] : memref<10240x128xf32, #tpu.memory_space<vmem_shared>> -> memref<64x128xf32, #tpu.memory_space<vmem_shared>>
      %dma_start3A_228 = arith.constant 0 : i32
      %dma_start3A_229 = tpu.memref_slice %arg9[%add3A_35, %dma_start3A_228] : memref<10240x128xf32, #tpu.memory_space<vmem_shared>> -> memref<64x128xf32, #tpu.memory_space<vmem_shared>>
      %dma_start3A_230 = arith.constant 0 : i32
      %dma_start3A_231 = arith.constant 0 : i32
      %dma_start3A_232 = tpu.memref_slice %arg8[%run_scoped3A_36, %dma_start3A_230, %dma_start3A_231] : memref<5x64x128xf32, #tpu.memory_space<vmem>> -> memref<1x64x128xf32, #tpu.memory_space<vmem>>
      %dma_start3A_233 = tpu.memref_squeeze %dma_start3A_232 : memref<1x64x128xf32, #tpu.memory_space<vmem>> -> memref<64x128xf32, #tpu.memory_space<vmem>>
      tpu.enqueue_dma source(%dma_start3A_233 : memref<64x128xf32, #tpu.memory_space<vmem>>) target(%dma_start3A_229 : memref<64x128xf32, #tpu.memory_space<vmem_shared>>) target_semaphore(%run_scoped3A_221 : memref<!tpu.dma_semaphore, #tpu.memory_space<semaphore_mem>>)
      %dma_wait3A_234 = arith.constant 0 : i32
      %dma_wait3A_235 = arith.constant 0 : i32
      %dma_wait3A_236 = tpu.memref_slice %arg8[%run_scoped3A_36, %dma_wait3A_234, %dma_wait3A_235] : memref<5x64x128xf32, #tpu.memory_space<vmem>> -> memref<1x64x128xf32, #tpu.memory_space<vmem>>
      %dma_wait3A_237 = tpu.memref_squeeze %dma_wait3A_236 : memref<1x64x128xf32, #tpu.memory_space<vmem>> -> memref<64x128xf32, #tpu.memory_space<vmem>>
      %dma_wait3A_238 = arith.constant 0 : i32
      %dma_wait3A_239 = tpu.memref_slice %arg9[%add3A_35, %dma_wait3A_238] : memref<10240x128xf32, #tpu.memory_space<vmem_shared>> -> memref<64x128xf32, #tpu.memory_space<vmem_shared>>
      %dma_wait3A_240 = arith.constant 0 : i32
      %dma_wait3A_241 = tpu.memref_slice %arg9[%add3A_35, %dma_wait3A_240] : memref<10240x128xf32, #tpu.memory_space<vmem_shared>> -> memref<64x128xf32, #tpu.memory_space<vmem_shared>>
      %dma_wait3A_242 = arith.constant 0 : i32
      %dma_wait3A_243 = arith.constant 0 : i32
      %dma_wait3A_244 = tpu.memref_slice %arg8[%run_scoped3A_36, %dma_wait3A_242, %dma_wait3A_243] : memref<5x64x128xf32, #tpu.memory_space<vmem>> -> memref<1x64x128xf32, #tpu.memory_space<vmem>>
      %dma_wait3A_245 = tpu.memref_squeeze %dma_wait3A_244 : memref<1x64x128xf32, #tpu.memory_space<vmem>> -> memref<64x128xf32, #tpu.memory_space<vmem>>
      tpu.wait_dma2 semaphore(%run_scoped3A_221 : memref<!tpu.dma_semaphore, #tpu.memory_space<semaphore_mem>>) src(%dma_wait3A_245 : memref<64x128xf32, #tpu.memory_space<vmem>>) dst(%dma_wait3A_241 : memref<64x128xf32, #tpu.memory_space<vmem_shared>>)
      tpu.yield
    }) : () -> ()
    %mul3A_37 = arith.constant 640 : i32
    %mul3A_38 = arith.muli %arg1, %mul3A_37 : i32
    %add3A_39 = arith.constant 384 : i32
    %add3A_40 = arith.addi %mul3A_38, %add3A_39 : i32
    %run_scoped3A_41 = arith.constant 0 : i32
    "tpu.region"() ({
      %run_scoped3A_221 = tpu.sem_alloc : memref<!tpu.dma_semaphore, #tpu.memory_space<semaphore_mem>>
      %dma_start3A_222 = arith.constant 0 : i32
      %dma_start3A_223 = arith.constant 0 : i32
      %dma_start3A_224 = tpu.memref_slice %arg8[%run_scoped3A_41, %dma_start3A_222, %dma_start3A_223] : memref<5x64x128xf32, #tpu.memory_space<vmem>> -> memref<1x64x128xf32, #tpu.memory_space<vmem>>
      %dma_start3A_225 = tpu.memref_squeeze %dma_start3A_224 : memref<1x64x128xf32, #tpu.memory_space<vmem>> -> memref<64x128xf32, #tpu.memory_space<vmem>>
      %dma_start3A_226 = arith.constant 0 : i32
      %dma_start3A_227 = tpu.memref_slice %arg9[%add3A_40, %dma_start3A_226] : memref<10240x128xf32, #tpu.memory_space<vmem_shared>> -> memref<64x128xf32, #tpu.memory_space<vmem_shared>>
      %dma_start3A_228 = arith.constant 0 : i32
      %dma_start3A_229 = tpu.memref_slice %arg9[%add3A_40, %dma_start3A_228] : memref<10240x128xf32, #tpu.memory_space<vmem_shared>> -> memref<64x128xf32, #tpu.memory_space<vmem_shared>>
      %dma_start3A_230 = arith.constant 0 : i32
      %dma_start3A_231 = arith.constant 0 : i32
      %dma_start3A_232 = tpu.memref_slice %arg8[%run_scoped3A_41, %dma_start3A_230, %dma_start3A_231] : memref<5x64x128xf32, #tpu.memory_space<vmem>> -> memref<1x64x128xf32, #tpu.memory_space<vmem>>
      %dma_start3A_233 = tpu.memref_squeeze %dma_start3A_232 : memref<1x64x128xf32, #tpu.memory_space<vmem>> -> memref<64x128xf32, #tpu.memory_space<vmem>>
      tpu.enqueue_dma source(%dma_start3A_233 : memref<64x128xf32, #tpu.memory_space<vmem>>) target(%dma_start3A_229 : memref<64x128xf32, #tpu.memory_space<vmem_shared>>) target_semaphore(%run_scoped3A_221 : memref<!tpu.dma_semaphore, #tpu.memory_space<semaphore_mem>>)
      %dma_wait3A_234 = arith.constant 0 : i32
      %dma_wait3A_235 = arith.constant 0 : i32
      %dma_wait3A_236 = tpu.memref_slice %arg8[%run_scoped3A_41, %dma_wait3A_234, %dma_wait3A_235] : memref<5x64x128xf32, #tpu.memory_space<vmem>> -> memref<1x64x128xf32, #tpu.memory_space<vmem>>
      %dma_wait3A_237 = tpu.memref_squeeze %dma_wait3A_236 : memref<1x64x128xf32, #tpu.memory_space<vmem>> -> memref<64x128xf32, #tpu.memory_space<vmem>>
      %dma_wait3A_238 = arith.constant 0 : i32
      %dma_wait3A_239 = tpu.memref_slice %arg9[%add3A_40, %dma_wait3A_238] : memref<10240x128xf32, #tpu.memory_space<vmem_shared>> -> memref<64x128xf32, #tpu.memory_space<vmem_shared>>
      %dma_wait3A_240 = arith.constant 0 : i32
      %dma_wait3A_241 = tpu.memref_slice %arg9[%add3A_40, %dma_wait3A_240] : memref<10240x128xf32, #tpu.memory_space<vmem_shared>> -> memref<64x128xf32, #tpu.memory_space<vmem_shared>>
      %dma_wait3A_242 = arith.constant 0 : i32
      %dma_wait3A_243 = arith.constant 0 : i32
      %dma_wait3A_244 = tpu.memref_slice %arg8[%run_scoped3A_41, %dma_wait3A_242, %dma_wait3A_243] : memref<5x64x128xf32, #tpu.memory_space<vmem>> -> memref<1x64x128xf32, #tpu.memory_space<vmem>>
      %dma_wait3A_245 = tpu.memref_squeeze %dma_wait3A_244 : memref<1x64x128xf32, #tpu.memory_space<vmem>> -> memref<64x128xf32, #tpu.memory_space<vmem>>
      tpu.wait_dma2 semaphore(%run_scoped3A_221 : memref<!tpu.dma_semaphore, #tpu.memory_space<semaphore_mem>>) src(%dma_wait3A_245 : memref<64x128xf32, #tpu.memory_space<vmem>>) dst(%dma_wait3A_241 : memref<64x128xf32, #tpu.memory_space<vmem_shared>>)
      tpu.yield
    }) : () -> ()
    %mul3A_42 = arith.constant 640 : i32
    %mul3A_43 = arith.muli %arg1, %mul3A_42 : i32
    %add3A_44 = arith.constant 448 : i32
    %add3A_45 = arith.addi %mul3A_43, %add3A_44 : i32
    %run_scoped3A_46 = arith.constant 0 : i32
    "tpu.region"() ({
      %run_scoped3A_221 = tpu.sem_alloc : memref<!tpu.dma_semaphore, #tpu.memory_space<semaphore_mem>>
      %dma_start3A_222 = arith.constant 0 : i32
      %dma_start3A_223 = arith.constant 0 : i32
      %dma_start3A_224 = tpu.memref_slice %arg8[%run_scoped3A_46, %dma_start3A_222, %dma_start3A_223] : memref<5x64x128xf32, #tpu.memory_space<vmem>> -> memref<1x64x128xf32, #tpu.memory_space<vmem>>
      %dma_start3A_225 = tpu.memref_squeeze %dma_start3A_224 : memref<1x64x128xf32, #tpu.memory_space<vmem>> -> memref<64x128xf32, #tpu.memory_space<vmem>>
      %dma_start3A_226 = arith.constant 0 : i32
      %dma_start3A_227 = tpu.memref_slice %arg9[%add3A_45, %dma_start3A_226] : memref<10240x128xf32, #tpu.memory_space<vmem_shared>> -> memref<64x128xf32, #tpu.memory_space<vmem_shared>>
      %dma_start3A_228 = arith.constant 0 : i32
      %dma_start3A_229 = tpu.memref_slice %arg9[%add3A_45, %dma_start3A_228] : memref<10240x128xf32, #tpu.memory_space<vmem_shared>> -> memref<64x128xf32, #tpu.memory_space<vmem_shared>>
      %dma_start3A_230 = arith.constant 0 : i32
      %dma_start3A_231 = arith.constant 0 : i32
      %dma_start3A_232 = tpu.memref_slice %arg8[%run_scoped3A_46, %dma_start3A_230, %dma_start3A_231] : memref<5x64x128xf32, #tpu.memory_space<vmem>> -> memref<1x64x128xf32, #tpu.memory_space<vmem>>
      %dma_start3A_233 = tpu.memref_squeeze %dma_start3A_232 : memref<1x64x128xf32, #tpu.memory_space<vmem>> -> memref<64x128xf32, #tpu.memory_space<vmem>>
      tpu.enqueue_dma source(%dma_start3A_233 : memref<64x128xf32, #tpu.memory_space<vmem>>) target(%dma_start3A_229 : memref<64x128xf32, #tpu.memory_space<vmem_shared>>) target_semaphore(%run_scoped3A_221 : memref<!tpu.dma_semaphore, #tpu.memory_space<semaphore_mem>>)
      %dma_wait3A_234 = arith.constant 0 : i32
      %dma_wait3A_235 = arith.constant 0 : i32
      %dma_wait3A_236 = tpu.memref_slice %arg8[%run_scoped3A_46, %dma_wait3A_234, %dma_wait3A_235] : memref<5x64x128xf32, #tpu.memory_space<vmem>> -> memref<1x64x128xf32, #tpu.memory_space<vmem>>
      %dma_wait3A_237 = tpu.memref_squeeze %dma_wait3A_236 : memref<1x64x128xf32, #tpu.memory_space<vmem>> -> memref<64x128xf32, #tpu.memory_space<vmem>>
      %dma_wait3A_238 = arith.constant 0 : i32
      %dma_wait3A_239 = tpu.memref_slice %arg9[%add3A_45, %dma_wait3A_238] : memref<10240x128xf32, #tpu.memory_space<vmem_shared>> -> memref<64x128xf32, #tpu.memory_space<vmem_shared>>
      %dma_wait3A_240 = arith.constant 0 : i32
      %dma_wait3A_241 = tpu.memref_slice %arg9[%add3A_45, %dma_wait3A_240] : memref<10240x128xf32, #tpu.memory_space<vmem_shared>> -> memref<64x128xf32, #tpu.memory_space<vmem_shared>>
      %dma_wait3A_242 = arith.constant 0 : i32
      %dma_wait3A_243 = arith.constant 0 : i32
      %dma_wait3A_244 = tpu.memref_slice %arg8[%run_scoped3A_46, %dma_wait3A_242, %dma_wait3A_243] : memref<5x64x128xf32, #tpu.memory_space<vmem>> -> memref<1x64x128xf32, #tpu.memory_space<vmem>>
      %dma_wait3A_245 = tpu.memref_squeeze %dma_wait3A_244 : memref<1x64x128xf32, #tpu.memory_space<vmem>> -> memref<64x128xf32, #tpu.memory_space<vmem>>
      tpu.wait_dma2 semaphore(%run_scoped3A_221 : memref<!tpu.dma_semaphore, #tpu.memory_space<semaphore_mem>>) src(%dma_wait3A_245 : memref<64x128xf32, #tpu.memory_space<vmem>>) dst(%dma_wait3A_241 : memref<64x128xf32, #tpu.memory_space<vmem_shared>>)
      tpu.yield
    }) : () -> ()
    %mul3A_47 = arith.constant 640 : i32
    %mul3A_48 = arith.muli %arg1, %mul3A_47 : i32
    %add3A_49 = arith.constant 512 : i32
    %add3A_50 = arith.addi %mul3A_48, %add3A_49 : i32
    %run_scoped3A_51 = arith.constant 0 : i32
    "tpu.region"() ({
      %run_scoped3A_221 = tpu.sem_alloc : memref<!tpu.dma_semaphore, #tpu.memory_space<semaphore_mem>>
      %dma_start3A_222 = arith.constant 0 : i32
      %dma_start3A_223 = arith.constant 0 : i32
      %dma_start3A_224 = tpu.memref_slice %arg8[%run_scoped3A_51, %dma_start3A_222, %dma_start3A_223] : memref<5x64x128xf32, #tpu.memory_space<vmem>> -> memref<1x64x128xf32, #tpu.memory_space<vmem>>
      %dma_start3A_225 = tpu.memref_squeeze %dma_start3A_224 : memref<1x64x128xf32, #tpu.memory_space<vmem>> -> memref<64x128xf32, #tpu.memory_space<vmem>>
      %dma_start3A_226 = arith.constant 0 : i32
      %dma_start3A_227 = tpu.memref_slice %arg9[%add3A_50, %dma_start3A_226] : memref<10240x128xf32, #tpu.memory_space<vmem_shared>> -> memref<64x128xf32, #tpu.memory_space<vmem_shared>>
      %dma_start3A_228 = arith.constant 0 : i32
      %dma_start3A_229 = tpu.memref_slice %arg9[%add3A_50, %dma_start3A_228] : memref<10240x128xf32, #tpu.memory_space<vmem_shared>> -> memref<64x128xf32, #tpu.memory_space<vmem_shared>>
      %dma_start3A_230 = arith.constant 0 : i32
      %dma_start3A_231 = arith.constant 0 : i32
      %dma_start3A_232 = tpu.memref_slice %arg8[%run_scoped3A_51, %dma_start3A_230, %dma_start3A_231] : memref<5x64x128xf32, #tpu.memory_space<vmem>> -> memref<1x64x128xf32, #tpu.memory_space<vmem>>
      %dma_start3A_233 = tpu.memref_squeeze %dma_start3A_232 : memref<1x64x128xf32, #tpu.memory_space<vmem>> -> memref<64x128xf32, #tpu.memory_space<vmem>>
      tpu.enqueue_dma source(%dma_start3A_233 : memref<64x128xf32, #tpu.memory_space<vmem>>) target(%dma_start3A_229 : memref<64x128xf32, #tpu.memory_space<vmem_shared>>) target_semaphore(%run_scoped3A_221 : memref<!tpu.dma_semaphore, #tpu.memory_space<semaphore_mem>>)
      %dma_wait3A_234 = arith.constant 0 : i32
      %dma_wait3A_235 = arith.constant 0 : i32
      %dma_wait3A_236 = tpu.memref_slice %arg8[%run_scoped3A_51, %dma_wait3A_234, %dma_wait3A_235] : memref<5x64x128xf32, #tpu.memory_space<vmem>> -> memref<1x64x128xf32, #tpu.memory_space<vmem>>
      %dma_wait3A_237 = tpu.memref_squeeze %dma_wait3A_236 : memref<1x64x128xf32, #tpu.memory_space<vmem>> -> memref<64x128xf32, #tpu.memory_space<vmem>>
      %dma_wait3A_238 = arith.constant 0 : i32
      %dma_wait3A_239 = tpu.memref_slice %arg9[%add3A_50, %dma_wait3A_238] : memref<10240x128xf32, #tpu.memory_space<vmem_shared>> -> memref<64x128xf32, #tpu.memory_space<vmem_shared>>
      %dma_wait3A_240 = arith.constant 0 : i32
      %dma_wait3A_241 = tpu.memref_slice %arg9[%add3A_50, %dma_wait3A_240] : memref<10240x128xf32, #tpu.memory_space<vmem_shared>> -> memref<64x128xf32, #tpu.memory_space<vmem_shared>>
      %dma_wait3A_242 = arith.constant 0 : i32
      %dma_wait3A_243 = arith.constant 0 : i32
      %dma_wait3A_244 = tpu.memref_slice %arg8[%run_scoped3A_51, %dma_wait3A_242, %dma_wait3A_243] : memref<5x64x128xf32, #tpu.memory_space<vmem>> -> memref<1x64x128xf32, #tpu.memory_space<vmem>>
      %dma_wait3A_245 = tpu.memref_squeeze %dma_wait3A_244 : memref<1x64x128xf32, #tpu.memory_space<vmem>> -> memref<64x128xf32, #tpu.memory_space<vmem>>
      tpu.wait_dma2 semaphore(%run_scoped3A_221 : memref<!tpu.dma_semaphore, #tpu.memory_space<semaphore_mem>>) src(%dma_wait3A_245 : memref<64x128xf32, #tpu.memory_space<vmem>>) dst(%dma_wait3A_241 : memref<64x128xf32, #tpu.memory_space<vmem_shared>>)
      tpu.yield
    }) : () -> ()
    %mul3A_52 = arith.constant 640 : i32
    %mul3A_53 = arith.muli %arg1, %mul3A_52 : i32
    %add3A_54 = arith.constant 576 : i32
    %add3A_55 = arith.addi %mul3A_53, %add3A_54 : i32
    %run_scoped3A_56 = arith.constant 0 : i32
    "tpu.region"() ({
      %run_scoped3A_221 = tpu.sem_alloc : memref<!tpu.dma_semaphore, #tpu.memory_space<semaphore_mem>>
      %dma_start3A_222 = arith.constant 0 : i32
      %dma_start3A_223 = arith.constant 0 : i32
      %dma_start3A_224 = tpu.memref_slice %arg8[%run_scoped3A_56, %dma_start3A_222, %dma_start3A_223] : memref<5x64x128xf32, #tpu.memory_space<vmem>> -> memref<1x64x128xf32, #tpu.memory_space<vmem>>
      %dma_start3A_225 = tpu.memref_squeeze %dma_start3A_224 : memref<1x64x128xf32, #tpu.memory_space<vmem>> -> memref<64x128xf32, #tpu.memory_space<vmem>>
      %dma_start3A_226 = arith.constant 0 : i32
      %dma_start3A_227 = tpu.memref_slice %arg9[%add3A_55, %dma_start3A_226] : memref<10240x128xf32, #tpu.memory_space<vmem_shared>> -> memref<64x128xf32, #tpu.memory_space<vmem_shared>>
      %dma_start3A_228 = arith.constant 0 : i32
      %dma_start3A_229 = tpu.memref_slice %arg9[%add3A_55, %dma_start3A_228] : memref<10240x128xf32, #tpu.memory_space<vmem_shared>> -> memref<64x128xf32, #tpu.memory_space<vmem_shared>>
      %dma_start3A_230 = arith.constant 0 : i32
      %dma_start3A_231 = arith.constant 0 : i32
      %dma_start3A_232 = tpu.memref_slice %arg8[%run_scoped3A_56, %dma_start3A_230, %dma_start3A_231] : memref<5x64x128xf32, #tpu.memory_space<vmem>> -> memref<1x64x128xf32, #tpu.memory_space<vmem>>
      %dma_start3A_233 = tpu.memref_squeeze %dma_start3A_232 : memref<1x64x128xf32, #tpu.memory_space<vmem>> -> memref<64x128xf32, #tpu.memory_space<vmem>>
      tpu.enqueue_dma source(%dma_start3A_233 : memref<64x128xf32, #tpu.memory_space<vmem>>) target(%dma_start3A_229 : memref<64x128xf32, #tpu.memory_space<vmem_shared>>) target_semaphore(%run_scoped3A_221 : memref<!tpu.dma_semaphore, #tpu.memory_space<semaphore_mem>>)
      %dma_wait3A_234 = arith.constant 0 : i32
      %dma_wait3A_235 = arith.constant 0 : i32
      %dma_wait3A_236 = tpu.memref_slice %arg8[%run_scoped3A_56, %dma_wait3A_234, %dma_wait3A_235] : memref<5x64x128xf32, #tpu.memory_space<vmem>> -> memref<1x64x128xf32, #tpu.memory_space<vmem>>
      %dma_wait3A_237 = tpu.memref_squeeze %dma_wait3A_236 : memref<1x64x128xf32, #tpu.memory_space<vmem>> -> memref<64x128xf32, #tpu.memory_space<vmem>>
      %dma_wait3A_238 = arith.constant 0 : i32
      %dma_wait3A_239 = tpu.memref_slice %arg9[%add3A_55, %dma_wait3A_238] : memref<10240x128xf32, #tpu.memory_space<vmem_shared>> -> memref<64x128xf32, #tpu.memory_space<vmem_shared>>
      %dma_wait3A_240 = arith.constant 0 : i32
      %dma_wait3A_241 = tpu.memref_slice %arg9[%add3A_55, %dma_wait3A_240] : memref<10240x128xf32, #tpu.memory_space<vmem_shared>> -> memref<64x128xf32, #tpu.memory_space<vmem_shared>>
      %dma_wait3A_242 = arith.constant 0 : i32
      %dma_wait3A_243 = arith.constant 0 : i32
      %dma_wait3A_244 = tpu.memref_slice %arg8[%run_scoped3A_56, %dma_wait3A_242, %dma_wait3A_243] : memref<5x64x128xf32, #tpu.memory_space<vmem>> -> memref<1x64x128xf32, #tpu.memory_space<vmem>>
      %dma_wait3A_245 = tpu.memref_squeeze %dma_wait3A_244 : memref<1x64x128xf32, #tpu.memory_space<vmem>> -> memref<64x128xf32, #tpu.memory_space<vmem>>
      tpu.wait_dma2 semaphore(%run_scoped3A_221 : memref<!tpu.dma_semaphore, #tpu.memory_space<semaphore_mem>>) src(%dma_wait3A_245 : memref<64x128xf32, #tpu.memory_space<vmem>>) dst(%dma_wait3A_241 : memref<64x128xf32, #tpu.memory_space<vmem_shared>>)
      tpu.yield
    }) : () -> ()
    %rem3A = arith.constant 0 : i32
    %rem3A_57 = arith.constant 2 : i32
    %rem3A_58 = arith.remsi %rem3A, %rem3A_57 : i32
    %add3A_59 = arith.constant 0 : i32
    %add3A_60 = arith.addi %add3A, %add3A_59 : i32
    %dma_start3A = arith.constant 0 : i32
    %dma_start3A_61 = arith.constant 0 : i32
    %dma_start3A_62 = tpu.memref_slice %arg6[%rem3A_58, %dma_start3A, %dma_start3A_61] : memref<2x16x64xi32, #tpu.memory_space<vmem>> -> memref<1x16x64xi32, #tpu.memory_space<vmem>>
    %dma_start3A_63 = tpu.memref_squeeze %dma_start3A_62 : memref<1x16x64xi32, #tpu.memory_space<vmem>> -> memref<16x64xi32, #tpu.memory_space<vmem>>
    %dma_start3A_64 = arith.constant 0 : i32
    %dma_start3A_65 = tpu.memref_slice %arg3[%add3A_60, %dma_start3A_64] : memref<5120x64xi32, #tpu.memory_space<hbm>> -> memref<16x64xi32, #tpu.memory_space<hbm>>
    %dma_start3A_66 = arith.constant 0 : i32
    %dma_start3A_67 = arith.constant 0 : i32
    %dma_start3A_68 = tpu.memref_slice %arg6[%rem3A_58, %dma_start3A_66, %dma_start3A_67] : memref<2x16x64xi32, #tpu.memory_space<vmem>> -> memref<1x16x64xi32, #tpu.memory_space<vmem>>
    %dma_start3A_69 = tpu.memref_squeeze %dma_start3A_68 : memref<1x16x64xi32, #tpu.memory_space<vmem>> -> memref<16x64xi32, #tpu.memory_space<vmem>>
    %dma_start3A_70 = arith.constant 0 : i32
    %dma_start3A_71 = tpu.memref_slice %arg3[%add3A_60, %dma_start3A_70] : memref<5120x64xi32, #tpu.memory_space<hbm>> -> memref<16x64xi32, #tpu.memory_space<hbm>>
    tpu.enqueue_dma source(%dma_start3A_71 : memref<16x64xi32, #tpu.memory_space<hbm>>) target(%dma_start3A_69 : memref<16x64xi32, #tpu.memory_space<vmem>>) target_semaphore(%arg11 : memref<!tpu.dma_semaphore, #tpu.memory_space<semaphore_mem>>)
    %add3A_72 = arith.constant 0 : i32
    %add3A_73 = arith.addi %add3A, %add3A_72 : i32
    %dma_start3A_74 = arith.constant 0 : i32
    %dma_start3A_75 = arith.constant 0 : i32
    %dma_start3A_76 = tpu.memref_slice %arg7[%rem3A_58, %dma_start3A_74, %dma_start3A_75] : memref<2x16x64xi32, #tpu.memory_space<vmem>> -> memref<1x16x64xi32, #tpu.memory_space<vmem>>
    %dma_start3A_77 = tpu.memref_squeeze %dma_start3A_76 : memref<1x16x64xi32, #tpu.memory_space<vmem>> -> memref<16x64xi32, #tpu.memory_space<vmem>>
    %dma_start3A_78 = arith.constant 0 : i32
    %dma_start3A_79 = tpu.memref_slice %arg4[%add3A_73, %dma_start3A_78] : memref<5120x64xi32, #tpu.memory_space<hbm>> -> memref<16x64xi32, #tpu.memory_space<hbm>>
    %dma_start3A_80 = arith.constant 0 : i32
    %dma_start3A_81 = arith.constant 0 : i32
    %dma_start3A_82 = tpu.memref_slice %arg7[%rem3A_58, %dma_start3A_80, %dma_start3A_81] : memref<2x16x64xi32, #tpu.memory_space<vmem>> -> memref<1x16x64xi32, #tpu.memory_space<vmem>>
    %dma_start3A_83 = tpu.memref_squeeze %dma_start3A_82 : memref<1x16x64xi32, #tpu.memory_space<vmem>> -> memref<16x64xi32, #tpu.memory_space<vmem>>
    %dma_start3A_84 = arith.constant 0 : i32
    %dma_start3A_85 = tpu.memref_slice %arg4[%add3A_73, %dma_start3A_84] : memref<5120x64xi32, #tpu.memory_space<hbm>> -> memref<16x64xi32, #tpu.memory_space<hbm>>
    tpu.enqueue_dma source(%dma_start3A_85 : memref<16x64xi32, #tpu.memory_space<hbm>>) target(%dma_start3A_83 : memref<16x64xi32, #tpu.memory_space<vmem>>) target_semaphore(%arg11 : memref<!tpu.dma_semaphore, #tpu.memory_space<semaphore_mem>>)
    %rem3A_86 = arith.constant 0 : i32
    %rem3A_87 = arith.constant 2 : i32
    %rem3A_88 = arith.remsi %rem3A_86, %rem3A_87 : i32
    %add3A_89 = arith.constant 0 : i32
    %add3A_90 = arith.addi %add3A, %add3A_89 : i32
    %dma_wait3A = arith.constant 0 : i32
    %dma_wait3A_91 = arith.constant 0 : i32
    %dma_wait3A_92 = tpu.memref_slice %arg6[%rem3A_88, %dma_wait3A, %dma_wait3A_91] : memref<2x16x64xi32, #tpu.memory_space<vmem>> -> memref<1x16x64xi32, #tpu.memory_space<vmem>>
    %dma_wait3A_93 = tpu.memref_squeeze %dma_wait3A_92 : memref<1x16x64xi32, #tpu.memory_space<vmem>> -> memref<16x64xi32, #tpu.memory_space<vmem>>
    %dma_wait3A_94 = arith.constant 0 : i32
    %dma_wait3A_95 = tpu.memref_slice %arg3[%add3A_90, %dma_wait3A_94] : memref<5120x64xi32, #tpu.memory_space<hbm>> -> memref<16x64xi32, #tpu.memory_space<hbm>>
    %dma_wait3A_96 = arith.constant 0 : i32
    %dma_wait3A_97 = arith.constant 0 : i32
    %dma_wait3A_98 = tpu.memref_slice %arg6[%rem3A_88, %dma_wait3A_96, %dma_wait3A_97] : memref<2x16x64xi32, #tpu.memory_space<vmem>> -> memref<1x16x64xi32, #tpu.memory_space<vmem>>
    %dma_wait3A_99 = tpu.memref_squeeze %dma_wait3A_98 : memref<1x16x64xi32, #tpu.memory_space<vmem>> -> memref<16x64xi32, #tpu.memory_space<vmem>>
    %dma_wait3A_100 = arith.constant 0 : i32
    %dma_wait3A_101 = tpu.memref_slice %arg3[%add3A_90, %dma_wait3A_100] : memref<5120x64xi32, #tpu.memory_space<hbm>> -> memref<16x64xi32, #tpu.memory_space<hbm>>
    tpu.wait_dma2 semaphore(%arg11 : memref<!tpu.dma_semaphore, #tpu.memory_space<semaphore_mem>>) src(%dma_wait3A_101 : memref<16x64xi32, #tpu.memory_space<hbm>>) dst(%dma_wait3A_99 : memref<16x64xi32, #tpu.memory_space<vmem>>)
    %add3A_102 = arith.constant 0 : i32
    %add3A_103 = arith.addi %add3A, %add3A_102 : i32
    %dma_wait3A_104 = arith.constant 0 : i32
    %dma_wait3A_105 = arith.constant 0 : i32
    %dma_wait3A_106 = tpu.memref_slice %arg7[%rem3A_88, %dma_wait3A_104, %dma_wait3A_105] : memref<2x16x64xi32, #tpu.memory_space<vmem>> -> memref<1x16x64xi32, #tpu.memory_space<vmem>>
    %dma_wait3A_107 = tpu.memref_squeeze %dma_wait3A_106 : memref<1x16x64xi32, #tpu.memory_space<vmem>> -> memref<16x64xi32, #tpu.memory_space<vmem>>
    %dma_wait3A_108 = arith.constant 0 : i32
    %dma_wait3A_109 = tpu.memref_slice %arg4[%add3A_103, %dma_wait3A_108] : memref<5120x64xi32, #tpu.memory_space<hbm>> -> memref<16x64xi32, #tpu.memory_space<hbm>>
    %dma_wait3A_110 = arith.constant 0 : i32
    %dma_wait3A_111 = arith.constant 0 : i32
    %dma_wait3A_112 = tpu.memref_slice %arg7[%rem3A_88, %dma_wait3A_110, %dma_wait3A_111] : memref<2x16x64xi32, #tpu.memory_space<vmem>> -> memref<1x16x64xi32, #tpu.memory_space<vmem>>
    %dma_wait3A_113 = tpu.memref_squeeze %dma_wait3A_112 : memref<1x16x64xi32, #tpu.memory_space<vmem>> -> memref<16x64xi32, #tpu.memory_space<vmem>>
    %dma_wait3A_114 = arith.constant 0 : i32
    %dma_wait3A_115 = tpu.memref_slice %arg4[%add3A_103, %dma_wait3A_114] : memref<5120x64xi32, #tpu.memory_space<hbm>> -> memref<16x64xi32, #tpu.memory_space<hbm>>
    tpu.wait_dma2 semaphore(%arg11 : memref<!tpu.dma_semaphore, #tpu.memory_space<semaphore_mem>>) src(%dma_wait3A_115 : memref<16x64xi32, #tpu.memory_space<hbm>>) dst(%dma_wait3A_113 : memref<16x64xi32, #tpu.memory_space<vmem>>)
    %rem3A_116 = arith.constant 0 : i32
    %rem3A_117 = arith.constant 2 : i32
    %rem3A_118 = arith.remsi %rem3A_116, %rem3A_117 : i32
    %dma_start3A_119 = arith.constant 0 : i32
    %dma_start3A_120 = arith.constant 0 : i32
    %dma_start3A_121 = arith.constant 0 : i32
    %dma_start3A_122 = arith.constant 0 : i32
    %dma_start3A_123 = arith.constant 0 : i32
    %dma_start3A_124 = arith.constant 0 : i32
    %dma_start3A_125 = tpu.memref_slice %arg8[%dma_start3A_121, %dma_start3A_123, %dma_start3A_124] : memref<5x64x128xf32, #tpu.memory_space<vmem>> -> memref<1x64x128xf32, #tpu.memory_space<vmem>>
    %dma_start3A_126 = tpu.memref_squeeze %dma_start3A_125 : memref<1x64x128xf32, #tpu.memory_space<vmem>> -> memref<64x128xf32, #tpu.memory_space<vmem>>
    %dma_start3A_127 = arith.constant 0 : i32
    %dma_start3A_128 = tpu.memref_slice %arg6[%rem3A_118, %dma_start3A_120, %dma_start3A_127] : memref<2x16x64xi32, #tpu.memory_space<vmem>> -> memref<1x1x64xi32, #tpu.memory_space<vmem>>
    %dma_start3A_129 = tpu.memref_squeeze %dma_start3A_128 : memref<1x1x64xi32, #tpu.memory_space<vmem>> -> memref<64xi32, #tpu.memory_space<vmem>>
    %dma_start3A_130 = arith.constant 0 : i32
    %dma_start3A_131 = arith.constant 0 : i32
    %dma_start3A_132 = tpu.memref_slice %arg2[%dma_start3A_119, %dma_start3A_130, %dma_start3A_131] : memref<1x10000x128xf32, #tpu.memory_space<hbm>> -> memref<1x10000x128xf32, #tpu.memory_space<hbm>>
    %dma_start3A_133 = tpu.memref_squeeze %dma_start3A_132 : memref<1x10000x128xf32, #tpu.memory_space<hbm>> -> memref<10000x128xf32, #tpu.memory_space<hbm>>
    %dma_start3A_134 = arith.constant 0 : i32
    %dma_start3A_135 = arith.constant 0 : i32
    %dma_start3A_136 = tpu.memref_slice %dma_start3A_133[%dma_start3A_134, %dma_start3A_135] : memref<10000x128xf32, #tpu.memory_space<hbm>> -> memref<10000x128xf32, #tpu.memory_space<hbm>>
    %dma_start3A_137 = tpu.memref_slice %arg10[%dma_start3A_122] : memref<5x!tpu.dma_semaphore, #tpu.memory_space<semaphore_mem>> -> memref<1x!tpu.dma_semaphore, #tpu.memory_space<semaphore_mem>>
    %dma_start3A_138 = tpu.memref_squeeze %dma_start3A_137 : memref<1x!tpu.dma_semaphore, #tpu.memory_space<semaphore_mem>> -> memref<!tpu.dma_semaphore, #tpu.memory_space<semaphore_mem>>
    tpu.enqueue_indirect_dma source(%dma_start3A_136 : memref<10000x128xf32, #tpu.memory_space<hbm>>) target(%dma_start3A_126 : memref<64x128xf32, #tpu.memory_space<vmem>>) offsets(%dma_start3A_129 : memref<64xi32, #tpu.memory_space<vmem>>) semaphore(%dma_start3A_138 : memref<!tpu.dma_semaphore, #tpu.memory_space<semaphore_mem>>)
    %rem3A_139 = arith.constant 0 : i32
    %rem3A_140 = arith.constant 2 : i32
    %rem3A_141 = arith.remsi %rem3A_139, %rem3A_140 : i32
    %dma_start3A_142 = arith.constant 0 : i32
    %dma_start3A_143 = arith.constant 1 : i32
    %dma_start3A_144 = arith.constant 1 : i32
    %dma_start3A_145 = arith.constant 1 : i32
    %dma_start3A_146 = arith.constant 0 : i32
    %dma_start3A_147 = arith.constant 0 : i32
    %dma_start3A_148 = tpu.memref_slice %arg8[%dma_start3A_144, %dma_start3A_146, %dma_start3A_147] : memref<5x64x128xf32, #tpu.memory_space<vmem>> -> memref<1x64x128xf32, #tpu.memory_space<vmem>>
    %dma_start3A_149 = tpu.memref_squeeze %dma_start3A_148 : memref<1x64x128xf32, #tpu.memory_space<vmem>> -> memref<64x128xf32, #tpu.memory_space<vmem>>
    %dma_start3A_150 = arith.constant 0 : i32
    %dma_start3A_151 = tpu.memref_slice %arg6[%rem3A_141, %dma_start3A_143, %dma_start3A_150] : memref<2x16x64xi32, #tpu.memory_space<vmem>> -> memref<1x1x64xi32, #tpu.memory_space<vmem>>
    %dma_start3A_152 = tpu.memref_squeeze %dma_start3A_151 : memref<1x1x64xi32, #tpu.memory_space<vmem>> -> memref<64xi32, #tpu.memory_space<vmem>>
    %dma_start3A_153 = arith.constant 0 : i32
    %dma_start3A_154 = arith.constant 0 : i32
    %dma_start3A_155 = tpu.memref_slice %arg2[%dma_start3A_142, %dma_start3A_153, %dma_start3A_154] : memref<1x10000x128xf32, #tpu.memory_space<hbm>> -> memref<1x10000x128xf32, #tpu.memory_space<hbm>>
    %dma_start3A_156 = tpu.memref_squeeze %dma_start3A_155 : memref<1x10000x128xf32, #tpu.memory_space<hbm>> -> memref<10000x128xf32, #tpu.memory_space<hbm>>
    %dma_start3A_157 = arith.constant 0 : i32
    %dma_start3A_158 = arith.constant 0 : i32
    %dma_start3A_159 = tpu.memref_slice %dma_start3A_156[%dma_start3A_157, %dma_start3A_158] : memref<10000x128xf32, #tpu.memory_space<hbm>> -> memref<10000x128xf32, #tpu.memory_space<hbm>>
    %dma_start3A_160 = tpu.memref_slice %arg10[%dma_start3A_145] : memref<5x!tpu.dma_semaphore, #tpu.memory_space<semaphore_mem>> -> memref<1x!tpu.dma_semaphore, #tpu.memory_space<semaphore_mem>>
    %dma_start3A_161 = tpu.memref_squeeze %dma_start3A_160 : memref<1x!tpu.dma_semaphore, #tpu.memory_space<semaphore_mem>> -> memref<!tpu.dma_semaphore, #tpu.memory_space<semaphore_mem>>
    tpu.enqueue_indirect_dma source(%dma_start3A_159 : memref<10000x128xf32, #tpu.memory_space<hbm>>) target(%dma_start3A_149 : memref<64x128xf32, #tpu.memory_space<vmem>>) offsets(%dma_start3A_152 : memref<64xi32, #tpu.memory_space<vmem>>) semaphore(%dma_start3A_161 : memref<!tpu.dma_semaphore, #tpu.memory_space<semaphore_mem>>)
    %rem3A_162 = arith.constant 0 : i32
    %rem3A_163 = arith.constant 2 : i32
    %rem3A_164 = arith.remsi %rem3A_162, %rem3A_163 : i32
    %dma_start3A_165 = arith.constant 0 : i32
    %dma_start3A_166 = arith.constant 2 : i32
    %dma_start3A_167 = arith.constant 2 : i32
    %dma_start3A_168 = arith.constant 2 : i32
    %dma_start3A_169 = arith.constant 0 : i32
    %dma_start3A_170 = arith.constant 0 : i32
    %dma_start3A_171 = tpu.memref_slice %arg8[%dma_start3A_167, %dma_start3A_169, %dma_start3A_170] : memref<5x64x128xf32, #tpu.memory_space<vmem>> -> memref<1x64x128xf32, #tpu.memory_space<vmem>>
    %dma_start3A_172 = tpu.memref_squeeze %dma_start3A_171 : memref<1x64x128xf32, #tpu.memory_space<vmem>> -> memref<64x128xf32, #tpu.memory_space<vmem>>
    %dma_start3A_173 = arith.constant 0 : i32
    %dma_start3A_174 = tpu.memref_slice %arg6[%rem3A_164, %dma_start3A_166, %dma_start3A_173] : memref<2x16x64xi32, #tpu.memory_space<vmem>> -> memref<1x1x64xi32, #tpu.memory_space<vmem>>
    %dma_start3A_175 = tpu.memref_squeeze %dma_start3A_174 : memref<1x1x64xi32, #tpu.memory_space<vmem>> -> memref<64xi32, #tpu.memory_space<vmem>>
    %dma_start3A_176 = arith.constant 0 : i32
    %dma_start3A_177 = arith.constant 0 : i32
    %dma_start3A_178 = tpu.memref_slice %arg2[%dma_start3A_165, %dma_start3A_176, %dma_start3A_177] : memref<1x10000x128xf32, #tpu.memory_space<hbm>> -> memref<1x10000x128xf32, #tpu.memory_space<hbm>>
    %dma_start3A_179 = tpu.memref_squeeze %dma_start3A_178 : memref<1x10000x128xf32, #tpu.memory_space<hbm>> -> memref<10000x128xf32, #tpu.memory_space<hbm>>
    %dma_start3A_180 = arith.constant 0 : i32
    %dma_start3A_181 = arith.constant 0 : i32
    %dma_start3A_182 = tpu.memref_slice %dma_start3A_179[%dma_start3A_180, %dma_start3A_181] : memref<10000x128xf32, #tpu.memory_space<hbm>> -> memref<10000x128xf32, #tpu.memory_space<hbm>>
    %dma_start3A_183 = tpu.memref_slice %arg10[%dma_start3A_168] : memref<5x!tpu.dma_semaphore, #tpu.memory_space<semaphore_mem>> -> memref<1x!tpu.dma_semaphore, #tpu.memory_space<semaphore_mem>>
    %dma_start3A_184 = tpu.memref_squeeze %dma_start3A_183 : memref<1x!tpu.dma_semaphore, #tpu.memory_space<semaphore_mem>> -> memref<!tpu.dma_semaphore, #tpu.memory_space<semaphore_mem>>
    tpu.enqueue_indirect_dma source(%dma_start3A_182 : memref<10000x128xf32, #tpu.memory_space<hbm>>) target(%dma_start3A_172 : memref<64x128xf32, #tpu.memory_space<vmem>>) offsets(%dma_start3A_175 : memref<64xi32, #tpu.memory_space<vmem>>) semaphore(%dma_start3A_184 : memref<!tpu.dma_semaphore, #tpu.memory_space<semaphore_mem>>)
    %rem3A_185 = arith.constant 0 : i32
    %rem3A_186 = arith.constant 2 : i32
    %rem3A_187 = arith.remsi %rem3A_185, %rem3A_186 : i32
    %dma_start3A_188 = arith.constant 0 : i32
    %dma_start3A_189 = arith.constant 3 : i32
    %dma_start3A_190 = arith.constant 3 : i32
    %dma_start3A_191 = arith.constant 3 : i32
    %dma_start3A_192 = arith.constant 0 : i32
    %dma_start3A_193 = arith.constant 0 : i32
    %dma_start3A_194 = tpu.memref_slice %arg8[%dma_start3A_190, %dma_start3A_192, %dma_start3A_193] : memref<5x64x128xf32, #tpu.memory_space<vmem>> -> memref<1x64x128xf32, #tpu.memory_space<vmem>>
    %dma_start3A_195 = tpu.memref_squeeze %dma_start3A_194 : memref<1x64x128xf32, #tpu.memory_space<vmem>> -> memref<64x128xf32, #tpu.memory_space<vmem>>
    %dma_start3A_196 = arith.constant 0 : i32
    %dma_start3A_197 = tpu.memref_slice %arg6[%rem3A_187, %dma_start3A_189, %dma_start3A_196] : memref<2x16x64xi32, #tpu.memory_space<vmem>> -> memref<1x1x64xi32, #tpu.memory_space<vmem>>
    %dma_start3A_198 = tpu.memref_squeeze %dma_start3A_197 : memref<1x1x64xi32, #tpu.memory_space<vmem>> -> memref<64xi32, #tpu.memory_space<vmem>>
    %dma_start3A_199 = arith.constant 0 : i32
    %dma_start3A_200 = arith.constant 0 : i32
    %dma_start3A_201 = tpu.memref_slice %arg2[%dma_start3A_188, %dma_start3A_199, %dma_start3A_200] : memref<1x10000x128xf32, #tpu.memory_space<hbm>> -> memref<1x10000x128xf32, #tpu.memory_space<hbm>>
    %dma_start3A_202 = tpu.memref_squeeze %dma_start3A_201 : memref<1x10000x128xf32, #tpu.memory_space<hbm>> -> memref<10000x128xf32, #tpu.memory_space<hbm>>
    %dma_start3A_203 = arith.constant 0 : i32
    %dma_start3A_204 = arith.constant 0 : i32
    %dma_start3A_205 = tpu.memref_slice %dma_start3A_202[%dma_start3A_203, %dma_start3A_204] : memref<10000x128xf32, #tpu.memory_space<hbm>> -> memref<10000x128xf32, #tpu.memory_space<hbm>>
    %dma_start3A_206 = tpu.memref_slice %arg10[%dma_start3A_191] : memref<5x!tpu.dma_semaphore, #tpu.memory_space<semaphore_mem>> -> memref<1x!tpu.dma_semaphore, #tpu.memory_space<semaphore_mem>>
    %dma_start3A_207 = tpu.memref_squeeze %dma_start3A_206 : memref<1x!tpu.dma_semaphore, #tpu.memory_space<semaphore_mem>> -> memref<!tpu.dma_semaphore, #tpu.memory_space<semaphore_mem>>
    tpu.enqueue_indirect_dma source(%dma_start3A_205 : memref<10000x128xf32, #tpu.memory_space<hbm>>) target(%dma_start3A_195 : memref<64x128xf32, #tpu.memory_space<vmem>>) offsets(%dma_start3A_198 : memref<64xi32, #tpu.memory_space<vmem>>) semaphore(%dma_start3A_207 : memref<!tpu.dma_semaphore, #tpu.memory_space<semaphore_mem>>)
    %barrier3A = arith.constant 0 : index
    tpu.barrier barrier_id(%barrier3A)
    %scan3A_208 = arith.constant 0 : i32
    %scan3A_209 = arith.constant 0 : i32
    %scan3A_210 = arith.constant 160 : i32
    %scan3A_211 = arith.addi %scan3A_209, %scan3A_210 : i32
    %scan3A_212 = arith.constant 1 : i32
    scf.for %scan3A_221 = %scan3A_209 to %scan3A_211 step %scan3A_212  : i32 {
      %jit3A = arith.constant 16 : i32
      %div3A = arith.divsi %scan3A_221, %jit3A : i32
      %sign3A = arith.constant 0 : i32
      %sign3A_222 = arith.cmpi sgt, %scan3A_221, %sign3A : i32
      %sign3A_223 = arith.extui %sign3A_222 : i1 to i32
      %sign3A_224 = arith.constant 0 : i32
      %sign3A_225 = arith.cmpi slt, %scan3A_221, %sign3A_224 : i32
      %sign3A_226 = arith.extui %sign3A_225 : i1 to i32
      %sign3A_227 = arith.subi %sign3A_223, %sign3A_226 : i32
      %sign3A_228 = arith.constant 0 : i32
      %sign3A_229 = arith.cmpi sgt, %jit3A, %sign3A_228 : i32
      %sign3A_230 = arith.extui %sign3A_229 : i1 to i32
      %sign3A_231 = arith.constant 0 : i32
      %sign3A_232 = arith.cmpi slt, %jit3A, %sign3A_231 : i32
      %sign3A_233 = arith.extui %sign3A_232 : i1 to i32
      %sign3A_234 = arith.subi %sign3A_230, %sign3A_233 : i32
      %ne3A = arith.cmpi ne, %sign3A_227, %sign3A_234 : i32
      %rem3A_235 = arith.remsi %scan3A_221, %jit3A : i32
      %ne3A_236 = arith.constant 0 : i32
      %ne3A_237 = arith.cmpi ne, %rem3A_235, %ne3A_236 : i32
      %and3A = arith.andi %ne3A, %ne3A_237 : i1
      %sub3A = arith.constant 1 : i32
      %sub3A_238 = arith.subi %div3A, %sub3A : i32
      %select_n3A = arith.select %and3A, %sub3A_238, %div3A : i32
      %mul3A_239 = arith.constant 16 : i32
      %mul3A_240 = arith.muli %select_n3A, %mul3A_239 : i32
      %sub3A_241 = arith.subi %scan3A_221, %mul3A_240 : i32
      %rem3A_242 = arith.constant 5 : i32
      %rem3A_243 = arith.remsi %scan3A_221, %rem3A_242 : i32
      %add3A_244 = arith.constant 4 : i32
      %add3A_245 = arith.addi %scan3A_221, %add3A_244 : i32
      %lt3A_246 = arith.constant 160 : i32
      %lt3A_247 = arith.cmpi slt, %add3A_245, %lt3A_246 : i32
      %convert_element_type3A_248 = arith.extui %lt3A_247 : i1 to i32
      %cond3A_249 = arith.constant 0 : i32
      %cond3A_250 = arith.cmpi ne, %convert_element_type3A_248, %cond3A_249 : i32
      scf.if %cond3A_250 {
        %jit3A_312 = arith.constant 16 : i32
        %div3A_313 = arith.divsi %add3A_245, %jit3A_312 : i32
        %sign3A_314 = arith.constant 0 : i32
        %sign3A_315 = arith.cmpi sgt, %add3A_245, %sign3A_314 : i32
        %sign3A_316 = arith.extui %sign3A_315 : i1 to i32
        %sign3A_317 = arith.constant 0 : i32
        %sign3A_318 = arith.cmpi slt, %add3A_245, %sign3A_317 : i32
        %sign3A_319 = arith.extui %sign3A_318 : i1 to i32
        %sign3A_320 = arith.subi %sign3A_316, %sign3A_319 : i32
        %sign3A_321 = arith.constant 0 : i32
        %sign3A_322 = arith.cmpi sgt, %jit3A_312, %sign3A_321 : i32
        %sign3A_323 = arith.extui %sign3A_322 : i1 to i32
        %sign3A_324 = arith.constant 0 : i32
        %sign3A_325 = arith.cmpi slt, %jit3A_312, %sign3A_324 : i32
        %sign3A_326 = arith.extui %sign3A_325 : i1 to i32
        %sign3A_327 = arith.subi %sign3A_323, %sign3A_326 : i32
        %ne3A_328 = arith.cmpi ne, %sign3A_320, %sign3A_327 : i32
        %rem3A_329 = arith.remsi %add3A_245, %jit3A_312 : i32
        %ne3A_330 = arith.constant 0 : i32
        %ne3A_331 = arith.cmpi ne, %rem3A_329, %ne3A_330 : i32
        %and3A_332 = arith.andi %ne3A_328, %ne3A_331 : i1
        %sub3A_333 = arith.constant 1 : i32
        %sub3A_334 = arith.subi %div3A_313, %sub3A_333 : i32
        %select_n3A_335 = arith.select %and3A_332, %sub3A_334, %div3A_313 : i32
        %mul3A_336 = arith.constant 16 : i32
        %mul3A_337 = arith.muli %select_n3A_335, %mul3A_336 : i32
        %eq3A_338 = arith.cmpi eq, %add3A_245, %mul3A_337 : i32
        %convert_element_type3A_339 = arith.extui %eq3A_338 : i1 to i32
        %cond3A_340 = arith.constant 0 : i32
        %cond3A_341 = arith.cmpi ne, %convert_element_type3A_339, %cond3A_340 : i32
        scf.if %cond3A_341 {
          %rem3A_390 = arith.constant 2 : i32
          %rem3A_391 = arith.remsi %select_n3A_335, %rem3A_390 : i32
          %mul3A_392 = arith.constant 16 : i32
          %mul3A_393 = arith.muli %select_n3A_335, %mul3A_392 : i32
          %add3A_394 = arith.addi %add3A, %mul3A_393 : i32
          %dma_wait3A_395 = arith.constant 0 : i32
          %dma_wait3A_396 = arith.constant 0 : i32
          %dma_wait3A_397 = tpu.memref_slice %arg6[%rem3A_391, %dma_wait3A_395, %dma_wait3A_396] : memref<2x16x64xi32, #tpu.memory_space<vmem>> -> memref<1x16x64xi32, #tpu.memory_space<vmem>>
          %dma_wait3A_398 = tpu.memref_squeeze %dma_wait3A_397 : memref<1x16x64xi32, #tpu.memory_space<vmem>> -> memref<16x64xi32, #tpu.memory_space<vmem>>
          %dma_wait3A_399 = arith.constant 0 : i32
          %dma_wait3A_400 = tpu.memref_slice %arg3[%add3A_394, %dma_wait3A_399] : memref<5120x64xi32, #tpu.memory_space<hbm>> -> memref<16x64xi32, #tpu.memory_space<hbm>>
          %dma_wait3A_401 = arith.constant 0 : i32
          %dma_wait3A_402 = arith.constant 0 : i32
          %dma_wait3A_403 = tpu.memref_slice %arg6[%rem3A_391, %dma_wait3A_401, %dma_wait3A_402] : memref<2x16x64xi32, #tpu.memory_space<vmem>> -> memref<1x16x64xi32, #tpu.memory_space<vmem>>
          %dma_wait3A_404 = tpu.memref_squeeze %dma_wait3A_403 : memref<1x16x64xi32, #tpu.memory_space<vmem>> -> memref<16x64xi32, #tpu.memory_space<vmem>>
          %dma_wait3A_405 = arith.constant 0 : i32
          %dma_wait3A_406 = tpu.memref_slice %arg3[%add3A_394, %dma_wait3A_405] : memref<5120x64xi32, #tpu.memory_space<hbm>> -> memref<16x64xi32, #tpu.memory_space<hbm>>
          tpu.wait_dma2 semaphore(%arg11 : memref<!tpu.dma_semaphore, #tpu.memory_space<semaphore_mem>>) src(%dma_wait3A_406 : memref<16x64xi32, #tpu.memory_space<hbm>>) dst(%dma_wait3A_404 : memref<16x64xi32, #tpu.memory_space<vmem>>)
          %mul3A_407 = arith.constant 16 : i32
          %mul3A_408 = arith.muli %select_n3A_335, %mul3A_407 : i32
          %add3A_409 = arith.addi %add3A, %mul3A_408 : i32
          %dma_wait3A_410 = arith.constant 0 : i32
          %dma_wait3A_411 = arith.constant 0 : i32
          %dma_wait3A_412 = tpu.memref_slice %arg7[%rem3A_391, %dma_wait3A_410, %dma_wait3A_411] : memref<2x16x64xi32, #tpu.memory_space<vmem>> -> memref<1x16x64xi32, #tpu.memory_space<vmem>>
          %dma_wait3A_413 = tpu.memref_squeeze %dma_wait3A_412 : memref<1x16x64xi32, #tpu.memory_space<vmem>> -> memref<16x64xi32, #tpu.memory_space<vmem>>
          %dma_wait3A_414 = arith.constant 0 : i32
          %dma_wait3A_415 = tpu.memref_slice %arg4[%add3A_409, %dma_wait3A_414] : memref<5120x64xi32, #tpu.memory_space<hbm>> -> memref<16x64xi32, #tpu.memory_space<hbm>>
          %dma_wait3A_416 = arith.constant 0 : i32
          %dma_wait3A_417 = arith.constant 0 : i32
          %dma_wait3A_418 = tpu.memref_slice %arg7[%rem3A_391, %dma_wait3A_416, %dma_wait3A_417] : memref<2x16x64xi32, #tpu.memory_space<vmem>> -> memref<1x16x64xi32, #tpu.memory_space<vmem>>
          %dma_wait3A_419 = tpu.memref_squeeze %dma_wait3A_418 : memref<1x16x64xi32, #tpu.memory_space<vmem>> -> memref<16x64xi32, #tpu.memory_space<vmem>>
          %dma_wait3A_420 = arith.constant 0 : i32
          %dma_wait3A_421 = tpu.memref_slice %arg4[%add3A_409, %dma_wait3A_420] : memref<5120x64xi32, #tpu.memory_space<hbm>> -> memref<16x64xi32, #tpu.memory_space<hbm>>
          tpu.wait_dma2 semaphore(%arg11 : memref<!tpu.dma_semaphore, #tpu.memory_space<semaphore_mem>>) src(%dma_wait3A_421 : memref<16x64xi32, #tpu.memory_space<hbm>>) dst(%dma_wait3A_419 : memref<16x64xi32, #tpu.memory_space<vmem>>)
        } else {
        }
        %rem3A_342 = arith.constant 5 : i32
        %rem3A_343 = arith.remsi %add3A_245, %rem3A_342 : i32
        %jit3A_344 = arith.constant 16 : i32
        %div3A_345 = arith.divsi %add3A_245, %jit3A_344 : i32
        %sign3A_346 = arith.constant 0 : i32
        %sign3A_347 = arith.cmpi sgt, %add3A_245, %sign3A_346 : i32
        %sign3A_348 = arith.extui %sign3A_347 : i1 to i32
        %sign3A_349 = arith.constant 0 : i32
        %sign3A_350 = arith.cmpi slt, %add3A_245, %sign3A_349 : i32
        %sign3A_351 = arith.extui %sign3A_350 : i1 to i32
        %sign3A_352 = arith.subi %sign3A_348, %sign3A_351 : i32
        %sign3A_353 = arith.constant 0 : i32
        %sign3A_354 = arith.cmpi sgt, %jit3A_344, %sign3A_353 : i32
        %sign3A_355 = arith.extui %sign3A_354 : i1 to i32
        %sign3A_356 = arith.constant 0 : i32
        %sign3A_357 = arith.cmpi slt, %jit3A_344, %sign3A_356 : i32
        %sign3A_358 = arith.extui %sign3A_357 : i1 to i32
        %sign3A_359 = arith.subi %sign3A_355, %sign3A_358 : i32
        %ne3A_360 = arith.cmpi ne, %sign3A_352, %sign3A_359 : i32
        %rem3A_361 = arith.remsi %add3A_245, %jit3A_344 : i32
        %ne3A_362 = arith.constant 0 : i32
        %ne3A_363 = arith.cmpi ne, %rem3A_361, %ne3A_362 : i32
        %and3A_364 = arith.andi %ne3A_360, %ne3A_363 : i1
        %sub3A_365 = arith.constant 1 : i32
        %sub3A_366 = arith.subi %div3A_345, %sub3A_365 : i32
        %select_n3A_367 = arith.select %and3A_364, %sub3A_366, %div3A_345 : i32
        %rem3A_368 = arith.constant 2 : i32
        %rem3A_369 = arith.remsi %select_n3A_367, %rem3A_368 : i32
        %mul3A_370 = arith.constant 16 : i32
        %mul3A_371 = arith.muli %select_n3A_367, %mul3A_370 : i32
        %sub3A_372 = arith.subi %add3A_245, %mul3A_371 : i32
        %dma_start3A_373 = arith.constant 0 : i32
        %dma_start3A_374 = arith.constant 0 : i32
        %dma_start3A_375 = arith.constant 0 : i32
        %dma_start3A_376 = tpu.memref_slice %arg8[%rem3A_343, %dma_start3A_374, %dma_start3A_375] : memref<5x64x128xf32, #tpu.memory_space<vmem>> -> memref<1x64x128xf32, #tpu.memory_space<vmem>>
        %dma_start3A_377 = tpu.memref_squeeze %dma_start3A_376 : memref<1x64x128xf32, #tpu.memory_space<vmem>> -> memref<64x128xf32, #tpu.memory_space<vmem>>
        %dma_start3A_378 = arith.constant 0 : i32
        %dma_start3A_379 = tpu.memref_slice %arg6[%rem3A_369, %sub3A_372, %dma_start3A_378] : memref<2x16x64xi32, #tpu.memory_space<vmem>> -> memref<1x1x64xi32, #tpu.memory_space<vmem>>
        %dma_start3A_380 = tpu.memref_squeeze %dma_start3A_379 : memref<1x1x64xi32, #tpu.memory_space<vmem>> -> memref<64xi32, #tpu.memory_space<vmem>>
        %dma_start3A_381 = arith.constant 0 : i32
        %dma_start3A_382 = arith.constant 0 : i32
        %dma_start3A_383 = tpu.memref_slice %arg2[%dma_start3A_373, %dma_start3A_381, %dma_start3A_382] : memref<1x10000x128xf32, #tpu.memory_space<hbm>> -> memref<1x10000x128xf32, #tpu.memory_space<hbm>>
        %dma_start3A_384 = tpu.memref_squeeze %dma_start3A_383 : memref<1x10000x128xf32, #tpu.memory_space<hbm>> -> memref<10000x128xf32, #tpu.memory_space<hbm>>
        %dma_start3A_385 = arith.constant 0 : i32
        %dma_start3A_386 = arith.constant 0 : i32
        %dma_start3A_387 = tpu.memref_slice %dma_start3A_384[%dma_start3A_385, %dma_start3A_386] : memref<10000x128xf32, #tpu.memory_space<hbm>> -> memref<10000x128xf32, #tpu.memory_space<hbm>>
        %dma_start3A_388 = tpu.memref_slice %arg10[%rem3A_343] : memref<5x!tpu.dma_semaphore, #tpu.memory_space<semaphore_mem>> -> memref<1x!tpu.dma_semaphore, #tpu.memory_space<semaphore_mem>>
        %dma_start3A_389 = tpu.memref_squeeze %dma_start3A_388 : memref<1x!tpu.dma_semaphore, #tpu.memory_space<semaphore_mem>> -> memref<!tpu.dma_semaphore, #tpu.memory_space<semaphore_mem>>
        tpu.enqueue_indirect_dma source(%dma_start3A_387 : memref<10000x128xf32, #tpu.memory_space<hbm>>) target(%dma_start3A_377 : memref<64x128xf32, #tpu.memory_space<vmem>>) offsets(%dma_start3A_380 : memref<64xi32, #tpu.memory_space<vmem>>) semaphore(%dma_start3A_389 : memref<!tpu.dma_semaphore, #tpu.memory_space<semaphore_mem>>)
      } else {
      }
      %eq3A_251 = arith.constant 0 : i32
      %eq3A_252 = arith.cmpi eq, %sub3A_241, %eq3A_251 : i32
      %add3A_253 = arith.constant 1 : i32
      %add3A_254 = arith.addi %select_n3A, %add3A_253 : i32
      %lt3A_255 = arith.constant 10 : i32
      %lt3A_256 = arith.cmpi slt, %add3A_254, %lt3A_255 : i32
      %and3A_257 = arith.andi %eq3A_252, %lt3A_256 : i1
      %convert_element_type3A_258 = arith.extui %and3A_257 : i1 to i32
      %cond3A_259 = arith.constant 0 : i32
      %cond3A_260 = arith.cmpi ne, %convert_element_type3A_258, %cond3A_259 : i32
      scf.if %cond3A_260 {
        %add3A_312 = arith.constant 1 : i32
        %add3A_313 = arith.addi %select_n3A, %add3A_312 : i32
        %rem3A_314 = arith.constant 2 : i32
        %rem3A_315 = arith.remsi %add3A_313, %rem3A_314 : i32
        %mul3A_316 = arith.constant 16 : i32
        %mul3A_317 = arith.muli %add3A_313, %mul3A_316 : i32
        %add3A_318 = arith.addi %add3A, %mul3A_317 : i32
        %dma_start3A_319 = arith.constant 0 : i32
        %dma_start3A_320 = arith.constant 0 : i32
        %dma_start3A_321 = tpu.memref_slice %arg6[%rem3A_315, %dma_start3A_319, %dma_start3A_320] : memref<2x16x64xi32, #tpu.memory_space<vmem>> -> memref<1x16x64xi32, #tpu.memory_space<vmem>>
        %dma_start3A_322 = tpu.memref_squeeze %dma_start3A_321 : memref<1x16x64xi32, #tpu.memory_space<vmem>> -> memref<16x64xi32, #tpu.memory_space<vmem>>
        %dma_start3A_323 = arith.constant 0 : i32
        %dma_start3A_324 = tpu.memref_slice %arg3[%add3A_318, %dma_start3A_323] : memref<5120x64xi32, #tpu.memory_space<hbm>> -> memref<16x64xi32, #tpu.memory_space<hbm>>
        %dma_start3A_325 = arith.constant 0 : i32
        %dma_start3A_326 = arith.constant 0 : i32
        %dma_start3A_327 = tpu.memref_slice %arg6[%rem3A_315, %dma_start3A_325, %dma_start3A_326] : memref<2x16x64xi32, #tpu.memory_space<vmem>> -> memref<1x16x64xi32, #tpu.memory_space<vmem>>
        %dma_start3A_328 = tpu.memref_squeeze %dma_start3A_327 : memref<1x16x64xi32, #tpu.memory_space<vmem>> -> memref<16x64xi32, #tpu.memory_space<vmem>>
        %dma_start3A_329 = arith.constant 0 : i32
        %dma_start3A_330 = tpu.memref_slice %arg3[%add3A_318, %dma_start3A_329] : memref<5120x64xi32, #tpu.memory_space<hbm>> -> memref<16x64xi32, #tpu.memory_space<hbm>>
        tpu.enqueue_dma source(%dma_start3A_330 : memref<16x64xi32, #tpu.memory_space<hbm>>) target(%dma_start3A_328 : memref<16x64xi32, #tpu.memory_space<vmem>>) target_semaphore(%arg11 : memref<!tpu.dma_semaphore, #tpu.memory_space<semaphore_mem>>)
        %mul3A_331 = arith.constant 16 : i32
        %mul3A_332 = arith.muli %add3A_313, %mul3A_331 : i32
        %add3A_333 = arith.addi %add3A, %mul3A_332 : i32
        %dma_start3A_334 = arith.constant 0 : i32
        %dma_start3A_335 = arith.constant 0 : i32
        %dma_start3A_336 = tpu.memref_slice %arg7[%rem3A_315, %dma_start3A_334, %dma_start3A_335] : memref<2x16x64xi32, #tpu.memory_space<vmem>> -> memref<1x16x64xi32, #tpu.memory_space<vmem>>
        %dma_start3A_337 = tpu.memref_squeeze %dma_start3A_336 : memref<1x16x64xi32, #tpu.memory_space<vmem>> -> memref<16x64xi32, #tpu.memory_space<vmem>>
        %dma_start3A_338 = arith.constant 0 : i32
        %dma_start3A_339 = tpu.memref_slice %arg4[%add3A_333, %dma_start3A_338] : memref<5120x64xi32, #tpu.memory_space<hbm>> -> memref<16x64xi32, #tpu.memory_space<hbm>>
        %dma_start3A_340 = arith.constant 0 : i32
        %dma_start3A_341 = arith.constant 0 : i32
        %dma_start3A_342 = tpu.memref_slice %arg7[%rem3A_315, %dma_start3A_340, %dma_start3A_341] : memref<2x16x64xi32, #tpu.memory_space<vmem>> -> memref<1x16x64xi32, #tpu.memory_space<vmem>>
        %dma_start3A_343 = tpu.memref_squeeze %dma_start3A_342 : memref<1x16x64xi32, #tpu.memory_space<vmem>> -> memref<16x64xi32, #tpu.memory_space<vmem>>
        %dma_start3A_344 = arith.constant 0 : i32
        %dma_start3A_345 = tpu.memref_slice %arg4[%add3A_333, %dma_start3A_344] : memref<5120x64xi32, #tpu.memory_space<hbm>> -> memref<16x64xi32, #tpu.memory_space<hbm>>
        tpu.enqueue_dma source(%dma_start3A_345 : memref<16x64xi32, #tpu.memory_space<hbm>>) target(%dma_start3A_343 : memref<16x64xi32, #tpu.memory_space<vmem>>) target_semaphore(%arg11 : memref<!tpu.dma_semaphore, #tpu.memory_space<semaphore_mem>>)
      } else {
      }
      %jit3A_261 = arith.constant 16 : i32
      %div3A_262 = arith.divsi %scan3A_221, %jit3A_261 : i32
      %sign3A_263 = arith.constant 0 : i32
      %sign3A_264 = arith.cmpi sgt, %scan3A_221, %sign3A_263 : i32
      %sign3A_265 = arith.extui %sign3A_264 : i1 to i32
      %sign3A_266 = arith.constant 0 : i32
      %sign3A_267 = arith.cmpi slt, %scan3A_221, %sign3A_266 : i32
      %sign3A_268 = arith.extui %sign3A_267 : i1 to i32
      %sign3A_269 = arith.subi %sign3A_265, %sign3A_268 : i32
      %sign3A_270 = arith.constant 0 : i32
      %sign3A_271 = arith.cmpi sgt, %jit3A_261, %sign3A_270 : i32
      %sign3A_272 = arith.extui %sign3A_271 : i1 to i32
      %sign3A_273 = arith.constant 0 : i32
      %sign3A_274 = arith.cmpi slt, %jit3A_261, %sign3A_273 : i32
      %sign3A_275 = arith.extui %sign3A_274 : i1 to i32
      %sign3A_276 = arith.subi %sign3A_272, %sign3A_275 : i32
      %ne3A_277 = arith.cmpi ne, %sign3A_269, %sign3A_276 : i32
      %rem3A_278 = arith.remsi %scan3A_221, %jit3A_261 : i32
      %ne3A_279 = arith.constant 0 : i32
      %ne3A_280 = arith.cmpi ne, %rem3A_278, %ne3A_279 : i32
      %and3A_281 = arith.andi %ne3A_277, %ne3A_280 : i1
      %sub3A_282 = arith.constant 1 : i32
      %sub3A_283 = arith.subi %div3A_262, %sub3A_282 : i32
      %select_n3A_284 = arith.select %and3A_281, %sub3A_283, %div3A_262 : i32
      %rem3A_285 = arith.constant 2 : i32
      %rem3A_286 = arith.remsi %select_n3A_284, %rem3A_285 : i32
      %mul3A_287 = arith.constant 16 : i32
      %mul3A_288 = arith.muli %select_n3A_284, %mul3A_287 : i32
      %sub3A_289 = arith.subi %scan3A_221, %mul3A_288 : i32
      %dma_wait3A_290 = arith.constant 0 : i32
      %dma_wait3A_291 = arith.constant 0 : i32
      %dma_wait3A_292 = arith.constant 0 : i32
      %dma_wait3A_293 = tpu.memref_slice %arg8[%rem3A_243, %dma_wait3A_291, %dma_wait3A_292] : memref<5x64x128xf32, #tpu.memory_space<vmem>> -> memref<1x64x128xf32, #tpu.memory_space<vmem>>
      %dma_wait3A_294 = tpu.memref_squeeze %dma_wait3A_293 : memref<1x64x128xf32, #tpu.memory_space<vmem>> -> memref<64x128xf32, #tpu.memory_space<vmem>>
      %dma_wait3A_295 = arith.constant 0 : i32
      %dma_wait3A_296 = tpu.memref_slice %arg6[%rem3A_286, %sub3A_289, %dma_wait3A_295] : memref<2x16x64xi32, #tpu.memory_space<vmem>> -> memref<1x1x64xi32, #tpu.memory_space<vmem>>
      %dma_wait3A_297 = tpu.memref_squeeze %dma_wait3A_296 : memref<1x1x64xi32, #tpu.memory_space<vmem>> -> memref<64xi32, #tpu.memory_space<vmem>>
      %dma_wait3A_298 = arith.constant 0 : i32
      %dma_wait3A_299 = arith.constant 0 : i32
      %dma_wait3A_300 = tpu.memref_slice %arg2[%dma_wait3A_290, %dma_wait3A_298, %dma_wait3A_299] : memref<1x10000x128xf32, #tpu.memory_space<hbm>> -> memref<1x10000x128xf32, #tpu.memory_space<hbm>>
      %dma_wait3A_301 = tpu.memref_squeeze %dma_wait3A_300 : memref<1x10000x128xf32, #tpu.memory_space<hbm>> -> memref<10000x128xf32, #tpu.memory_space<hbm>>
      %dma_wait3A_302 = arith.constant 0 : i32
      %dma_wait3A_303 = arith.constant 0 : i32
      %dma_wait3A_304 = tpu.memref_slice %dma_wait3A_301[%dma_wait3A_302, %dma_wait3A_303] : memref<10000x128xf32, #tpu.memory_space<hbm>> -> memref<10000x128xf32, #tpu.memory_space<hbm>>
      %dma_wait3A_305 = tpu.memref_slice %arg10[%rem3A_243] : memref<5x!tpu.dma_semaphore, #tpu.memory_space<semaphore_mem>> -> memref<1x!tpu.dma_semaphore, #tpu.memory_space<semaphore_mem>>
      %dma_wait3A_306 = tpu.memref_squeeze %dma_wait3A_305 : memref<1x!tpu.dma_semaphore, #tpu.memory_space<semaphore_mem>> -> memref<!tpu.dma_semaphore, #tpu.memory_space<semaphore_mem>>
      tpu.wait_indirect_dma semaphore(%dma_wait3A_306 : memref<!tpu.dma_semaphore, #tpu.memory_space<semaphore_mem>>) src(%dma_wait3A_304 : memref<10000x128xf32, #tpu.memory_space<hbm>>) dst(%dma_wait3A_294 : memref<64x128xf32, #tpu.memory_space<vmem>>)
      %rem3A_307 = arith.constant 2 : i32
      %rem3A_308 = arith.remsi %select_n3A, %rem3A_307 : i32
      %mul3A_309 = arith.constant 16 : i32
      %mul3A_310 = arith.muli %select_n3A, %mul3A_309 : i32
      %sub3A_311 = arith.subi %scan3A_221, %mul3A_310 : i32
      "tpu.region"() ({
        %run_scoped3A_312 = tpu.sem_alloc : memref<!tpu.dma_semaphore, #tpu.memory_space<semaphore_mem>>
        %dma_start3A_313 = arith.constant 0 : i32
        %dma_start3A_314 = arith.constant 0 : i32
        %dma_start3A_315 = tpu.memref_slice %arg8[%rem3A_243, %dma_start3A_313, %dma_start3A_314] : memref<5x64x128xf32, #tpu.memory_space<vmem>> -> memref<1x64x128xf32, #tpu.memory_space<vmem>>
        %dma_start3A_316 = tpu.memref_squeeze %dma_start3A_315 : memref<1x64x128xf32, #tpu.memory_space<vmem>> -> memref<64x128xf32, #tpu.memory_space<vmem>>
        %dma_start3A_317 = arith.constant 0 : i32
        %dma_start3A_318 = tpu.memref_slice %arg7[%rem3A_308, %sub3A_311, %dma_start3A_317] : memref<2x16x64xi32, #tpu.memory_space<vmem>> -> memref<1x1x64xi32, #tpu.memory_space<vmem>>
        %dma_start3A_319 = tpu.memref_squeeze %dma_start3A_318 : memref<1x1x64xi32, #tpu.memory_space<vmem>> -> memref<64xi32, #tpu.memory_space<vmem>>
        %dma_start3A_320 = arith.constant 0 : i32
        %dma_start3A_321 = arith.constant 0 : i32
        %dma_start3A_322 = tpu.memref_slice %arg9[%dma_start3A_320, %dma_start3A_321] : memref<10240x128xf32, #tpu.memory_space<vmem_shared>> -> memref<10240x128xf32, #tpu.memory_space<vmem_shared>>
        tpu.enqueue_indirect_dma source(%dma_start3A_316 : memref<64x128xf32, #tpu.memory_space<vmem>>) target(%dma_start3A_322 : memref<10240x128xf32, #tpu.memory_space<vmem_shared>>) offsets(%dma_start3A_319 : memref<64xi32, #tpu.memory_space<vmem>>) semaphore(%run_scoped3A_312 : memref<!tpu.dma_semaphore, #tpu.memory_space<semaphore_mem>>) {add = true}
        %dma_wait3A_323 = arith.constant 0 : i32
        %dma_wait3A_324 = arith.constant 0 : i32
        %dma_wait3A_325 = tpu.memref_slice %arg8[%rem3A_243, %dma_wait3A_323, %dma_wait3A_324] : memref<5x64x128xf32, #tpu.memory_space<vmem>> -> memref<1x64x128xf32, #tpu.memory_space<vmem>>
        %dma_wait3A_326 = tpu.memref_squeeze %dma_wait3A_325 : memref<1x64x128xf32, #tpu.memory_space<vmem>> -> memref<64x128xf32, #tpu.memory_space<vmem>>
        %dma_wait3A_327 = arith.constant 0 : i32
        %dma_wait3A_328 = tpu.memref_slice %arg7[%rem3A_308, %sub3A_311, %dma_wait3A_327] : memref<2x16x64xi32, #tpu.memory_space<vmem>> -> memref<1x1x64xi32, #tpu.memory_space<vmem>>
        %dma_wait3A_329 = tpu.memref_squeeze %dma_wait3A_328 : memref<1x1x64xi32, #tpu.memory_space<vmem>> -> memref<64xi32, #tpu.memory_space<vmem>>
        %dma_wait3A_330 = arith.constant 0 : i32
        %dma_wait3A_331 = arith.constant 0 : i32
        %dma_wait3A_332 = tpu.memref_slice %arg9[%dma_wait3A_330, %dma_wait3A_331] : memref<10240x128xf32, #tpu.memory_space<vmem_shared>> -> memref<10240x128xf32, #tpu.memory_space<vmem_shared>>
        tpu.wait_indirect_dma semaphore(%run_scoped3A_312 : memref<!tpu.dma_semaphore, #tpu.memory_space<semaphore_mem>>) src(%dma_wait3A_326 : memref<64x128xf32, #tpu.memory_space<vmem>>) dst(%dma_wait3A_332 : memref<10240x128xf32, #tpu.memory_space<vmem_shared>>)
        tpu.yield
      }) : () -> ()
    }
    %scan3A_213 = arith.constant 160 : i32
    %barrier3A_214 = arith.constant 0 : index
    tpu.barrier barrier_id(%barrier3A_214)
    %lt3A = arith.constant 15 : i32
    %lt3A_215 = arith.cmpi slt, %arg1, %lt3A : i32
    %convert_element_type3A = arith.extui %lt3A_215 : i1 to i32
    %cond3A = arith.constant 0 : i32
    %cond3A_216 = arith.cmpi ne, %convert_element_type3A, %cond3A : i32
    scf.if %cond3A_216 {
      %mul3A_221 = arith.constant 640 : i32
      %mul3A_222 = arith.muli %arg1, %mul3A_221 : i32
      "tpu.region"() ({
        %run_scoped3A_223 = tpu.sem_alloc : memref<!tpu.dma_semaphore, #tpu.memory_space<semaphore_mem>>
        %dma_start3A_224 = arith.constant 0 : i32
        %dma_start3A_225 = tpu.memref_slice %arg5[%arg0, %mul3A_222, %dma_start3A_224] : memref<2x10000x128xf32, #tpu.memory_space<hbm>> -> memref<1x640x128xf32, #tpu.memory_space<hbm>>
        %dma_start3A_226 = tpu.memref_squeeze %dma_start3A_225 : memref<1x640x128xf32, #tpu.memory_space<hbm>> -> memref<640x128xf32, #tpu.memory_space<hbm>>
        %dma_start3A_227 = arith.constant 0 : i32
        %dma_start3A_228 = tpu.memref_slice %arg9[%mul3A_222, %dma_start3A_227] : memref<10240x128xf32, #tpu.memory_space<vmem_shared>> -> memref<640x128xf32, #tpu.memory_space<vmem_shared>>
        tpu.enqueue_dma source(%dma_start3A_228 : memref<640x128xf32, #tpu.memory_space<vmem_shared>>) target(%dma_start3A_226 : memref<640x128xf32, #tpu.memory_space<hbm>>) target_semaphore(%run_scoped3A_223 : memref<!tpu.dma_semaphore, #tpu.memory_space<semaphore_mem>>)
        %dma_wait3A_229 = arith.constant 0 : i32
        %dma_wait3A_230 = tpu.memref_slice %arg5[%arg0, %mul3A_222, %dma_wait3A_229] : memref<2x10000x128xf32, #tpu.memory_space<hbm>> -> memref<1x640x128xf32, #tpu.memory_space<hbm>>
        %dma_wait3A_231 = tpu.memref_squeeze %dma_wait3A_230 : memref<1x640x128xf32, #tpu.memory_space<hbm>> -> memref<640x128xf32, #tpu.memory_space<hbm>>
        %dma_wait3A_232 = arith.constant 0 : i32
        %dma_wait3A_233 = tpu.memref_slice %arg9[%mul3A_222, %dma_wait3A_232] : memref<10240x128xf32, #tpu.memory_space<vmem_shared>> -> memref<640x128xf32, #tpu.memory_space<vmem_shared>>
        tpu.wait_dma2 semaphore(%run_scoped3A_223 : memref<!tpu.dma_semaphore, #tpu.memory_space<semaphore_mem>>) src(%dma_wait3A_233 : memref<640x128xf32, #tpu.memory_space<vmem_shared>>) dst(%dma_wait3A_231 : memref<640x128xf32, #tpu.memory_space<hbm>>)
        tpu.yield
      }) : () -> ()
    } else {
    }
    %eq3A = arith.constant 15 : i32
    %eq3A_217 = arith.cmpi eq, %arg1, %eq3A : i32
    %convert_element_type3A_218 = arith.extui %eq3A_217 : i1 to i32
    %cond3A_219 = arith.constant 0 : i32
    %cond3A_220 = arith.cmpi ne, %convert_element_type3A_218, %cond3A_219 : i32
    scf.if %cond3A_220 {
      "tpu.region"() ({
        %run_scoped3A_221 = tpu.sem_alloc : memref<!tpu.dma_semaphore, #tpu.memory_space<semaphore_mem>>
        %dma_start3A_222 = arith.constant 9600 : i32
        %dma_start3A_223 = arith.constant 0 : i32
        %dma_start3A_224 = tpu.memref_slice %arg5[%arg0, %dma_start3A_222, %dma_start3A_223] : memref<2x10000x128xf32, #tpu.memory_space<hbm>> -> memref<1x400x128xf32, #tpu.memory_space<hbm>>
        %dma_start3A_225 = tpu.memref_squeeze %dma_start3A_224 : memref<1x400x128xf32, #tpu.memory_space<hbm>> -> memref<400x128xf32, #tpu.memory_space<hbm>>
        %dma_start3A_226 = arith.constant 9600 : i32
        %dma_start3A_227 = arith.constant 0 : i32
        %dma_start3A_228 = tpu.memref_slice %arg9[%dma_start3A_226, %dma_start3A_227] : memref<10240x128xf32, #tpu.memory_space<vmem_shared>> -> memref<400x128xf32, #tpu.memory_space<vmem_shared>>
        tpu.enqueue_dma source(%dma_start3A_228 : memref<400x128xf32, #tpu.memory_space<vmem_shared>>) target(%dma_start3A_225 : memref<400x128xf32, #tpu.memory_space<hbm>>) target_semaphore(%run_scoped3A_221 : memref<!tpu.dma_semaphore, #tpu.memory_space<semaphore_mem>>)
        %dma_wait3A_229 = arith.constant 9600 : i32
        %dma_wait3A_230 = arith.constant 0 : i32
        %dma_wait3A_231 = tpu.memref_slice %arg5[%arg0, %dma_wait3A_229, %dma_wait3A_230] : memref<2x10000x128xf32, #tpu.memory_space<hbm>> -> memref<1x400x128xf32, #tpu.memory_space<hbm>>
        %dma_wait3A_232 = tpu.memref_squeeze %dma_wait3A_231 : memref<1x400x128xf32, #tpu.memory_space<hbm>> -> memref<400x128xf32, #tpu.memory_space<hbm>>
        %dma_wait3A_233 = arith.constant 9600 : i32
        %dma_wait3A_234 = arith.constant 0 : i32
        %dma_wait3A_235 = tpu.memref_slice %arg9[%dma_wait3A_233, %dma_wait3A_234] : memref<10240x128xf32, #tpu.memory_space<vmem_shared>> -> memref<400x128xf32, #tpu.memory_space<vmem_shared>>
        tpu.wait_dma2 semaphore(%run_scoped3A_221 : memref<!tpu.dma_semaphore, #tpu.memory_space<semaphore_mem>>) src(%dma_wait3A_235 : memref<400x128xf32, #tpu.memory_space<vmem_shared>>) dst(%dma_wait3A_232 : memref<400x128xf32, #tpu.memory_space<hbm>>)
        tpu.yield
      }) : () -> ()
    } else {
    }
    return
  }
}

module attributes {stable_mosaic.version = 14 : i64} {
  func.func @_h1_body(%arg0: i32, %arg1: memref<1000x128xf32, #tpu.memory_space<vmem>>, %arg2: memref<2x1000x128xf32, #tpu.memory_space<vmem>>, %arg3: memref<128x256xf32, #tpu.memory_space<vmem>>, %arg4: memref<1x256xf32, #tpu.memory_space<vmem>>, %arg5: memref<2x1000x128xf32, #tpu.memory_space<vmem>>) attributes {dimension_semantics = [#tpu.dimension_semantics<arbitrary>], iteration_bounds = array<i64: 10>, scalar_prefetch = 0 : i64, scratch_operands = 0 : i64, tpu.core_type = #tpu.core_type<tc>, window_params = [{transform_indices = @transform_0, window_bounds = array<i64: 1000, 128>}, {transform_indices = @transform_1, window_bounds = array<i64: 2, 1000, 128>}, {pipeline_mode = #tpu.pipeline_mode<synchronous>, transform_indices = @transform_2, window_bounds = array<i64: 128, 256>}, {pipeline_mode = #tpu.pipeline_mode<synchronous>, transform_indices = @transform_3, window_bounds = array<i64: 1, 256>}, {transform_indices = @transform_4, window_bounds = array<i64: 2, 1000, 128>}]} {
    %get3A = arith.constant 0 : index
    %get3A_0 = arith.constant 0 : index
    %get3A_1 = vector.load %arg1[%get3A, %get3A_0] : memref<1000x128xf32, #tpu.memory_space<vmem>>, vector<1000x128xf32>
    %get3A_2 = arith.constant 0 : index
    %get3A_3 = arith.constant 0 : index
    %get3A_4 = arith.constant 0 : index
    %get3A_5 = vector.load %arg2[%get3A_2, %get3A_3, %get3A_4] : memref<2x1000x128xf32, #tpu.memory_space<vmem>>, vector<1x1000x128xf32>
    %get3A_6 = vector.shape_cast %get3A_5 : vector<1x1000x128xf32> to vector<1000x128xf32>
    %add3A = arith.addf %get3A_1, %get3A_6 : vector<1000x128xf32>
    %get3A_7 = arith.constant 1 : index
    %get3A_8 = arith.constant 0 : index
    %get3A_9 = arith.constant 0 : index
    %get3A_10 = vector.load %arg2[%get3A_7, %get3A_8, %get3A_9] : memref<2x1000x128xf32, #tpu.memory_space<vmem>>, vector<1x1000x128xf32>
    %get3A_11 = vector.shape_cast %get3A_10 : vector<1x1000x128xf32> to vector<1000x128xf32>
    %add3A_12 = arith.addf %add3A, %get3A_11 : vector<1000x128xf32>
    %get3A_13 = arith.constant 0 : index
    %get3A_14 = arith.constant 0 : index
    %get3A_15 = vector.load %arg3[%get3A_13, %get3A_14] : memref<128x256xf32, #tpu.memory_space<vmem>>, vector<128x256xf32>
    %dot_general3A = arith.constant dense<0.000000e+00> : vector<1000x256xf32>
    %dot_general3A_16 = tpu.matmul %add3A_12, %get3A_15, %dot_general3A {dimension_numbers = #tpu.dot_dimension_numbers<[1], [0], [0], [1], [0, 0, 1, 1], [], []>, transpose_lhs_hint = false} : vector<1000x128xf32>, vector<128x256xf32>, vector<1000x256xf32> -> vector<1000x256xf32>
    %get3A_17 = arith.constant 0 : index
    %get3A_18 = arith.constant 0 : index
    %get3A_19 = vector.load %arg4[%get3A_17, %get3A_18] : memref<1x256xf32, #tpu.memory_space<vmem>>, vector<1x256xf32>
    %add3A_20 = vector.broadcast %get3A_19 : vector<1x256xf32> to vector<1000x256xf32>
    %add3A_21 = arith.addf %dot_general3A_16, %add3A_20 : vector<1000x256xf32>
    %max3A = arith.constant 0.000000e+00 : f32
    %max3A_22 = vector.broadcast %max3A : f32 to vector<1000x256xf32>
    %max3A_23 = arith.maximumf %add3A_21, %max3A_22 : vector<1000x256xf32>
    %slice3A = vector.extract_strided_slice %max3A_23 {offsets = [0, 0], sizes = [1000, 128], strides = [1, 1]} : vector<1000x256xf32> to vector<1000x128xf32>
    %swap3A = arith.constant 0 : index
    %swap3A_24 = arith.constant 0 : index
    %swap3A_25 = arith.constant 0 : index
    %swap3A_26 = vector.load %arg5[%swap3A, %swap3A_24, %swap3A_25] : memref<2x1000x128xf32, #tpu.memory_space<vmem>>, vector<1x1000x128xf32>
    %swap3A_27 = vector.shape_cast %swap3A_26 : vector<1x1000x128xf32> to vector<1000x128xf32>
    %swap3A_28 = vector.shape_cast %slice3A : vector<1000x128xf32> to vector<1x1000x128xf32>
    tpu.vector_store %arg5[%swap3A, %swap3A_24, %swap3A_25], %swap3A_28 {strides = array<i32>} : memref<2x1000x128xf32, #tpu.memory_space<vmem>>, vector<1x1000x128xf32>,
    %slice3A_29 = vector.extract_strided_slice %max3A_23 {offsets = [0, 128], sizes = [1000, 128], strides = [1, 1]} : vector<1000x256xf32> to vector<1000x128xf32>
    %swap3A_30 = arith.constant 1 : index
    %swap3A_31 = arith.constant 0 : index
    %swap3A_32 = arith.constant 0 : index
    %swap3A_33 = vector.load %arg5[%swap3A_30, %swap3A_31, %swap3A_32] : memref<2x1000x128xf32, #tpu.memory_space<vmem>>, vector<1x1000x128xf32>
    %swap3A_34 = vector.shape_cast %swap3A_33 : vector<1x1000x128xf32> to vector<1000x128xf32>
    %swap3A_35 = vector.shape_cast %slice3A_29 : vector<1000x128xf32> to vector<1x1000x128xf32>
    tpu.vector_store %arg5[%swap3A_30, %swap3A_31, %swap3A_32], %swap3A_35 {strides = array<i32>} : memref<2x1000x128xf32, #tpu.memory_space<vmem>>, vector<1x1000x128xf32>,
    return
  }
  func.func @transform_0(%arg0: i32) -> (i32, i32) {
    %c0_i32 = arith.constant 0 : i32
    %c0_i32_0 = arith.constant 0 : i32
    return %arg0, %c0_i32 : i32, i32
  }
  func.func @transform_1(%arg0: i32) -> (i32, i32, i32) {
    %c0_i32 = arith.constant 0 : i32
    %c0_i32_0 = arith.constant 0 : i32
    %c0_i32_1 = arith.constant 0 : i32
    return %c0_i32, %arg0, %c0_i32_0 : i32, i32, i32
  }
  func.func @transform_2(%arg0: i32) -> (i32, i32) {
    %c0_i32 = arith.constant 0 : i32
    %c0_i32_0 = arith.constant 0 : i32
    %c0_i32_1 = arith.constant 0 : i32
    return %c0_i32, %c0_i32_0 : i32, i32
  }
  func.func @transform_3(%arg0: i32) -> (i32, i32) {
    %c0_i32 = arith.constant 0 : i32
    %c0_i32_0 = arith.constant 0 : i32
    %c0_i32_1 = arith.constant 0 : i32
    return %c0_i32, %c0_i32_0 : i32, i32
  }
  func.func @transform_4(%arg0: i32) -> (i32, i32, i32) {
    %c0_i32 = arith.constant 0 : i32
    %c0_i32_0 = arith.constant 0 : i32
    %c0_i32_1 = arith.constant 0 : i32
    return %c0_i32, %arg0, %c0_i32_0 : i32, i32, i32
  }
}

module attributes {stable_mosaic.version = 14 : i64} {
  func.func @_tail_body(%arg0: i32, %arg1: memref<2x1000x128xf32, #tpu.memory_space<vmem>>, %arg2: memref<2x1000x128xf32, #tpu.memory_space<vmem>>, %arg3: memref<2x128x128xf32, #tpu.memory_space<vmem>>, %arg4: memref<1x128xf32, #tpu.memory_space<vmem>>, %arg5: memref<128x256xf32, #tpu.memory_space<vmem>>, %arg6: memref<1x256xf32, #tpu.memory_space<vmem>>, %arg7: memref<128x256xf32, #tpu.memory_space<vmem>>, %arg8: memref<1x256xf32, #tpu.memory_space<vmem>>, %arg9: memref<256x256xf32, #tpu.memory_space<vmem>>, %arg10: memref<1x256xf32, #tpu.memory_space<vmem>>, %arg11: memref<256x128xf32, #tpu.memory_space<vmem>>, %arg12: memref<1x128xf32, #tpu.memory_space<vmem>>, %arg13: memref<1000x1xf32, #tpu.memory_space<vmem>>, %arg14: memref<10000x128xf32, #tpu.memory_space<vmem>>, %arg15: memref<1x128xf32, #tpu.memory_space<vmem>>, %arg16: memref<1x128xf32, #tpu.memory_space<vmem>>) attributes {dimension_semantics = [#tpu.dimension_semantics<arbitrary>], iteration_bounds = array<i64: 20>, scalar_prefetch = 0 : i64, scratch_operands = 3 : i64, tpu.core_type = #tpu.core_type<tc>, window_params = [{transform_indices = @transform_0, window_bounds = array<i64: 2, 1000, 128>}, {transform_indices = @transform_1, window_bounds = array<i64: 2, 1000, 128>}, {pipeline_mode = #tpu.pipeline_mode<synchronous>, transform_indices = @transform_2, window_bounds = array<i64: 2, 128, 128>}, {pipeline_mode = #tpu.pipeline_mode<synchronous>, transform_indices = @transform_3, window_bounds = array<i64: 1, 128>}, {pipeline_mode = #tpu.pipeline_mode<synchronous>, transform_indices = @transform_4, window_bounds = array<i64: 128, 256>}, {pipeline_mode = #tpu.pipeline_mode<synchronous>, transform_indices = @transform_5, window_bounds = array<i64: 1, 256>}, {pipeline_mode = #tpu.pipeline_mode<synchronous>, transform_indices = @transform_6, window_bounds = array<i64: 128, 256>}, {pipeline_mode = #tpu.pipeline_mode<synchronous>, transform_indices = @transform_7, window_bounds = array<i64: 1, 256>}, {pipeline_mode = #tpu.pipeline_mode<synchronous>, transform_indices = @transform_8, window_bounds = array<i64: 256, 256>}, {pipeline_mode = #tpu.pipeline_mode<synchronous>, transform_indices = @transform_9, window_bounds = array<i64: 1, 256>}, {pipeline_mode = #tpu.pipeline_mode<synchronous>, transform_indices = @transform_10, window_bounds = array<i64: 256, 128>}, {pipeline_mode = #tpu.pipeline_mode<synchronous>, transform_indices = @transform_11, window_bounds = array<i64: 1, 128>}, {transform_indices = @transform_12, window_bounds = array<i64: 1000, 1>}]} {
    %lt3A = arith.constant 10 : i32
    %lt3A_0 = arith.cmpi slt, %arg0, %lt3A : i32
    %convert_element_type3A = arith.extui %lt3A_0 : i1 to i32
    %cond3A = arith.constant 0 : i32
    %cond3A_1 = arith.cmpi ne, %convert_element_type3A, %cond3A : i32
    scf.if %cond3A_1 {
      %get3A = arith.constant 0 : index
      %get3A_10 = arith.constant 0 : index
      %get3A_11 = arith.constant 0 : index
      %get3A_12 = vector.load %arg1[%get3A, %get3A_10, %get3A_11] : memref<2x1000x128xf32, #tpu.memory_space<vmem>>, vector<1x1000x128xf32>
      %get3A_13 = vector.shape_cast %get3A_12 : vector<1x1000x128xf32> to vector<1000x128xf32>
      %get3A_14 = arith.constant 0 : index
      %get3A_15 = arith.constant 0 : index
      %get3A_16 = arith.constant 0 : index
      %get3A_17 = vector.load %arg2[%get3A_14, %get3A_15, %get3A_16] : memref<2x1000x128xf32, #tpu.memory_space<vmem>>, vector<1x1000x128xf32>
      %get3A_18 = vector.shape_cast %get3A_17 : vector<1x1000x128xf32> to vector<1000x128xf32>
      %add3A = arith.addf %get3A_13, %get3A_18 : vector<1000x128xf32>
      %get3A_19 = arith.constant 1 : index
      %get3A_20 = arith.constant 0 : index
      %get3A_21 = arith.constant 0 : index
      %get3A_22 = vector.load %arg1[%get3A_19, %get3A_20, %get3A_21] : memref<2x1000x128xf32, #tpu.memory_space<vmem>>, vector<1x1000x128xf32>
      %get3A_23 = vector.shape_cast %get3A_22 : vector<1x1000x128xf32> to vector<1000x128xf32>
      %get3A_24 = arith.constant 1 : index
      %get3A_25 = arith.constant 0 : index
      %get3A_26 = arith.constant 0 : index
      %get3A_27 = vector.load %arg2[%get3A_24, %get3A_25, %get3A_26] : memref<2x1000x128xf32, #tpu.memory_space<vmem>>, vector<1x1000x128xf32>
      %get3A_28 = vector.shape_cast %get3A_27 : vector<1x1000x128xf32> to vector<1000x128xf32>
      %add3A_29 = arith.addf %get3A_23, %get3A_28 : vector<1000x128xf32>
      %get3A_30 = arith.constant 0 : index
      %get3A_31 = arith.constant 0 : index
      %get3A_32 = arith.constant 0 : index
      %get3A_33 = vector.load %arg3[%get3A_30, %get3A_31, %get3A_32] : memref<2x128x128xf32, #tpu.memory_space<vmem>>, vector<1x128x128xf32>
      %get3A_34 = vector.shape_cast %get3A_33 : vector<1x128x128xf32> to vector<128x128xf32>
      %dot_general3A = arith.constant dense<0.000000e+00> : vector<1000x128xf32>
      %dot_general3A_35 = tpu.matmul %add3A, %get3A_34, %dot_general3A {dimension_numbers = #tpu.dot_dimension_numbers<[1], [0], [0], [1], [0, 0, 1, 1], [], []>, transpose_lhs_hint = false} : vector<1000x128xf32>, vector<128x128xf32>, vector<1000x128xf32> -> vector<1000x128xf32>
      %get3A_36 = arith.constant 1 : index
      %get3A_37 = arith.constant 0 : index
      %get3A_38 = arith.constant 0 : index
      %get3A_39 = vector.load %arg3[%get3A_36, %get3A_37, %get3A_38] : memref<2x128x128xf32, #tpu.memory_space<vmem>>, vector<1x128x128xf32>
      %get3A_40 = vector.shape_cast %get3A_39 : vector<1x128x128xf32> to vector<128x128xf32>
      %dot_general3A_41 = arith.constant dense<0.000000e+00> : vector<1000x128xf32>
      %dot_general3A_42 = tpu.matmul %add3A_29, %get3A_40, %dot_general3A_41 {dimension_numbers = #tpu.dot_dimension_numbers<[1], [0], [0], [1], [0, 0, 1, 1], [], []>, transpose_lhs_hint = false} : vector<1000x128xf32>, vector<128x128xf32>, vector<1000x128xf32> -> vector<1000x128xf32>
      %add3A_43 = arith.addf %dot_general3A_35, %dot_general3A_42 : vector<1000x128xf32>
      %get3A_44 = arith.constant 0 : index
      %get3A_45 = arith.constant 0 : index
      %get3A_46 = vector.load %arg4[%get3A_44, %get3A_45] : memref<1x128xf32, #tpu.memory_space<vmem>>, vector<1x128xf32>
      %add3A_47 = vector.broadcast %get3A_46 : vector<1x128xf32> to vector<1000x128xf32>
      %add3A_48 = arith.addf %add3A_43, %add3A_47 : vector<1000x128xf32>
      %mul3A = arith.constant 1000 : i32
      %mul3A_49 = arith.muli %arg0, %mul3A : i32
      %swap3A = arith.index_cast %mul3A_49 : i32 to index
      %swap3A_50 = arith.constant 0 : index
      %swap3A_51 = vector.load %arg14[%swap3A, %swap3A_50] : memref<10000x128xf32, #tpu.memory_space<vmem>>, vector<1000x128xf32>
      tpu.vector_store %arg14[%swap3A, %swap3A_50], %add3A_48 {strides = array<i32>} : memref<10000x128xf32, #tpu.memory_space<vmem>>, vector<1000x128xf32>,
      %eq3A_52 = arith.constant 0 : i32
      %eq3A_53 = arith.cmpi eq, %arg0, %eq3A_52 : i32
      %convert_element_type3A_54 = arith.extui %eq3A_53 : i1 to i32
      %cond3A_55 = arith.constant 0 : i32
      %cond3A_56 = arith.cmpi ne, %convert_element_type3A_54, %cond3A_55 : i32
      scf.if %cond3A_56 {
        %broadcast_in_dim3A_65 = arith.constant 0.000000e+00 : f32
        %broadcast_in_dim3A_66 = vector.broadcast %broadcast_in_dim3A_65 : f32 to vector<1x128xf32>
        %swap3A_67 = arith.constant 0 : index
        %swap3A_68 = arith.constant 0 : index
        %swap3A_69 = vector.load %arg15[%swap3A_67, %swap3A_68] : memref<1x128xf32, #tpu.memory_space<vmem>>, vector<1x128xf32>
        tpu.vector_store %arg15[%swap3A_67, %swap3A_68], %broadcast_in_dim3A_66 {strides = array<i32>} : memref<1x128xf32, #tpu.memory_space<vmem>>, vector<1x128xf32>,
      } else {
      }
      %get3A_57 = arith.constant 0 : index
      %get3A_58 = arith.constant 0 : index
      %get3A_59 = vector.load %arg15[%get3A_57, %get3A_58] : memref<1x128xf32, #tpu.memory_space<vmem>>, vector<1x128xf32>
      %reduce_sum3A = arith.constant dense<0.000000e+00> : vector<128xf32>
      %reduce_sum3A_60 = vector.multi_reduction <add>, %add3A_48, %reduce_sum3A [0] : vector<1000x128xf32> to vector<128xf32>
      %broadcast_in_dim3A = vector.shape_cast %reduce_sum3A_60 : vector<128xf32> to vector<1x128xf32>
      %add3A_61 = arith.addf %get3A_59, %broadcast_in_dim3A : vector<1x128xf32>
      %swap3A_62 = arith.constant 0 : index
      %swap3A_63 = arith.constant 0 : index
      %swap3A_64 = vector.load %arg15[%swap3A_62, %swap3A_63] : memref<1x128xf32, #tpu.memory_space<vmem>>, vector<1x128xf32>
      tpu.vector_store %arg15[%swap3A_62, %swap3A_63], %add3A_61 {strides = array<i32>} : memref<1x128xf32, #tpu.memory_space<vmem>>, vector<1x128xf32>,
    } else {
    }
    %eq3A = arith.constant 10 : i32
    %eq3A_2 = arith.cmpi eq, %arg0, %eq3A : i32
    %convert_element_type3A_3 = arith.extui %eq3A_2 : i1 to i32
    %cond3A_4 = arith.constant 0 : i32
    %cond3A_5 = arith.cmpi ne, %convert_element_type3A_3, %cond3A_4 : i32
    scf.if %cond3A_5 {
      %get3A = arith.constant 0 : index
      %get3A_10 = arith.constant 0 : index
      %get3A_11 = vector.load %arg15[%get3A, %get3A_10] : memref<1x128xf32, #tpu.memory_space<vmem>>, vector<1x128xf32>
      %mul3A = arith.constant 9.99999974E-5 : f32
      %mul3A_12 = vector.broadcast %mul3A : f32 to vector<1x128xf32>
      %mul3A_13 = arith.mulf %get3A_11, %mul3A_12 : vector<1x128xf32>
      %get3A_14 = arith.constant 0 : index
      %get3A_15 = arith.constant 0 : index
      %get3A_16 = vector.load %arg5[%get3A_14, %get3A_15] : memref<128x256xf32, #tpu.memory_space<vmem>>, vector<128x256xf32>
      %dot_general3A = arith.constant dense<0.000000e+00> : vector<1x256xf32>
      %dot_general3A_17 = tpu.matmul %mul3A_13, %get3A_16, %dot_general3A {dimension_numbers = #tpu.dot_dimension_numbers<[1], [0], [0], [1], [0, 0, 1, 1], [], []>, transpose_lhs_hint = false} : vector<1x128xf32>, vector<128x256xf32>, vector<1x256xf32> -> vector<1x256xf32>
      %get3A_18 = arith.constant 0 : index
      %get3A_19 = arith.constant 0 : index
      %get3A_20 = vector.load %arg6[%get3A_18, %get3A_19] : memref<1x256xf32, #tpu.memory_space<vmem>>, vector<1x256xf32>
      %add3A = arith.addf %dot_general3A_17, %get3A_20 : vector<1x256xf32>
      %logistic3A = arith.negf %add3A : vector<1x256xf32>
      %logistic3A_21 = math.exp %logistic3A : vector<1x256xf32>
      %logistic3A_22 = arith.constant 1.000000e+00 : f32
      %logistic3A_23 = vector.broadcast %logistic3A_22 : f32 to vector<1x256xf32>
      %logistic3A_24 = arith.addf %logistic3A_23, %logistic3A_21 : vector<1x256xf32>
      %logistic3A_25 = arith.divf %logistic3A_23, %logistic3A_24 : vector<1x256xf32>
      %get3A_26 = arith.constant 0 : index
      %get3A_27 = arith.constant 0 : index
      %get3A_28 = vector.load %arg7[%get3A_26, %get3A_27] : memref<128x256xf32, #tpu.memory_space<vmem>>, vector<128x256xf32>
      %dot_general3A_29 = arith.constant dense<0.000000e+00> : vector<1x256xf32>
      %dot_general3A_30 = tpu.matmul %mul3A_13, %get3A_28, %dot_general3A_29 {dimension_numbers = #tpu.dot_dimension_numbers<[1], [0], [0], [1], [0, 0, 1, 1], [], []>, transpose_lhs_hint = false} : vector<1x128xf32>, vector<128x256xf32>, vector<1x256xf32> -> vector<1x256xf32>
      %get3A_31 = arith.constant 0 : index
      %get3A_32 = arith.constant 0 : index
      %get3A_33 = vector.load %arg8[%get3A_31, %get3A_32] : memref<1x256xf32, #tpu.memory_space<vmem>>, vector<1x256xf32>
      %add3A_34 = arith.addf %dot_general3A_30, %get3A_33 : vector<1x256xf32>
      %tanh3A = math.tanh %add3A_34 : vector<1x256xf32>
      %sub3A = arith.constant 1.000000e+00 : f32
      %sub3A_35 = vector.broadcast %sub3A : f32 to vector<1x256xf32>
      %sub3A_36 = arith.subf %sub3A_35, %logistic3A_25 : vector<1x256xf32>
      %mul3A_37 = arith.mulf %sub3A_36, %tanh3A : vector<1x256xf32>
      %get3A_38 = arith.constant 0 : index
      %get3A_39 = arith.constant 0 : index
      %get3A_40 = vector.load %arg9[%get3A_38, %get3A_39] : memref<256x256xf32, #tpu.memory_space<vmem>>, vector<256x256xf32>
      %dot_general3A_41 = arith.constant dense<0.000000e+00> : vector<1x256xf32>
      %dot_general3A_42 = tpu.matmul %mul3A_37, %get3A_40, %dot_general3A_41 {dimension_numbers = #tpu.dot_dimension_numbers<[1], [0], [0], [1], [0, 0, 1, 1], [], []>, transpose_lhs_hint = false} : vector<1x256xf32>, vector<256x256xf32>, vector<1x256xf32> -> vector<1x256xf32>
      %get3A_43 = arith.constant 0 : index
      %get3A_44 = arith.constant 0 : index
      %get3A_45 = vector.load %arg10[%get3A_43, %get3A_44] : memref<1x256xf32, #tpu.memory_space<vmem>>, vector<1x256xf32>
      %add3A_46 = arith.addf %dot_general3A_42, %get3A_45 : vector<1x256xf32>
      %max3A = arith.constant 0.000000e+00 : f32
      %max3A_47 = vector.broadcast %max3A : f32 to vector<1x256xf32>
      %max3A_48 = arith.maximumf %add3A_46, %max3A_47 : vector<1x256xf32>
      %get3A_49 = arith.constant 0 : index
      %get3A_50 = arith.constant 0 : index
      %get3A_51 = vector.load %arg11[%get3A_49, %get3A_50] : memref<256x128xf32, #tpu.memory_space<vmem>>, vector<256x128xf32>
      %dot_general3A_52 = arith.constant dense<0.000000e+00> : vector<1x128xf32>
      %dot_general3A_53 = tpu.matmul %max3A_48, %get3A_51, %dot_general3A_52 {dimension_numbers = #tpu.dot_dimension_numbers<[1], [0], [0], [1], [0, 0, 1, 1], [], []>, transpose_lhs_hint = false} : vector<1x256xf32>, vector<256x128xf32>, vector<1x128xf32> -> vector<1x128xf32>
      %get3A_54 = arith.constant 0 : index
      %get3A_55 = arith.constant 0 : index
      %get3A_56 = vector.load %arg12[%get3A_54, %get3A_55] : memref<1x128xf32, #tpu.memory_space<vmem>>, vector<1x128xf32>
      %add3A_57 = arith.addf %dot_general3A_53, %get3A_56 : vector<1x128xf32>
      %swap3A = arith.constant 0 : index
      %swap3A_58 = arith.constant 0 : index
      %swap3A_59 = vector.load %arg16[%swap3A, %swap3A_58] : memref<1x128xf32, #tpu.memory_space<vmem>>, vector<1x128xf32>
      tpu.vector_store %arg16[%swap3A, %swap3A_58], %add3A_57 {strides = array<i32>} : memref<1x128xf32, #tpu.memory_space<vmem>>, vector<1x128xf32>,
    } else {
    }
    %ge3A = arith.constant 10 : i32
    %ge3A_6 = arith.cmpi sge, %arg0, %ge3A : i32
    %convert_element_type3A_7 = arith.extui %ge3A_6 : i1 to i32
    %cond3A_8 = arith.constant 0 : i32
    %cond3A_9 = arith.cmpi ne, %convert_element_type3A_7, %cond3A_8 : i32
    scf.if %cond3A_9 {
      %sub3A = arith.constant 10 : i32
      %sub3A_10 = arith.subi %arg0, %sub3A : i32
      %mul3A = arith.constant 1000 : i32
      %mul3A_11 = arith.muli %sub3A_10, %mul3A : i32
      %get3A = arith.index_cast %mul3A_11 : i32 to index
      %get3A_12 = arith.constant 0 : index
      %get3A_13 = vector.load %arg14[%get3A, %get3A_12] : memref<10000x128xf32, #tpu.memory_space<vmem>>, vector<1000x128xf32>
      %get3A_14 = arith.constant 0 : index
      %get3A_15 = arith.constant 0 : index
      %get3A_16 = vector.load %arg16[%get3A_14, %get3A_15] : memref<1x128xf32, #tpu.memory_space<vmem>>, vector<1x128xf32>
      %dot_general3A = arith.constant dense<0.000000e+00> : vector<1000x1xf32>
      %dot_general3A_17 = tpu.matmul %get3A_13, %get3A_16, %dot_general3A {dimension_numbers = #tpu.dot_dimension_numbers<[1], [1], [0], [0], [0, 0, 1, 0], [], []>, transpose_lhs_hint = false} : vector<1000x128xf32>, vector<1x128xf32>, vector<1000x1xf32> -> vector<1000x1xf32>
      %swap3A = arith.constant 0 : index
      %swap3A_18 = arith.constant 0 : index
      %swap3A_19 = vector.load %arg13[%swap3A, %swap3A_18] : memref<1000x1xf32, #tpu.memory_space<vmem>>, vector<1000x1xf32>
      tpu.vector_store %arg13[%swap3A, %swap3A_18], %dot_general3A_17 {strides = array<i32>} : memref<1000x1xf32, #tpu.memory_space<vmem>>, vector<1000x1xf32>,
    } else {
    }
    return
  }
  func.func @transform_0(%arg0: i32) -> (i32, i32, i32) {
    %min3A = arith.constant 9 : i32
    %min3A_0 = arith.minsi %arg0, %min3A : i32
    %c0_i32 = arith.constant 0 : i32
    %c0_i32_1 = arith.constant 0 : i32
    %c0_i32_2 = arith.constant 0 : i32
    return %c0_i32, %min3A_0, %c0_i32_1 : i32, i32, i32
  }
  func.func @transform_1(%arg0: i32) -> (i32, i32, i32) {
    %min3A = arith.constant 9 : i32
    %min3A_0 = arith.minsi %arg0, %min3A : i32
    %c0_i32 = arith.constant 0 : i32
    %c0_i32_1 = arith.constant 0 : i32
    %c0_i32_2 = arith.constant 0 : i32
    return %c0_i32, %min3A_0, %c0_i32_1 : i32, i32, i32
  }
  func.func @transform_2(%arg0: i32) -> (i32, i32, i32) {
    %c0_i32 = arith.constant 0 : i32
    %c0_i32_0 = arith.constant 0 : i32
    %c0_i32_1 = arith.constant 0 : i32
    %c0_i32_2 = arith.constant 0 : i32
    return %c0_i32, %c0_i32_0, %c0_i32_1 : i32, i32, i32
  }
  func.func @transform_3(%arg0: i32) -> (i32, i32) {
    %c0_i32 = arith.constant 0 : i32
    %c0_i32_0 = arith.constant 0 : i32
    %c0_i32_1 = arith.constant 0 : i32
    return %c0_i32, %c0_i32_0 : i32, i32
  }
  func.func @transform_4(%arg0: i32) -> (i32, i32) {
    %c0_i32 = arith.constant 0 : i32
    %c0_i32_0 = arith.constant 0 : i32
    %c0_i32_1 = arith.constant 0 : i32
    return %c0_i32, %c0_i32_0 : i32, i32
  }
  func.func @transform_5(%arg0: i32) -> (i32, i32) {
    %c0_i32 = arith.constant 0 : i32
    %c0_i32_0 = arith.constant 0 : i32
    %c0_i32_1 = arith.constant 0 : i32
    return %c0_i32, %c0_i32_0 : i32, i32
  }
  func.func @transform_6(%arg0: i32) -> (i32, i32) {
    %c0_i32 = arith.constant 0 : i32
    %c0_i32_0 = arith.constant 0 : i32
    %c0_i32_1 = arith.constant 0 : i32
    return %c0_i32, %c0_i32_0 : i32, i32
  }
  func.func @transform_7(%arg0: i32) -> (i32, i32) {
    %c0_i32 = arith.constant 0 : i32
    %c0_i32_0 = arith.constant 0 : i32
    %c0_i32_1 = arith.constant 0 : i32
    return %c0_i32, %c0_i32_0 : i32, i32
  }
  func.func @transform_8(%arg0: i32) -> (i32, i32) {
    %c0_i32 = arith.constant 0 : i32
    %c0_i32_0 = arith.constant 0 : i32
    %c0_i32_1 = arith.constant 0 : i32
    return %c0_i32, %c0_i32_0 : i32, i32
  }
  func.func @transform_9(%arg0: i32) -> (i32, i32) {
    %c0_i32 = arith.constant 0 : i32
    %c0_i32_0 = arith.constant 0 : i32
    %c0_i32_1 = arith.constant 0 : i32
    return %c0_i32, %c0_i32_0 : i32, i32
  }
  func.func @transform_10(%arg0: i32) -> (i32, i32) {
    %c0_i32 = arith.constant 0 : i32
    %c0_i32_0 = arith.constant 0 : i32
    %c0_i32_1 = arith.constant 0 : i32
    return %c0_i32, %c0_i32_0 : i32, i32
  }
  func.func @transform_11(%arg0: i32) -> (i32, i32) {
    %c0_i32 = arith.constant 0 : i32
    %c0_i32_0 = arith.constant 0 : i32
    %c0_i32_1 = arith.constant 0 : i32
    return %c0_i32, %c0_i32_0 : i32, i32
  }
  func.func @transform_12(%arg0: i32) -> (i32, i32) {
    %sub3A = arith.constant 10 : i32
    %sub3A_0 = arith.subi %arg0, %sub3A : i32
    %max3A = arith.constant 0 : i32
    %max3A_1 = arith.maxsi %sub3A_0, %max3A : i32
    %c0_i32 = arith.constant 0 : i32
    %c0_i32_2 = arith.constant 0 : i32
    return %max3A_1, %c0_i32 : i32, i32
  }
}

</mosaic_0001>

<sc_bundles>
// kernel: kernel.6.cloned.1.call-start
scs
__scs_entry_jumppad:
0x0: {  	(pc) =	sbr.rel $0x88, $3  }
0x1: {  	(tag) =	ssettag $0x0;
	lr =	simm.s32 $0x1  }
0x2: {  	[smem:$0x3F93] =	sst lr;
	_ =	strace $0xD0000000  }
0x3: {  	_ = 	snop  }
0x4: {  	_ = 	snop  }
0x5: {  	_ = 	snop  }
0x6: {  	_ = 	snop  }
0x7: {  	_ = 	snop  }
__scs_overlays_trampoline_lowered:
0x8: {  	[smem:$0x3FA2] =	sst s0  }
0x9: {  	[smem:$0x3FA3] =	sst s1  }
0xa: {  	[smem:$0x3FA4] =	sst s2  }
0xb: {  	[smem:$0x3FA5] =	sst s3  }
0xc: {  	[smem:$0x3FA6] =	sst s4  }
0xd: {  	[smem:$0x3FA7] =	sst s5  }
0xe: {  	[smem:$0x3FA8] =	sst s6  }
0xf: {  	[smem:$0x3FA9] =	sst s7  }
0x10: {  	[smem:$0x3FAA] =	sst s8  }
0x11: {  	[smem:$0x3FAB] =	sst s9;
	s0 =	simm.s32 @!p0 $0x0  }
0x12: {  	s1 =	sld [smem:$0x3F91];
	s0 =	simm.s32 @p0 $0x1  }
0x13: {  	[smem:$0x3FAC] =	sst s0;
	s0 =	simm.s32 @!p1 $0x0  }
0x14: {  	s2 =	sld [smem:$0x3F90];
	s0 =	simm.s32 @p1 $0x1  }
0x15: {  	[smem:$0x3FAD] =	sst s0;
	s0 =	simm.s32 @!p2 $0x0  }
0x16: {  	s3 =	sld [smem:$0x3FDB];
	s0 =	simm.s32 @p2 $0x1  }
0x17: {  	s4 =	simm.s32 $0x1BF5;
	[smem:$0x3FAF] =	sst s0  }
0x18: {  	s0 =	sld [smem:$0x3F92];
	_ =	swait.ge [sflag:s4], $0x0  }
0x19: {  	s7 =	sld [smem:$0x3F93]  }
0x1a: {  	s8 =	sadd.s32 $0xFFFFE003, lr  }
0x1b: {  	s9 =	sadd.s32 $0xFFFFFEF7, lr;
	s5 =	simm.s32 $0xFFFFFFFF;
	p2 =	slt.u32 s8, $0xFFFFF086  }
0x1c: {  	p1 =	slt.u32 s9, $0xF7A;
	s5 =	simm.s32 @!p2 $0x0  }
0x1d: {  	s5 =	simm.s32 @p1 $0x1;
	p0 =	seq.s32 s7, s2  }
0x1e: {  	s7 =	smul.u32 @!p0 $0xF7A, s2;
	p2 =	seq.s32 @!p0 s5, $0x0  }
0x1f: {  	s9 =	smul.u32 $0xF7A, s1;
	s8 =	simm.s32 @!p0 $0x1BF5;
	p2 =	por !p2, p0  }
0x20: {  	[sflag:s8] =	ssyncset.s32 @!p0 $0xFFFFF086;
	s6 =	sadd.s32 @!p0 s3, s7;
	s7 =	simm.s32 @!p0 $0x108  }
0x21: {  	s3 =	sadd.s32 s3, s9;
	s6 =	sadd.s32 @!p0 $0x88, s6;
	s7 =	simm.s32 @p2 $0x1082  }
0x22: {  	[simem:s7], [sflag:s8] =	dma.local @!p0 [hbm:s6], $0xF7A  }
0x23: {  	s9 =	sor.u32 $0xD0000000, s2;
	s6 =	simm.s32 $0x108;
	_ =	swait.ge @!p0 [sflag:s8], $0x0  }
0x24: {  	s3 =	sadd.s32 $0x88, s3;
	s6 =	simm.s32 @!p1 $0x1082;
	[sflag:s4] =	ssyncset.s32 $0xFFFFF086  }
0x25: {  	[simem:s6], [sflag:s4] =	dma.local [hbm:s3], $0xF7A  }
0x26: {  	[smem:$0x3F93] =	sst s1;
	(tag) =	ssettag s2;
	_ =	strace s9  }
0x27: {  	s1 =	sld [smem:$0x3FA3]  }
0x28: {  	s2 =	sld [smem:$0x3FA4]  }
0x29: {  	s4 =	sld [smem:$0x3FA6]  }
0x2a: {  	p0 =	seq.s32 s5, $0x0;
	s5 =	sld [smem:$0x3FA7]  }
0x2b: {  	s6 =	sld [smem:$0x3FA8]  }
0x2c: {  	s7 =	sld [smem:$0x3FA9]  }
0x2d: {  	s3 =	simm.s32 $0x108;
	s8 =	sld [smem:$0x3FAA]  }
0x2e: {  	s3 =	simm.s32 @!p0 $0x1082;
	s9 =	sld [smem:$0x3FAB]  }
0x2f: {  	lr =	sadd.s32 s0, s3;
	s0 =	sld [smem:$0x3FA2]  }
0x30: {  	s3 =	sld [smem:$0x3FA5]  }
0x31: {  	[smem:$0x3FAE] =	sst s10  }
0x32: {  	s10 =	sld [smem:$0x3FAC];
	_ =	sdelay $0x3  }
0x33: {  	p0 =	seq.s32 s10, $0x1;
	s10 =	sld [smem:$0x3FAE];
	_ =	sdelay $0x3  }
0x34: {  	[smem:$0x3FAE] =	sst s10  }
0x35: {  	s10 =	sld [smem:$0x3FAD];
	_ =	sdelay $0x3  }
0x36: {  	p1 =	seq.s32 s10, $0x1;
	s10 =	sld [smem:$0x3FAE];
	_ =	sdelay $0x3  }
0x37: {  	[smem:$0x3FAE] =	sst s10  }
0x38: {  	s10 =	sld [smem:$0x3FAF]  }
0x39: {  	_ = 	snop;
	(pc) =	sbr.ind lr, $3  }
0x3a: {  	_ = 	snop  }
0x3b: {  	_ = 	snop  }
0x3c: {  	p2 =	seq.s32 s10, $0x1;
	s10 =	sld [smem:$0x3FAE]  }
0x3d: {  	_ =	shalt  }
0x3e: {  	_ =	shalt  }
0x3f: {  	_ =	shalt  }
0x40: {  	_ =	shalt  }
0x41: {  	_ =	shalt  }
0x42: {  	_ =	shalt  }
0x43: {  	_ =	shalt  }
0x44: {  	_ =	shalt  }
0x45: {  	_ =	shalt  }
0x46: {  	_ =	shalt  }
0x47: {  	_ =	shalt  }
0x48: {  	_ =	shalt  }
0x49: {  	_ =	shalt  }
0x4a: {  	_ =	shalt  }
0x4b: {  	_ =	shalt  }
0x4c: {  	_ =	shalt  }
0x4d: {  	_ =	shalt  }
0x4e: {  	_ =	shalt  }
0x4f: {  	_ =	shalt  }
0x50: {  	_ =	shalt  }
0x51: {  	_ =	shalt  }
0x52: {  	_ =	shalt  }
0x53: {  	_ =	shalt  }
0x54: {  	_ =	shalt  }
0x55: {  	_ =	shalt  }
0x56: {  	_ =	shalt  }
0x57: {  	_ =	shalt  }
0x58: {  	_ =	shalt  }
0x59: {  	_ =	shalt  }
0x5a: {  	_ =	shalt  }
0x5b: {  	_ =	shalt  }
0x5c: {  	_ =	shalt  }
0x5d: {  	_ =	shalt  }
0x5e: {  	_ =	shalt  }
0x5f: {  	_ =	shalt  }
0x60: {  	_ =	shalt  }
0x61: {  	_ =	shalt  }
0x62: {  	_ =	shalt  }
0x63: {  	_ =	shalt  }
0x64: {  	_ =	shalt  }
0x65: {  	_ =	shalt  }
0x66: {  	_ =	shalt  }
0x67: {  	_ =	shalt  }
0x68: {  	_ =	shalt  }
0x69: {  	_ =	shalt  }
0x6a: {  	_ =	shalt  }
0x6b: {  	_ =	shalt  }
0x6c: {  	_ =	shalt  }
0x6d: {  	_ =	shalt  }
0x6e: {  	_ =	shalt  }
0x6f: {  	_ =	shalt  }
0x70: {  	_ =	shalt  }
0x71: {  	_ =	shalt  }
0x72: {  	_ =	shalt  }
0x73: {  	_ =	shalt  }
0x74: {  	_ =	shalt  }
0x75: {  	_ =	shalt  }
0x76: {  	_ =	shalt  }
0x77: {  	_ =	shalt  }
0x78: {  	_ =	shalt  }
0x79: {  	_ =	shalt  }
0x7a: {  	_ =	shalt  }
0x7b: {  	_ =	shalt  }
0x7c: {  	_ =	shalt  }
0x7d: {  	_ =	shalt  }
0x7e: {  	_ =	shalt  }
0x7f: {  	_ =	shalt  }
0x80: {  	_ =	shalt  }
0x81: {  	_ =	shalt  }
0x82: {  	_ =	shalt  }
0x83: {  	_ =	shalt  }
0x84: {  	_ =	shalt  }
0x85: {  	_ =	shalt  }
0x86: {  	_ =	shalt  }
0x87: {  	_ =	shalt  }
.Lfunc_end0:
.L_simem_size_0:
called_computation_lowered:
.L_overlay_start_0:
0x88: {  	s2 =	sld [smem:$0x3FD9]  }
0x89: {  	s3 =	sld [smem:$0x3FFE];
	_ =	sdelay $0x1  }
0x8a: {  	s1 =	srdreg.scid  }
0x8b: {  	s0 =	sand.u32 $0x1, s1  }
0x8c: {  	s17 =	sshll.u32 s0, $0xA;
	s2 =	sadd.s32 s3, s2  }
0x8d: {  	s2 =	sadd.s32 s2, s17  }
0x8e: {  	[smem:$0x3FBA] =	sst s2  }
0x8f: {  	_ = 	snop  }
0x90: {  	s2 =	sld [smem:$0x3FC9];
	(tm) =	ssettm $0x1  }
0x91: {  	s18 =	sld [smem:$0x3FFB];
	_ =	sdelay $0x3  }
0x92: {  	_ =	strace s18  }
0x93: {  	s3 =	sld [smem:$0x3FFC];
	_ =	sdelay $0x3  }
0x94: {  	_ =	strace s3  }
0x95: {  	s3 =	sld [smem:$0x3FFD];
	_ =	sdelay $0x3  }
0x96: {  	_ =	strace s3  }
0x97: {  	_ =	strace $0x8FFFFFFF  }
0x98: {  	s19 =	sld [smem:$0x3FDB];
	_ =	sdelay $0x1  }
0x99: {  	s4 =	simm.s32 $_scs_section_size  }
0x9a: {  	s5 =	simm.s32 $_size__tile_overlayer_lowered;
	s6 =	simm.s32 $_tile_overlayer_lowered  }
0x9b: {  	s22 =	simm.s32 $0x1BFF;
	s21 =	sshll.u32 s6, $0x1;
	s3 =	sadd.s32 s4, s19  }
0x9c: {  	s7 =	simm.s32 $0x0;
	s20 =	sshll.u32 s5, $0x1;
	s5 =	sadd.s32 s21, s3  }
0x9d: {  	[timem:s7], [sflag:s22] =	dma.local [hbm:s5], s20  }
0x9e: {  	_ =	swait.ge [sflag:s22], s20  }
0x9f: {  	s4 =	ssub.s32 $0x0, s20;
	[sflag:s22] =	ssyncset.done $0x0  }
0xa0: {  	[sflag:s22] =	ssyncadd.s32 s4;
	_ =	sdelay $0x1  }
0xa1: {  	s23 =	simm.s32 $0x1B8B  }
0xa2: {  	_ =	swait.ge [sflag:s23], $0x1  }
0xa3: {  	[sflag:s23] =	ssyncset.done $0x0  }
0xa4: {  	s25 =	simm.s32 $0x1B8E;
	s24 =	sld [smem:$0x3FFE];
	[sflag:s23] =	ssyncadd.s32 $0xFFFFFFFF  }
0xa5: {  	s26 =	simm.s32 $execute0_lowered;
	[smem:$0x3FD2] =	sst s25  }
0xa6: {  	s5 =	sshll.u32 s26, $0x1;
	_ =	strace $0x80000046;
	[dreg:$0x1] =	wrdreg $0xFFFFFFFF  }
0xa7: {  	s28 =	simm.s32 $_size_execute0_lowered;
	s3 =	sadd.s32 s3, s5;
	[dreg:$0x0] =	wrdreg $0x0  }
0xa8: {  	s5 =	sshll.u32 s28, $0x1;
	[dreg:$0x2] =	wrdreg s3  }
0xa9: {  	[dreg:$0x3] =	wrdreg s5  }
0xaa: {  	[dreg:$0x4] =	wrdreg $0xC0  }
0xab: {  	_ =	task [dreg:s7], $0x5FFFF  }
0xac: {  	[dreg:$0x1] =	wrdreg $0xFFFFFFFF  }
0xad: {  	[dreg:$0x0] =	wrdreg $0x60  }
0xae: {  	[dreg:$0x2] =	wrdreg s2  }
0xaf: {  	[dreg:$0x3] =	wrdreg s24  }
0xb0: {  	[dreg:$0x4] =	wrdreg $0xC0000  }
0xb1: {  	[dreg:$0x5] =	wrdreg $0x9  }
0xb2: {  	_ =	task.clear_ibuf [dreg:s7], $0x6FFFF;
	_ =	strace $0x90000046  }
0xb3: {  	s29 =	simm.s32 $0x9;
	_ =	strace $0x80000048  }
0xb4: {  	_ =	swait.ge [sflag:s29], $0x1  }
0xb5: {  	[sflag:s29] =	ssyncadd.s32 $0xFFFFFFFF  }
0xb6: {  	_ =	strace $0x90000048  }
0xb7: {  	_ =	sfence  }
0xb8: {  	s30 =	sld [smem:$0x0];
	_ =	sdelay $0x2  }
0xb9: {  	s31 =	sshll.u32 s1, $0xD;
	s1 =	sshrl.u32 s1, $0x2  }
0xba: {  	s3 =	sand.u32 $0x4000, s31;
	s1 =	sadd.s32 s1, s30  }
0xbb: {  	s0 =	sor.u32 s3, s0;
	s1 =	sshll.u32 s1, $0x11  }
0xbc: {  	s0 =	sor.u32 s1, s0  }
0xbd: {  	s0 =	sadd.s32 $0x8F2B, s0  }
0xbe: {  	[sflag:s0] =	ssyncadd.remote.s32 $0x1  }
0xbf: {  	_ =	sfence.sel $0xFFFF  }
0xc0: {  	[dreg:$0x0] =	wrdreg $0xFFFFFFFF;
	(pc) =	sbr.abs _section_cstart, $3  }
0xc1: {  	[dreg:$0x1] =	wrdreg $0xFFFFFFFF  }
0xc2: {  	_ =	task.clear_ibuf [dreg:s7], $0x2FFFF;
	_ =	strace $0x9FFFFFFF  }
0xc3: {  	(tm) =	ssettm $0x7FFFFFFF  }
tec
execute0_lowered:
.L_overlay_start_1:
0x0: {  	(tag) =	ssettag $0x1  }
0x1: {  	s1 =	rddreg [dreg:$0x0]  }
0x2: {  	s0 =	rddreg [dreg:$0x1]  }
0x3: {  	s3 =	rddreg [dreg:$0x2];
	s2 =	simm.s32 $0x0;
	s11 =	stileid.u32  }
0x4: {  	s19 =	srdreg.scid;
	s28 =	simm.s32 $0x6;
	s29 =	simm.s32 $0x40  }
0x5: {  	s31 =	simm.s32 $0x0;
	[smem:$0x7FF] =	sst s2;
	s4 =	smul.u32 $0xA0, s11  }
0x6: {  	s5 =	sadd.s32 $0x2000, s0;
	s2 =	sand.u32 $0x1, s19;
	s7 =	smul.u32 $0x50000, s11  }
0x7: {  	s6 =	sadd.s32 $0x16000, s0;
	s0 =	sadd.s32 $0x2A000, s0;
	s26 =	smul.u32 $0x14000, s11  }
0x8: {  	p0 =	seq.s32 s11, $0xF;
	s8 =	ssub.s32 $0x2, s2;
	s9 =	smul.u32 $0xA00, s2  }
0x9: {  	s2 =	smul.u32 $0x138800, s2;
	s10 =	sshrl.u32 s8, $0x1;
	s7 =	sshrl.u32 s7, $0x2  }
0xa: {  	_ =	strace $0x80000047;
	s8 =	ssub.s32 s8, s10;
	s7 =	sadd.s32 s7, s3  }
0xb: {  	s4 =	sadd.s32 s9, s4;
	s30 =	sadd.s32 s26, s2;
	s20 =	sadd.s32 $0x2000, s7  }
0xc: {  	s2 =	sshrl.u32 s2, $0x3;
	s21 =	sadd.s32 $0x4000, s7;
	[dreg:$0x4] =	wrdreg s20  }
0xd: {  	s22 =	sadd.s32 $0x6000, s7;
	s23 =	sadd.s32 $0x8000, s7;
	[dreg:$0x5] =	wrdreg s21  }
0xe: {  	s24 =	sadd.s32 $0xA000, s7;
	s25 =	sadd.s32 $0xC000, s7;
	[dreg:$0x6] =	wrdreg s22  }
0xf: {  	s14 =	sadd.s32 $0xE000, s7;
	s15 =	sadd.s32 $0x10000, s7;
	[dreg:$0x7] =	wrdreg s23  }
0x10: {  	s16 =	sadd.s32 $0x12000, s7;
	s17 =	sshll.u32 s4, $0x4;
	[dreg:$0x8] =	wrdreg s24  }
0x11: {  	s4 =	sshrl.u32 s30, $0x3;
	s2 =	sadd.s32 s0, s2;
	[dreg:$0x9] =	wrdreg s25  }
0x12: {  	s18 =	sadd.s32 s5, s17;
	s19 =	sadd.s32 s6, s17;
	s20 =	sadd.s32 s0, s4  }
0x13: {  	s21 =	sadd.s32 $0x25800, s2;
	s0 =	sadd.s32 $0x12C000, s3;
	s22 =	smax.u32 s8, $0x1  }
0x14: {  	v0 =	vimm.f32 $0.0e+00;
	s23 =	simm.s32 $0x2000;
	s24 =	simm.s32 $0x7;
	s25 =	sshrl.u32 @p0 s0, $0x3  }
.LBB2_1:
0x15: {  	s2 =	simm.s32 $0x0  }
0x16: {  	s0 =	sand.u32 $0x7E00, s2  }
0x17: {  	s2 =	sand.u32 $0x70, s2;
	s4 =	sshrl.u32 s0, $0x2  }
0x18: {  	s0 =	simm.s32 $0x40;
	s4 =	sor.u32 s2, s4;
	s2 =	simm.s32 $0x0  }
.LBB2_2:
0x19: {  	p1 =	sne.s32 s0, $0x7FC0  }
0x1a: {  	[tilespmem:s4+$0x2000] =	vst v0;
	s2 =	sadd.s32 $0x10, s2;
	s4 =	smov.u32 s0;
	s0 =	sadd.s32 $0x40, s0  }
.Ltmp0:
0x1b: {  	(pc) =	sbr.rel @p1 .LBB2_2-.Ltmp0, $4  }
0x1c: {  	_ = 	snop  }
0x1d: {  	s4 =	sand.u32 $0x7E00, s4  }
0x1e: {  	s8 =	sand.u32 $0x70, s2;
	s4 =	sshrl.u32 s4, $0x2  }
0x1f: {  	s4 =	sor.u32 s8, s4  }
0x20: {  	[tilespmem:s4+$0x2000] =	vst v0  }
0x21: {  	[spmem:s7] =	stream.linear.scatter [tilespmem:s23], [sflag:$0x7], $0x2000, $0x38;
	v63 =	vld [tilespmem:$0x0]  }
0x22: {  	_ =	swait.ge [sflag:s24], $0x2000  }
0x23: {  	[sflag:s24] =	ssyncset.done $0x0  }
0x24: {  	s0 =	rddreg [dreg:$0x4];
	[sflag:s24] =	ssyncadd.s32 $0xFFFFE000  }
0x25: {  	[spmem:s0] =	stream.linear.scatter [tilespmem:s23], [sflag:$0x7], $0x2000, $0x38;
	v63 =	vld [tilespmem:$0x0]  }
0x26: {  	_ =	swait.ge [sflag:s24], $0x2000  }
0x27: {  	[sflag:s24] =	ssyncset.done $0x0  }
0x28: {  	s4 =	rddreg [dreg:$0x5];
	[sflag:s24] =	ssyncadd.s32 $0xFFFFE000  }
0x29: {  	[spmem:s4] =	stream.linear.scatter [tilespmem:s23], [sflag:$0x7], $0x2000, $0x38;
	v63 =	vld [tilespmem:$0x0]  }
0x2a: {  	_ =	swait.ge [sflag:s24], $0x2000  }
0x2b: {  	[sflag:s24] =	ssyncset.done $0x0  }
0x2c: {  	s8 =	rddreg [dreg:$0x6];
	[sflag:s24] =	ssyncadd.s32 $0xFFFFE000  }
0x2d: {  	[spmem:s8] =	stream.linear.scatter [tilespmem:s23], [sflag:$0x7], $0x2000, $0x38;
	v63 =	vld [tilespmem:$0x0]  }
0x2e: {  	_ =	swait.ge [sflag:s24], $0x2000  }
0x2f: {  	[sflag:s24] =	ssyncset.done $0x0  }
0x30: {  	s9 =	rddreg [dreg:$0x7];
	[sflag:s24] =	ssyncadd.s32 $0xFFFFE000  }
0x31: {  	[spmem:s9] =	stream.linear.scatter [tilespmem:s23], [sflag:$0x7], $0x2000, $0x38;
	v63 =	vld [tilespmem:$0x0]  }
0x32: {  	_ =	swait.ge [sflag:s24], $0x2000  }
0x33: {  	[sflag:s24] =	ssyncset.done $0x0  }
0x34: {  	s10 =	rddreg [dreg:$0x8];
	[sflag:s24] =	ssyncadd.s32 $0xFFFFE000  }
0x35: {  	[spmem:s10] =	stream.linear.scatter [tilespmem:s23], [sflag:$0x7], $0x2000, $0x38;
	v63 =	vld [tilespmem:$0x0]  }
0x36: {  	_ =	swait.ge [sflag:s24], $0x2000  }
0x37: {  	[sflag:s24] =	ssyncset.done $0x0  }
0x38: {  	s11 =	rddreg [dreg:$0x9];
	[sflag:s24] =	ssyncadd.s32 $0xFFFFE000  }
0x39: {  	[spmem:s11] =	stream.linear.scatter [tilespmem:s23], [sflag:$0x7], $0x2000, $0x38;
	v63 =	vld [tilespmem:$0x0]  }
0x3a: {  	_ =	swait.ge [sflag:s24], $0x2000  }
0x3b: {  	[sflag:s24] =	ssyncset.done $0x0  }
0x3c: {  	[sflag:s24] =	ssyncadd.s32 $0xFFFFE000  }
0x3d: {  	[spmem:s14] =	stream.linear.scatter [tilespmem:s23], [sflag:$0x7], $0x2000, $0x38;
	v63 =	vld [tilespmem:$0x0]  }
0x3e: {  	_ =	swait.ge [sflag:s24], $0x2000  }
0x3f: {  	[sflag:s24] =	ssyncset.done $0x0  }
0x40: {  	[sflag:s24] =	ssyncadd.s32 $0xFFFFE000  }
0x41: {  	[spmem:s15] =	stream.linear.scatter [tilespmem:s23], [sflag:$0x7], $0x2000, $0x38;
	v63 =	vld [tilespmem:$0x0]  }
0x42: {  	_ =	swait.ge [sflag:s24], $0x2000  }
0x43: {  	[sflag:s24] =	ssyncset.done $0x0  }
0x44: {  	[sflag:s24] =	ssyncadd.s32 $0xFFFFE000  }
0x45: {  	[spmem:s16] =	stream.linear.scatter [tilespmem:s23], [sflag:$0x7], $0x2000, $0x38;
	v63 =	vld [tilespmem:$0x0]  }
0x46: {  	_ =	swait.ge [sflag:s24], $0x2000  }
0x47: {  	[sflag:s24] =	ssyncset.done $0x0  }
0x48: {  	s2 =	simm.s32 $0x0;
	[sflag:s24] =	ssyncadd.s32 $0xFFFFE000  }
0x49: {  	[tilespmem:s2], [sflag:$0x6] =	stream.linear.gather [hbm4b:s18+s2], $0x800, $0x38;
	v63 =	vld [tilespmem:$0x0]  }
0x4a: {  	s12 =	simm.s32 $0x1000  }
0x4b: {  	[tilespmem:s12], [sflag:$0x6] =	stream.linear.gather [hbm4b:s19+s2], $0x800, $0x38;
	v63 =	vld [tilespmem:$0x0]  }
0x4c: {  	_ =	swait.ge [sflag:s28], $0x800  }
0x4d: {  	[sflag:s28] =	ssyncset.done $0x0  }
0x4e: {  	[sflag:s28] =	ssyncadd.s32 $0xFFFFF800  }
0x4f: {  	_ =	swait.ge [sflag:s28], $0x800  }
0x50: {  	s13 =	simm.s32 $0x80;
	p1 =	por $0x0, $0x0;
	[sflag:s28] =	ssyncset.done $0x0  }
0x51: {  	s26 =	simm.s32 $0x4000;
	p3 =	por @!p1 $0x0, $0x0;
	[sflag:s28] =	ssyncadd.s32 $0xFFFFF800  }
0x52: {  	[tilespmem:s23], [sflag:$0x1] =	stream.indirect.gather [hbm4b:s1+s29], $0x80, s2, s29, $0xb8;
	v63 =	vld [tilespmem:$0x0]  }
0x53: {  	p4 =	por p3, p1;
	s0 =	simm.s32 $0x1;
	s4 =	simm.s32 $0x100  }
0x54: {  	[tilespmem:s26], [sflag:$0x2] =	stream.indirect.gather [hbm4b:s1+s29], $0x80, s13, s29, $0xb8;
	v63 =	vld [tilespmem:$0x0]  }
0x55: {  	s8 =	simm.s32 $0x6000;
	s9 =	simm.s32 $0x180;
	s10 =	simm.s32 $0x8000  }
0x56: {  	[tilespmem:s8], [sflag:$0x3] =	stream.indirect.gather [hbm4b:s1+s29], $0x80, s4, s29, $0xb8;
	v63 =	vld [tilespmem:$0x0]  }
0x57: {  	s12 =	simm.s32 $0x0;
	s26 =	simm.s32 @!p1 $0x40;
	s8 =	simm.s32 $0x4  }
0x58: {  	[tilespmem:s10], [sflag:$0x4] =	stream.indirect.gather [hbm4b:s1+s29], $0x80, s9, s29, $0xb8;
	v63 =	vld [tilespmem:$0x0]  }
0x59: {  	s4 =	simm.s32 $0x800;
	s9 =	sand.u32 @!p1 $0xF, s8;
	s8 =	smul.u32 @!p1 $0xCD, s8  }
0x5a: {  	s13 =	sand.u32 $0x1E00, s12;
	s4 =	sand.u32 @!p1 $0x3E00, s4;
	p2 =	sne.s32 @!p1 s9, $0x0  }
0x5b: {  	s10 =	smul.u32 $0xCD, s2;
	p2 =	por p2, p1;
	s8 =	sshrl.u32 @!p1 s8, $0xA  }
0x5c: {  	[bflag:$0x0] =	sbarrier.arrive $0xFFFF;
	s9 =	simm.s32 @!p2 $0x6;
	s8 =	sand.u32 @!p1 $0x3F, s8  }
0x5d: {  	s2 =	sand.u32 @!p1 $0xF, s2;
	s8 =	smul.u32 @!p1 $0x5, s8;
	_ =	swait.ge @!p2 [sflag:s9], $0x800  }
0x5e: {  	s4 =	sshrl.u32 @!p1 s4, $0x2;
	p4 =	sne.s32 @!p4 s2, $0x0;
	[sflag:s9] =	ssyncset.done @!p2 $0x0  }
0x5f: {  	p3 =	por @!p1 p4, p3;
	s2 =	ssub.s32 @!p1 $0x4, s8;
	[sflag:s9] =	ssyncadd.s32 @!p2 $0xFFFFF800  }
0x60: {  	s10 =	sshrl.u32 s10, $0xA;
	s2 =	sand.u32 @!p1 $0xFF, s2;
	_ =	swait.ge @!p2 [sflag:s9], $0x800  }
0x61: {  	s11 =	sand.u32 $0x3F, s10;
	s8 =	sshll.u32 @!p1 s2, $0xD;
	[sflag:s9] =	ssyncset.done @!p2 $0x0  }
0x62: {  	s2 =	sadd.s32 @!p1 $0x1, s2;
	s8 =	sadd.s32 @!p1 $0x2000, s8;
	[sflag:s9] =	ssyncadd.s32 @!p2 $0xFFFFF800  }
0x63: {  	[tilespmem:s8], [sflag:s2] =	stream.indirect.gather @!p1 [hbm4b:s1+s26], $0x80, s4, s26, $0xb8;
	v63 =	vld [tilespmem:$0x0]  }
0x64: {  	p1 =	por p3, p1;
	s2 =	simm.s32 $0x0;
	s4 =	smul.u32 $0x5, s11  }
0x65: {  	s8 =	simm.s32 @!p1 $0x800;
	s9 =	sadd.s32 @!p1 $0x100, s17;
	s26 =	simm.s32 @!p1 $0x0  }
0x66: {  	s2 =	sand.u32 $0x800, s2;
	s10 =	sadd.s32 @!p1 s5, s9;
	s8 =	sand.u32 @!p1 $0x800, s8  }
0x67: {  	s30 =	sadd.s32 @!p1 s6, s9;
	s4 =	ssub.s32 $0x0, s4;
	s9 =	sshrl.u32 s13, $0x2  }
0x68: {  	[tilespmem:s8], [sflag:$0x6] =	stream.linear.gather @!p1 [hbm4b:s10+s26], $0x800, $0x38;
	v63 =	vld [tilespmem:$0x0]  }
0x69: {  	s11 =	sand.u32 $0xFF, s4;
	s10 =	sor.u32 @!p1 $0x1000, s8;
	s9 =	sor.u32 s9, s2  }
0x6a: {  	s2 =	simm.s32 $0xA00;
	s4 =	sshll.u32 s11, $0xD;
	s8 =	sadd.s32 $0x1, s11  }
.LBB2_4:
0x6b: {  	[tilespmem:s10], [sflag:$0x6] =	stream.linear.gather @!p1 [hbm4b:s30+s26], $0x800, $0x38;
	v63 =	vld [tilespmem:$0x0]  }
0x6c: {  	s26 =	smov.u32 s0;
	s0 =	sadd.s32 $0x1, s0;
	_ =	swait.ge [sflag:s8], $0x2000  }
0x6d: {  	s10 =	sshrl.u32 s26, $0x4;
	s11 =	smul.u32 $0xCD, s26;
	[sflag:s8] =	ssyncset.done $0x0  }
0x6e: {  	s4 =	sadd.s32 $0x2000, s4;
	[sflag:s8] =	ssyncadd.s32 $0xFFFFE000;
	s8 =	sor.u32 $0x1000, s9  }
0x6f: {  	[spmem:s3] =	stream.indirect.scatter.add.f32 [tilespmem:s4], [sflag:$0x7], $0x80, s8, s29, $0xb8;
	v63 =	vld [tilespmem:$0x0]  }
0x70: {  	p2 =	sgt.u32 s26, $0x9B;
	s4 =	sadd.s32 $0x4, s26;
	_ =	swait.ge [sflag:s24], $0x2000  }
0x71: {  	s30 =	simm.s32 @!p2 $0x40;
	s8 =	sand.u32 @!p2 $0xF, s4;
	s9 =	smul.u32 @!p2 $0xCD, s4  }
0x72: {  	p1 =	sgt.u32 @!p2 s26, $0x8F;
	p3 =	sne.s32 @!p2 s8, $0x0;
	[sflag:s24] =	ssyncset.done $0x0  }
0x73: {  	p3 =	por p3, p2;
	s8 =	sshrl.u32 @!p2 s9, $0xA;
	s9 =	sand.u32 @!p2 $0x3E00, s2  }
0x74: {  	s13 =	sand.u32 @!p2 $0xF, s26;
	s12 =	simm.s32 @!p3 $0x6;
	s8 =	sand.u32 @!p2 $0x3F, s8  }
0x75: {  	p4 =	por p1, p2;
	s8 =	smul.u32 @!p2 $0x5, s8;
	[sflag:s24] =	ssyncadd.s32 $0xFFFFE000  }
0x76: {  	p4 =	sne.s32 @!p4 s13, $0x0;
	s9 =	sshrl.u32 @!p2 s9, $0x2;
	_ =	swait.ge @!p3 [sflag:s12], $0x800  }
0x77: {  	p1 =	por @!p2 p4, p1;
	s4 =	ssub.s32 @!p2 s4, s8;
	[sflag:s12] =	ssyncset.done @!p3 $0x0  }
0x78: {  	p1 =	por p1, p2;
	s4 =	sand.u32 @!p2 $0xFF, s4;
	[sflag:s12] =	ssyncadd.s32 @!p3 $0xFFFFF800  }
0x79: {  	s8 =	sshll.u32 @!p2 s4, $0xD;
	s4 =	sadd.s32 @!p2 $0x1, s4;
	_ =	swait.ge @!p3 [sflag:s12], $0x800  }
0x7a: {  	s11 =	sshrl.u32 s11, $0xA;
	s8 =	sadd.s32 @!p2 $0x2000, s8;
	[sflag:s12] =	ssyncset.done @!p3 $0x0  }
0x7b: {  	s13 =	sshll.u32 s10, $0xB;
	[sflag:s12] =	ssyncadd.s32 @!p3 $0xFFFFF800;
	s12 =	sadd.s32 @!p1 $0x1, s10  }
0x7c: {  	[tilespmem:s8], [sflag:s4] =	stream.indirect.gather @!p2 [hbm4b:s1+s30], $0x80, s9, s30, $0xb8;
	v63 =	vld [tilespmem:$0x0]  }
0x7d: {  	s4 =	sand.u32 $0x3F, s11;
	s8 =	sshll.u32 @!p1 s12, $0x8;
	s9 =	sshll.u32 @!p1 s12, $0xB  }
0x7e: {  	p2 =	sne.s32 s0, $0xA0;
	s4 =	smul.u32 $0x5, s4;
	s8 =	sadd.s32 @!p1 s17, s8  }
0x7f: {  	s10 =	sadd.s32 @!p1 s5, s8;
	s30 =	sadd.s32 @!p1 s6, s8  }
0x80: {  	s8 =	sand.u32 @!p1 $0x800, s9;
	s4 =	ssub.s32 s26, s4;
	s26 =	simm.s32 @!p1 $0x0  }
0x81: {  	[tilespmem:s8], [sflag:$0x6] =	stream.linear.gather @!p1 [hbm4b:s10+s26], $0x800, $0x38;
	v63 =	vld [tilespmem:$0x0]  }
.Ltmp1:
0x82: {  	_ = 	snop;
	(pc) =	sbr.rel @p2 .LBB2_4-.Ltmp1, $4  }
0x83: {  	s11 =	sadd.s32 $0xFFFFF800, s2;
	s9 =	sand.u32 $0xFF, s4;
	s10 =	sor.u32 @!p1 $0x1000, s8  }
0x84: {  	s4 =	sshll.u32 s9, $0xD;
	s8 =	sadd.s32 $0x1, s9;
	s9 =	sand.u32 $0x1E00, s11  }
0x85: {  	s11 =	sand.u32 $0x800, s13;
	s9 =	sshrl.u32 s9, $0x2  }
0x86: {  	s2 =	sadd.s32 $0x200, s2;
	s9 =	sor.u32 s9, s11  }
0x87: {  	[tilespmem:s10], [sflag:$0x6] =	stream.linear.gather @!p1 [hbm4b:s30+s26], $0x800, $0x38;
	v63 =	vld [tilespmem:$0x0]  }
0x88: {  	_ =	swait.ge [sflag:s8], $0x2000  }
0x89: {  	[sflag:s8] =	ssyncset.done $0x0  }
0x8a: {  	s0 =	sadd.s32 $0x2000, s4;
	s2 =	sor.u32 $0x1000, s9;
	[sflag:s8] =	ssyncadd.s32 $0xFFFFE000  }
0x8b: {  	[spmem:s3] =	stream.indirect.scatter.add.f32 [tilespmem:s0], [sflag:$0x7], $0x80, s2, s29, $0xb8;
	v63 =	vld [tilespmem:$0x0]  }
0x8c: {  	_ =	swait.ge [sflag:s24], $0x2000  }
0x8d: {  	[sflag:s24] =	ssyncset.done $0x0  }
0x8e: {  	[sflag:s24] =	ssyncadd.s32 $0xFFFFE000  }
0x8f: {  	s0 =	simm.s32 @p0 $0x1FC7;
	[bflag:$0x0] =	sbarrier.arrive $0xFFFF  }
0x90: {  	[hbm:s21], [sflag:s0] =	dma.local @p0 [spmem:s25], $0x1900  }
0x91: {  	s0 =	simm.s32 @p0 $0x7  }
0x92: {  	s31 =	sadd.s32 $0x1, s31;
	s2 =	stileid.u32;
	_ =	swait.ge @p0 [sflag:s0], $0x1900  }
0x93: {  	p1 =	sne.s32 s31, s22;
	s2 =	sshll.u32 @!p0 s2, $0x6;
	[sflag:s0] =	ssyncset.done @p0 $0x0  }
0x94: {  	[sflag:s0] =	ssyncadd.s32 @p0 $0xFFFFE700;
	s0 =	sor.u32 @!p0 $0x1C07, s2;
	s2 =	sshrl.u32 @!p0 s7, $0x3  }
0x95: {  	[hbm:s20], [sflag:s0] =	dma.local @!p0 [spmem:s2], $0x2800  }
.Ltmp2:
0x96: {  	_ = 	snop;
	(pc) =	sbr.rel @p1 .LBB2_1-.Ltmp2, $4  }
0x97: {  	s0 =	simm.s32 @!p0 $0x7  }
0x98: {  	_ =	swait.ge @!p0 [sflag:s0], $0x2800  }
0x99: {  	[sflag:s0] =	ssyncset.done @!p0 $0x0  }
0x9a: {  	[sflag:s0] =	ssyncadd.s32 @!p0 $0xFFFFD800  }
0x9b: {  	_ =	sfence.sel $0x180000  }
0x9c: {  	[bflag:$0x0] =	sbarrier.arrive $0xFFFF  }
0x9d: {  	_ =	strace $0x90000047  }
0x9e: {  	s0 =	stileid.u32;
	[bflag:$0x2] =	sbarrier.arrive $0xFFFF  }
0x9f: {  	p0 =	sne.s32 s0, $0x0;
	s0 =	rddreg [dreg:$0x3]  }
0xa0: {  	s0 =	sadd.s32 @!p0 $0x100000, s0  }
0xa1: {  	[sflag:s0] =	ssyncadd.tile.s32 @!p0 $0x1;
	_ =	shalt  }
.Lfunc_end2:
_tile_overlayer_lowered:
.L_overlay_start_2:
0xa2: {  	(tag) =	ssettag $0x2  }
0xa3: {  	s0 =	rddreg [dreg:$0x0];
	s2 =	stileid.u32  }
0xa4: {  	s1 =	rddreg [dreg:$0x1];
	p0 =	sne.s32 s2, $0x0  }
0xa5: {  	s3 =	rddreg [dreg:$0x2];
	[bflag:$0x3] =	sbarrier.arrive $0xFFFF;
	s2 =	simm.s32 @!p0 $0x1C07  }
0xa6: {  	[timem:s3], [sflag:s2] =	dma.local @!p0 [hbm:s0], s1  }
0xa7: {  	s0 =	simm.s32 @!p0 $0x7  }
0xa8: {  	_ =	swait.ge @!p0 [sflag:s0], s1  }
0xa9: {  	s1 =	ssub.s32 @!p0 $0x0, s1;
	[sflag:s0] =	ssyncset.done @!p0 $0x0  }
0xaa: {  	[sflag:s0] =	ssyncadd.s32 @!p0 s1  }
0xab: {  	[bflag:$0x3] =	sbarrier.arrive $0xFFFF  }
0xac: {  	_ =	shalt  }

// kernel: kernel.9.cloned.1.call-start
scs
__scs_entry_jumppad:
0x0: {  	(pc) =	sbr.rel $0x88, $3  }
0x1: {  	(tag) =	ssettag $0x0;
	lr =	simm.s32 $0x1  }
0x2: {  	[smem:$0x3F93] =	sst lr;
	_ =	strace $0xD0000000  }
0x3: {  	_ = 	snop  }
0x4: {  	_ = 	snop  }
0x5: {  	_ = 	snop  }
0x6: {  	_ = 	snop  }
0x7: {  	_ = 	snop  }
__scs_overlays_trampoline_lowered:
0x8: {  	[smem:$0x3FA2] =	sst s0  }
0x9: {  	[smem:$0x3FA3] =	sst s1  }
0xa: {  	[smem:$0x3FA4] =	sst s2  }
0xb: {  	[smem:$0x3FA5] =	sst s3  }
0xc: {  	[smem:$0x3FA6] =	sst s4  }
0xd: {  	[smem:$0x3FA7] =	sst s5  }
0xe: {  	[smem:$0x3FA8] =	sst s6  }
0xf: {  	[smem:$0x3FA9] =	sst s7  }
0x10: {  	[smem:$0x3FAA] =	sst s8  }
0x11: {  	[smem:$0x3FAB] =	sst s9;
	s0 =	simm.s32 @!p0 $0x0  }
0x12: {  	s1 =	sld [smem:$0x3F91];
	s0 =	simm.s32 @p0 $0x1  }
0x13: {  	[smem:$0x3FAC] =	sst s0;
	s0 =	simm.s32 @!p1 $0x0  }
0x14: {  	s2 =	sld [smem:$0x3F90];
	s0 =	simm.s32 @p1 $0x1  }
0x15: {  	[smem:$0x3FAD] =	sst s0;
	s0 =	simm.s32 @!p2 $0x0  }
0x16: {  	s3 =	sld [smem:$0x3FDB];
	s0 =	simm.s32 @p2 $0x1  }
0x17: {  	s4 =	simm.s32 $0x1BF5;
	[smem:$0x3FAF] =	sst s0  }
0x18: {  	s0 =	sld [smem:$0x3F92];
	_ =	swait.ge [sflag:s4], $0x0  }
0x19: {  	s7 =	sld [smem:$0x3F93]  }
0x1a: {  	s8 =	sadd.s32 $0xFFFFE003, lr  }
0x1b: {  	s9 =	sadd.s32 $0xFFFFFEF7, lr;
	s5 =	simm.s32 $0xFFFFFFFF;
	p2 =	slt.u32 s8, $0xFFFFF086  }
0x1c: {  	p1 =	slt.u32 s9, $0xF7A;
	s5 =	simm.s32 @!p2 $0x0  }
0x1d: {  	s5 =	simm.s32 @p1 $0x1;
	p0 =	seq.s32 s7, s2  }
0x1e: {  	s7 =	smul.u32 @!p0 $0xF7A, s2;
	p2 =	seq.s32 @!p0 s5, $0x0  }
0x1f: {  	s9 =	smul.u32 $0xF7A, s1;
	s8 =	simm.s32 @!p0 $0x1BF5;
	p2 =	por !p2, p0  }
0x20: {  	[sflag:s8] =	ssyncset.s32 @!p0 $0xFFFFF086;
	s6 =	sadd.s32 @!p0 s3, s7;
	s7 =	simm.s32 @!p0 $0x108  }
0x21: {  	s3 =	sadd.s32 s3, s9;
	s6 =	sadd.s32 @!p0 $0x88, s6;
	s7 =	simm.s32 @p2 $0x1082  }
0x22: {  	[simem:s7], [sflag:s8] =	dma.local @!p0 [hbm:s6], $0xF7A  }
0x23: {  	s9 =	sor.u32 $0xD0000000, s2;
	s6 =	simm.s32 $0x108;
	_ =	swait.ge @!p0 [sflag:s8], $0x0  }
0x24: {  	s3 =	sadd.s32 $0x88, s3;
	s6 =	simm.s32 @!p1 $0x1082;
	[sflag:s4] =	ssyncset.s32 $0xFFFFF086  }
0x25: {  	[simem:s6], [sflag:s4] =	dma.local [hbm:s3], $0xF7A  }
0x26: {  	[smem:$0x3F93] =	sst s1;
	(tag) =	ssettag s2;
	_ =	strace s9  }
0x27: {  	s1 =	sld [smem:$0x3FA3]  }
0x28: {  	s2 =	sld [smem:$0x3FA4]  }
0x29: {  	s4 =	sld [smem:$0x3FA6]  }
0x2a: {  	p0 =	seq.s32 s5, $0x0;
	s5 =	sld [smem:$0x3FA7]  }
0x2b: {  	s6 =	sld [smem:$0x3FA8]  }
0x2c: {  	s7 =	sld [smem:$0x3FA9]  }
0x2d: {  	s3 =	simm.s32 $0x108;
	s8 =	sld [smem:$0x3FAA]  }
0x2e: {  	s3 =	simm.s32 @!p0 $0x1082;
	s9 =	sld [smem:$0x3FAB]  }
0x2f: {  	lr =	sadd.s32 s0, s3;
	s0 =	sld [smem:$0x3FA2]  }
0x30: {  	s3 =	sld [smem:$0x3FA5]  }
0x31: {  	[smem:$0x3FAE] =	sst s10  }
0x32: {  	s10 =	sld [smem:$0x3FAC];
	_ =	sdelay $0x3  }
0x33: {  	p0 =	seq.s32 s10, $0x1;
	s10 =	sld [smem:$0x3FAE];
	_ =	sdelay $0x3  }
0x34: {  	[smem:$0x3FAE] =	sst s10  }
0x35: {  	s10 =	sld [smem:$0x3FAD];
	_ =	sdelay $0x3  }
0x36: {  	p1 =	seq.s32 s10, $0x1;
	s10 =	sld [smem:$0x3FAE];
	_ =	sdelay $0x3  }
0x37: {  	[smem:$0x3FAE] =	sst s10  }
0x38: {  	s10 =	sld [smem:$0x3FAF]  }
0x39: {  	_ = 	snop;
	(pc) =	sbr.ind lr, $3  }
0x3a: {  	_ = 	snop  }
0x3b: {  	_ = 	snop  }
0x3c: {  	p2 =	seq.s32 s10, $0x1;
	s10 =	sld [smem:$0x3FAE]  }
0x3d: {  	_ =	shalt  }
0x3e: {  	_ =	shalt  }
0x3f: {  	_ =	shalt  }
0x40: {  	_ =	shalt  }
0x41: {  	_ =	shalt  }
0x42: {  	_ =	shalt  }
0x43: {  	_ =	shalt  }
0x44: {  	_ =	shalt  }
0x45: {  	_ =	shalt  }
0x46: {  	_ =	shalt  }
0x47: {  	_ =	shalt  }
0x48: {  	_ =	shalt  }
0x49: {  	_ =	shalt  }
0x4a: {  	_ =	shalt  }
0x4b: {  	_ =	shalt  }
0x4c: {  	_ =	shalt  }
0x4d: {  	_ =	shalt  }
0x4e: {  	_ =	shalt  }
0x4f: {  	_ =	shalt  }
0x50: {  	_ =	shalt  }
0x51: {  	_ =	shalt  }
0x52: {  	_ =	shalt  }
0x53: {  	_ =	shalt  }
0x54: {  	_ =	shalt  }
0x55: {  	_ =	shalt  }
0x56: {  	_ =	shalt  }
0x57: {  	_ =	shalt  }
0x58: {  	_ =	shalt  }
0x59: {  	_ =	shalt  }
0x5a: {  	_ =	shalt  }
0x5b: {  	_ =	shalt  }
0x5c: {  	_ =	shalt  }
0x5d: {  	_ =	shalt  }
0x5e: {  	_ =	shalt  }
0x5f: {  	_ =	shalt  }
0x60: {  	_ =	shalt  }
0x61: {  	_ =	shalt  }
0x62: {  	_ =	shalt  }
0x63: {  	_ =	shalt  }
0x64: {  	_ =	shalt  }
0x65: {  	_ =	shalt  }
0x66: {  	_ =	shalt  }
0x67: {  	_ =	shalt  }
0x68: {  	_ =	shalt  }
0x69: {  	_ =	shalt  }
0x6a: {  	_ =	shalt  }
0x6b: {  	_ =	shalt  }
0x6c: {  	_ =	shalt  }
0x6d: {  	_ =	shalt  }
0x6e: {  	_ =	shalt  }
0x6f: {  	_ =	shalt  }
0x70: {  	_ =	shalt  }
0x71: {  	_ =	shalt  }
0x72: {  	_ =	shalt  }
0x73: {  	_ =	shalt  }
0x74: {  	_ =	shalt  }
0x75: {  	_ =	shalt  }
0x76: {  	_ =	shalt  }
0x77: {  	_ =	shalt  }
0x78: {  	_ =	shalt  }
0x79: {  	_ =	shalt  }
0x7a: {  	_ =	shalt  }
0x7b: {  	_ =	shalt  }
0x7c: {  	_ =	shalt  }
0x7d: {  	_ =	shalt  }
0x7e: {  	_ =	shalt  }
0x7f: {  	_ =	shalt  }
0x80: {  	_ =	shalt  }
0x81: {  	_ =	shalt  }
0x82: {  	_ =	shalt  }
0x83: {  	_ =	shalt  }
0x84: {  	_ =	shalt  }
0x85: {  	_ =	shalt  }
0x86: {  	_ =	shalt  }
0x87: {  	_ =	shalt  }
.Lfunc_end0:
.L_simem_size_0:
called_computation.1_lowered:
.L_overlay_start_0:
0x88: {  	s2 =	sld [smem:$0x3FD9]  }
0x89: {  	s3 =	sld [smem:$0x3FFE];
	_ =	sdelay $0x1  }
0x8a: {  	s1 =	srdreg.scid  }
0x8b: {  	s0 =	sand.u32 $0x1, s1  }
0x8c: {  	s16 =	sshll.u32 s0, $0xA;
	s2 =	sadd.s32 s3, s2  }
0x8d: {  	s2 =	sadd.s32 s2, s16  }
0x8e: {  	[smem:$0x3FBA] =	sst s2  }
0x8f: {  	_ = 	snop  }
0x90: {  	(tm) =	ssettm $0x1  }
0x91: {  	s17 =	sld [smem:$0x3FFB];
	_ =	sdelay $0x3  }
0x92: {  	_ =	strace s17  }
0x93: {  	s2 =	sld [smem:$0x3FFC];
	_ =	sdelay $0x3  }
0x94: {  	_ =	strace s2  }
0x95: {  	s2 =	sld [smem:$0x3FFD];
	_ =	sdelay $0x3  }
0x96: {  	_ =	strace s2  }
0x97: {  	_ =	strace $0x8FFFFFFF  }
0x98: {  	s18 =	sld [smem:$0x3FDB];
	_ =	sdelay $0x1  }
0x99: {  	s19 =	simm.s32 $_scs_section_size  }
0x9a: {  	s4 =	simm.s32 $_size__tile_overlayer_lowered;
	s5 =	simm.s32 $_tile_overlayer_lowered  }
0x9b: {  	s22 =	simm.s32 $0x1BFF;
	s21 =	sshll.u32 s5, $0x1;
	s2 =	sadd.s32 s19, s18  }
0x9c: {  	s6 =	simm.s32 $0x0;
	s20 =	sshll.u32 s4, $0x1;
	s4 =	sadd.s32 s21, s2  }
0x9d: {  	[timem:s6], [sflag:s22] =	dma.local [hbm:s4], s20  }
0x9e: {  	_ =	swait.ge [sflag:s22], s20  }
0x9f: {  	s3 =	ssub.s32 $0x0, s20;
	[sflag:s22] =	ssyncset.done $0x0  }
0xa0: {  	[sflag:s22] =	ssyncadd.s32 s3;
	_ =	sdelay $0x1  }
0xa1: {  	s23 =	simm.s32 $0x1B8B  }
0xa2: {  	_ =	swait.ge [sflag:s23], $0x1  }
0xa3: {  	[sflag:s23] =	ssyncset.done $0x0  }
0xa4: {  	s25 =	simm.s32 $0x1B8E;
	s24 =	sld [smem:$0x3FFE];
	[sflag:s23] =	ssyncadd.s32 $0xFFFFFFFF  }
0xa5: {  	s26 =	simm.s32 $execute0_lowered;
	[smem:$0x3FD2] =	sst s25  }
0xa6: {  	s4 =	sshll.u32 s26, $0x1;
	_ =	strace $0x80000049;
	[dreg:$0x1] =	wrdreg $0xFFFFFFFF  }
0xa7: {  	s28 =	simm.s32 $_size_execute0_lowered;
	s2 =	sadd.s32 s2, s4;
	[dreg:$0x0] =	wrdreg $0x0  }
0xa8: {  	s4 =	sshll.u32 s28, $0x1;
	[dreg:$0x2] =	wrdreg s2  }
0xa9: {  	[dreg:$0x3] =	wrdreg s4  }
0xaa: {  	[dreg:$0x4] =	wrdreg $0xC0  }
0xab: {  	_ =	task [dreg:s6], $0x5FFFF  }
0xac: {  	[dreg:$0x1] =	wrdreg $0xFFFFFFFF  }
0xad: {  	[dreg:$0x0] =	wrdreg $0x60  }
0xae: {  	[dreg:$0x2] =	wrdreg s24  }
0xaf: {  	[dreg:$0x3] =	wrdreg $0xC0000  }
0xb0: {  	[dreg:$0x4] =	wrdreg $0x9  }
0xb1: {  	_ =	task.clear_ibuf [dreg:s6], $0x5FFFF;
	_ =	strace $0x90000049  }
0xb2: {  	s29 =	simm.s32 $0x9;
	_ =	strace $0x8000004B  }
0xb3: {  	_ =	swait.ge [sflag:s29], $0x1  }
0xb4: {  	[sflag:s29] =	ssyncadd.s32 $0xFFFFFFFF  }
0xb5: {  	_ =	strace $0x9000004B  }
0xb6: {  	_ =	sfence  }
0xb7: {  	s30 =	sld [smem:$0x0];
	_ =	sdelay $0x2  }
0xb8: {  	s31 =	sshll.u32 s1, $0xD;
	s1 =	sshrl.u32 s1, $0x2  }
0xb9: {  	s3 =	sand.u32 $0x4000, s31;
	s1 =	sadd.s32 s1, s30  }
0xba: {  	s0 =	sor.u32 s3, s0;
	s1 =	sshll.u32 s1, $0x11  }
0xbb: {  	s0 =	sor.u32 s1, s0  }
0xbc: {  	s0 =	sadd.s32 $0x8F2B, s0  }
0xbd: {  	[sflag:s0] =	ssyncadd.remote.s32 $0x1  }
0xbe: {  	_ =	sfence.sel $0xFFFF  }
0xbf: {  	[dreg:$0x0] =	wrdreg $0xFFFFFFFF;
	(pc) =	sbr.abs _section_cstart, $3  }
0xc0: {  	[dreg:$0x1] =	wrdreg $0xFFFFFFFF  }
0xc1: {  	_ =	task.clear_ibuf [dreg:s6], $0x2FFFF;
	_ =	strace $0x9FFFFFFF  }
0xc2: {  	(tm) =	ssettm $0x7FFFFFFF  }
0xc3: {  	_ =	shalt  }
tec
execute0_lowered:
.L_overlay_start_1:
0x0: {  	(tag) =	ssettag $0x1  }
0x1: {  	s0 =	srdreg.scid  }
0x2: {  	s1 =	rddreg [dreg:$0x0];
	s3 =	stileid.u32  }
0x3: {  	s2 =	rddreg [dreg:$0x1];
	s5 =	smul.u32 $0x50000, s3  }
0x4: {  	s4 =	simm.s32 $0x0;
	s28 =	simm.s32 $0x40;
	s17 =	smul.u32 $0x1400, s3  }
0x5: {  	s0 =	sand.u32 $0x1, s0;
	[smem:$0x7FF] =	sst s4;
	s21 =	smul.u32 $0x14000, s3  }
0x6: {  	s4 =	sadd.s32 $0x2000, s1;
	s22 =	smul.u32 $0xA000, s3;
	p0 =	seq.s32 s3, $0xF  }
0x7: {  	s30 =	simm.s32 $0x0;
	s19 =	smul.u32 $0x138800, s0;
	_ =	strace $0x8000004A  }
0x8: {  	s0 =	ssub.s32 $0x2, s0;
	s6 =	sshrl.u32 s5, $0x2;
	s5 =	sadd.s32 $0x16000, s1  }
0x9: {  	s7 =	sshrl.u32 s0, $0x1;
	s16 =	sadd.s32 s4, s17;
	[dreg:$0x3] =	wrdreg s22  }
0xa: {  	s22 =	simm.s32 $0x2000;
	s20 =	sshrl.u32 s19, $0x3;
	s6 =	sadd.s32 s6, s2  }
0xb: {  	s0 =	ssub.s32 s0, s7;
	s17 =	sadd.s32 s5, s17;
	s19 =	sadd.s32 s21, s19  }
0xc: {  	s18 =	sadd.s32 s20, s1;
	s1 =	sadd.s32 $0x78200, s1;
	s23 =	sadd.s32 $0x2000, s6  }
0xd: {  	s24 =	sadd.s32 $0x4000, s6;
	s25 =	sadd.s32 $0x6000, s6;
	[dreg:$0x4] =	wrdreg s23  }
0xe: {  	s26 =	sadd.s32 $0x8000, s6;
	s29 =	sadd.s32 $0xA000, s6;
	[dreg:$0x5] =	wrdreg s24  }
0xf: {  	s31 =	sadd.s32 $0xC000, s6;
	s13 =	sadd.s32 $0xE000, s6;
	[dreg:$0x6] =	wrdreg s25  }
0x10: {  	s14 =	sadd.s32 $0x10000, s6;
	s15 =	sadd.s32 $0x12000, s6;
	[dreg:$0x7] =	wrdreg s26  }
0x11: {  	s19 =	sshrl.u32 s19, $0x3;
	s21 =	smax.u32 s0, $0x1;
	[dreg:$0x8] =	wrdreg s29  }
0x12: {  	[dreg:$0x9] =	wrdreg s31;
	s18 =	sadd.s32 $0x2A000, s18;
	s20 =	sadd.s32 s1, s20  }
0x13: {  	s19 =	sadd.s32 s1, s19;
	s1 =	sadd.s32 $0x12C000, s2;
	s23 =	simm.s32 $0x7  }
0x14: {  	v0 =	vimm.f32 $0.0e+00;
	s26 =	simm.s32 $0x6;
	s20 =	sadd.s32 $0x25800, s20;
	s25 =	sshrl.u32 @p0 s1, $0x3  }
.LBB2_1:
0x15: {  	s1 =	simm.s32 $0x0  }
0x16: {  	s0 =	sand.u32 $0x7E00, s1  }
0x17: {  	s1 =	sand.u32 $0x70, s1;
	s24 =	sshrl.u32 s0, $0x2  }
0x18: {  	s0 =	simm.s32 $0x40;
	s24 =	sor.u32 s1, s24;
	s1 =	simm.s32 $0x0  }
.LBB2_2:
0x19: {  	p1 =	sne.s32 s0, $0x7FC0  }
0x1a: {  	[tilespmem:s24+$0x2000] =	vst v0;
	s1 =	sadd.s32 $0x10, s1;
	s24 =	smov.u32 s0;
	s0 =	sadd.s32 $0x40, s0  }
.Ltmp0:
0x1b: {  	(pc) =	sbr.rel @p1 .LBB2_2-.Ltmp0, $4  }
0x1c: {  	_ = 	snop  }
0x1d: {  	s24 =	sand.u32 $0x7E00, s24  }
0x1e: {  	s31 =	sand.u32 $0x70, s1;
	s24 =	sshrl.u32 s24, $0x2  }
0x1f: {  	s24 =	sor.u32 s31, s24  }
0x20: {  	[tilespmem:s24+$0x2000] =	vst v0  }
0x21: {  	[spmem:s6] =	stream.linear.scatter [tilespmem:s22], [sflag:$0x7], $0x2000, $0x38;
	v63 =	vld [tilespmem:$0x0]  }
0x22: {  	_ =	swait.ge [sflag:s23], $0x2000  }
0x23: {  	[sflag:s23] =	ssyncset.done $0x0  }
0x24: {  	s0 =	rddreg [dreg:$0x4];
	[sflag:s23] =	ssyncadd.s32 $0xFFFFE000  }
0x25: {  	[spmem:s0] =	stream.linear.scatter [tilespmem:s22], [sflag:$0x7], $0x2000, $0x38;
	v63 =	vld [tilespmem:$0x0]  }
0x26: {  	_ =	swait.ge [sflag:s23], $0x2000  }
0x27: {  	[sflag:s23] =	ssyncset.done $0x0  }
0x28: {  	s12 =	rddreg [dreg:$0x5];
	[sflag:s23] =	ssyncadd.s32 $0xFFFFE000  }
0x29: {  	[spmem:s12] =	stream.linear.scatter [tilespmem:s22], [sflag:$0x7], $0x2000, $0x38;
	v63 =	vld [tilespmem:$0x0]  }
0x2a: {  	_ =	swait.ge [sflag:s23], $0x2000  }
0x2b: {  	[sflag:s23] =	ssyncset.done $0x0  }
0x2c: {  	s24 =	rddreg [dreg:$0x6];
	[sflag:s23] =	ssyncadd.s32 $0xFFFFE000  }
0x2d: {  	[spmem:s24] =	stream.linear.scatter [tilespmem:s22], [sflag:$0x7], $0x2000, $0x38;
	v63 =	vld [tilespmem:$0x0]  }
0x2e: {  	_ =	swait.ge [sflag:s23], $0x2000  }
0x2f: {  	[sflag:s23] =	ssyncset.done $0x0  }
0x30: {  	s29 =	rddreg [dreg:$0x7];
	[sflag:s23] =	ssyncadd.s32 $0xFFFFE000  }
0x31: {  	[spmem:s29] =	stream.linear.scatter [tilespmem:s22], [sflag:$0x7], $0x2000, $0x38;
	v63 =	vld [tilespmem:$0x0]  }
0x32: {  	_ =	swait.ge [sflag:s23], $0x2000  }
0x33: {  	[sflag:s23] =	ssyncset.done $0x0  }
0x34: {  	s1 =	rddreg [dreg:$0x8];
	[sflag:s23] =	ssyncadd.s32 $0xFFFFE000  }
0x35: {  	[spmem:s1] =	stream.linear.scatter [tilespmem:s22], [sflag:$0x7], $0x2000, $0x38;
	v63 =	vld [tilespmem:$0x0]  }
0x36: {  	_ =	swait.ge [sflag:s23], $0x2000  }
0x37: {  	[sflag:s23] =	ssyncset.done $0x0  }
0x38: {  	s3 =	rddreg [dreg:$0x9];
	[sflag:s23] =	ssyncadd.s32 $0xFFFFE000  }
0x39: {  	[spmem:s3] =	stream.linear.scatter [tilespmem:s22], [sflag:$0x7], $0x2000, $0x38;
	v63 =	vld [tilespmem:$0x0]  }
0x3a: {  	_ =	swait.ge [sflag:s23], $0x2000  }
0x3b: {  	[sflag:s23] =	ssyncset.done $0x0  }
0x3c: {  	[sflag:s23] =	ssyncadd.s32 $0xFFFFE000  }
0x3d: {  	[spmem:s13] =	stream.linear.scatter [tilespmem:s22], [sflag:$0x7], $0x2000, $0x38;
	v63 =	vld [tilespmem:$0x0]  }
0x3e: {  	_ =	swait.ge [sflag:s23], $0x2000  }
0x3f: {  	[sflag:s23] =	ssyncset.done $0x0  }
0x40: {  	[sflag:s23] =	ssyncadd.s32 $0xFFFFE000  }
0x41: {  	[spmem:s14] =	stream.linear.scatter [tilespmem:s22], [sflag:$0x7], $0x2000, $0x38;
	v63 =	vld [tilespmem:$0x0]  }
0x42: {  	_ =	swait.ge [sflag:s23], $0x2000  }
0x43: {  	[sflag:s23] =	ssyncset.done $0x0  }
0x44: {  	[sflag:s23] =	ssyncadd.s32 $0xFFFFE000  }
0x45: {  	[spmem:s15] =	stream.linear.scatter [tilespmem:s22], [sflag:$0x7], $0x2000, $0x38;
	v63 =	vld [tilespmem:$0x0]  }
0x46: {  	_ =	swait.ge [sflag:s23], $0x2000  }
0x47: {  	[sflag:s23] =	ssyncset.done $0x0  }
0x48: {  	s0 =	simm.s32 $0x0;
	[sflag:s23] =	ssyncadd.s32 $0xFFFFE000  }
0x49: {  	[tilespmem:s0], [sflag:$0x6] =	stream.linear.gather [hbm4b:s16+s0], $0x800, $0x38;
	v63 =	vld [tilespmem:$0x0]  }
0x4a: {  	s1 =	simm.s32 $0x1000  }
0x4b: {  	[tilespmem:s1], [sflag:$0x6] =	stream.linear.gather [hbm4b:s17+s0], $0x800, $0x38;
	v63 =	vld [tilespmem:$0x0]  }
0x4c: {  	_ =	swait.ge [sflag:s26], $0x800  }
0x4d: {  	[sflag:s26] =	ssyncset.done $0x0  }
0x4e: {  	[sflag:s26] =	ssyncadd.s32 $0xFFFFF800  }
0x4f: {  	_ =	swait.ge [sflag:s26], $0x800  }
0x50: {  	s7 =	simm.s32 $0x80;
	[sflag:s26] =	ssyncset.done $0x0  }
0x51: {  	p1 =	por $0x0, $0x0;
	s1 =	simm.s32 $0x4;
	[sflag:s26] =	ssyncadd.s32 $0xFFFFF800  }
0x52: {  	[tilespmem:s22], [sflag:$0x1] =	stream.indirect.gather [hbm4b:s18+s28], $0x80, s0, s28, $0xb8;
	v63 =	vld [tilespmem:$0x0]  }
0x53: {  	s8 =	simm.s32 $0x100;
	s3 =	simm.s32 $0x4000;
	s24 =	sand.u32 @!p1 $0xF, s1  }
0x54: {  	[tilespmem:s3], [sflag:$0x2] =	stream.indirect.gather [hbm4b:s18+s28], $0x80, s7, s28, $0xb8;
	v63 =	vld [tilespmem:$0x0]  }
0x55: {  	s9 =	simm.s32 $0x6000;
	s10 =	simm.s32 $0x180;
	p2 =	sne.s32 @!p1 s24, $0x0  }
0x56: {  	[tilespmem:s9], [sflag:$0x3] =	stream.indirect.gather [hbm4b:s18+s28], $0x80, s8, s28, $0xb8;
	v63 =	vld [tilespmem:$0x0]  }
0x57: {  	s11 =	simm.s32 $0x8000;
	s1 =	smul.u32 @!p1 $0xCCCD, s1;
	p3 =	por p2, p1  }
0x58: {  	[tilespmem:s11], [sflag:$0x4] =	stream.indirect.gather [hbm4b:s18+s28], $0x80, s10, s28, $0xb8;
	v63 =	vld [tilespmem:$0x0]  }
0x59: {  	s1 =	sshrl.u32 @!p1 s1, $0x12;
	s24 =	simm.s32 @!p3 $0x6;
	[bflag:$0x0] =	sbarrier.arrive $0xFFFF  }
0x5a: {  	s31 =	simm.s32 $0x800;
	s1 =	smul.u32 @!p1 $0x5, s1;
	_ =	swait.ge @!p3 [sflag:s24], $0x800  }
0x5b: {  	s29 =	sand.u32 @!p1 $0x3E00, s31;
	[sflag:s24] =	ssyncset.done @!p3 $0x0  }
0x5c: {  	s29 =	sshrl.u32 @!p1 s29, $0x2;
	s1 =	ssub.s32 @!p1 $0x4, s1;
	[sflag:s24] =	ssyncadd.s32 @!p3 $0xFFFFF800  }
0x5d: {  	p2 =	por @!p1 $0x0, $0x0;
	s1 =	sand.u32 @!p1 $0xFFFF, s1;
	_ =	swait.ge @!p3 [sflag:s24], $0x800  }
0x5e: {  	s3 =	sshll.u32 @!p1 s1, $0xD;
	s1 =	sadd.s32 @!p1 $0x1, s1;
	[sflag:s24] =	ssyncset.done @!p3 $0x0  }
0x5f: {  	s3 =	sadd.s32 @!p1 $0x2000, s3;
	[sflag:s24] =	ssyncadd.s32 @!p3 $0xFFFFF800;
	s24 =	simm.s32 @!p1 $0x40  }
0x60: {  	[tilespmem:s3], [sflag:s1] =	stream.indirect.gather @!p1 [hbm4b:s18+s24], $0x80, s29, s24, $0xb8;
	v63 =	vld [tilespmem:$0x0]  }
0x61: {  	p3 =	por p2, p1;
	s1 =	sand.u32 @!p1 $0xF, s0  }
0x62: {  	s0 =	smul.u32 $0xCCCD, s0;
	p3 =	sne.s32 @!p3 s1, $0x0  }
0x63: {  	p2 =	por @!p1 p3, p2  }
0x64: {  	s1 =	rddreg [dreg:$0x3];
	s0 =	sshrl.u32 s0, $0x12;
	p1 =	por p2, p1  }
0x65: {  	s12 =	simm.s32 $0x0;
	s0 =	smul.u32 $0x5, s0;
	s1 =	sadd.s32 @!p1 $0x800, s1  }
0x66: {  	s3 =	simm.s32 @!p1 $0x800;
	s24 =	simm.s32 @!p1 $0x0;
	s1 =	sshrl.u32 @!p1 s1, $0x3  }
0x67: {  	s3 =	sand.u32 @!p1 $0x800, s3;
	s0 =	ssub.s32 $0x0, s0;
	s29 =	sadd.s32 @!p1 s4, s1  }
0x68: {  	[tilespmem:s3], [sflag:$0x6] =	stream.linear.gather @!p1 [hbm4b:s29+s24], $0x800, $0x38;
	v63 =	vld [tilespmem:$0x0]  }
0x69: {  	s1 =	sadd.s32 @!p1 s5, s1;
	s0 =	sand.u32 $0xFFFF, s0;
	s3 =	sor.u32 @!p1 $0x1000, s3  }
0x6a: {  	[tilespmem:s3], [sflag:$0x6] =	stream.linear.gather @!p1 [hbm4b:s1+s24], $0x800, $0x38;
	v63 =	vld [tilespmem:$0x0]  }
0x6b: {  	s29 =	sadd.s32 $0x1, s0;
	s24 =	simm.s32 $0x0;
	s1 =	sand.u32 $0x1E00, s12  }
0x6c: {  	s3 =	sand.u32 $0x800, s24;
	s1 =	sshrl.u32 s1, $0x2;
	_ =	swait.ge [sflag:s29], $0x2000  }
0x6d: {  	s0 =	sshll.u32 s0, $0xD;
	s1 =	sor.u32 s1, s3;
	[sflag:s29] =	ssyncset.done $0x0  }
0x6e: {  	s0 =	sadd.s32 $0x2000, s0;
	[sflag:s29] =	ssyncadd.s32 $0xFFFFE000;
	s1 =	sor.u32 $0x1000, s1  }
0x6f: {  	[spmem:s2] =	stream.indirect.scatter.add.f32 [tilespmem:s0], [sflag:$0x7], $0x80, s1, s28, $0xb8;
	v63 =	vld [tilespmem:$0x0]  }
0x70: {  	s0 =	simm.s32 $0x1  }
.LBB2_4:
0x71: {  	_ =	swait.ge [sflag:s23], $0x2000  }
0x72: {  	s31 =	sadd.s32 $0x200, s31;
	s1 =	smov.u32 s0;
	s0 =	sadd.s32 $0x1, s0  }
0x73: {  	p1 =	sne.s32 s0, $0x140;
	[sflag:s23] =	ssyncset.done $0x0;
	s3 =	smul.u32 $0xCCCD, s1  }
0x74: {  	s29 =	sadd.s32 $0x4, s1;
	p2 =	sgt.u32 s1, $0x13B;
	s9 =	sshrl.u32 s1, $0x4  }
0x75: {  	[sflag:s23] =	ssyncadd.s32 $0xFFFFE000;
	s7 =	sand.u32 @!p2 $0xF, s29;
	s8 =	smul.u32 @!p2 $0xCCCD, s29  }
0x76: {  	p3 =	sgt.u32 @!p2 s1, $0x12F;
	s10 =	sand.u32 @!p2 $0x3E00, s31;
	p4 =	sne.s32 @!p2 s7, $0x0  }
0x77: {  	s7 =	sand.u32 @!p2 $0xF, s1;
	p5 =	por p3, p2;
	p4 =	por p4, p2  }
0x78: {  	s8 =	sshrl.u32 @!p2 s8, $0x12;
	p5 =	sne.s32 @!p5 s7, $0x0;
	s7 =	simm.s32 @!p4 $0x6  }
0x79: {  	s10 =	sshrl.u32 @!p2 s10, $0x2;
	s8 =	smul.u32 @!p2 $0x5, s8;
	_ =	swait.ge @!p4 [sflag:s7], $0x800  }
0x7a: {  	s3 =	sshrl.u32 s3, $0x12;
	p3 =	por @!p2 p5, p3;
	[sflag:s7] =	ssyncset.done @!p4 $0x0  }
0x7b: {  	p3 =	por p3, p2;
	s8 =	ssub.s32 @!p2 s29, s8;
	[sflag:s7] =	ssyncadd.s32 @!p4 $0xFFFFF800  }
0x7c: {  	s12 =	sshll.u32 @!p3 s9, $0xB;
	s8 =	sand.u32 @!p2 $0xFFFF, s8;
	_ =	swait.ge @!p4 [sflag:s7], $0x800  }
0x7d: {  	s29 =	sshll.u32 @!p2 s8, $0xD;
	s8 =	sadd.s32 @!p2 $0x1, s8;
	[sflag:s7] =	ssyncset.done @!p4 $0x0  }
0x7e: {  	s29 =	sadd.s32 @!p2 $0x2000, s29;
	[sflag:s7] =	ssyncadd.s32 @!p4 $0xFFFFF800;
	s7 =	simm.s32 @!p2 $0x40  }
0x7f: {  	[tilespmem:s29], [sflag:s8] =	stream.indirect.gather @!p2 [hbm4b:s18+s7], $0x80, s10, s7, $0xb8;
	v63 =	vld [tilespmem:$0x0]  }
0x80: {  	s3 =	smul.u32 $0x5, s3;
	s11 =	rddreg [dreg:$0x3];
	s7 =	sadd.s32 @!p3 $0x800, s12  }
0x81: {  	s24 =	sadd.s32 $0xFFFFF800, s31;
	s29 =	sshll.u32 s9, $0xB;
	s9 =	sadd.s32 @!p3 s11, s7  }
0x82: {  	s24 =	sand.u32 $0x1E00, s24;
	s1 =	ssub.s32 s1, s3;
	s9 =	sshrl.u32 @!p3 s9, $0x3  }
0x83: {  	s10 =	simm.s32 @!p3 $0x0;
	s7 =	sand.u32 @!p3 $0x800, s7;
	s3 =	sadd.s32 @!p3 s4, s9  }
0x84: {  	[tilespmem:s7], [sflag:$0x6] =	stream.linear.gather @!p3 [hbm4b:s3+s10], $0x800, $0x38;
	v63 =	vld [tilespmem:$0x0]  }
0x85: {  	s1 =	sand.u32 $0xFFFF, s1;
	s11 =	sor.u32 @!p3 $0x1000, s7;
	s9 =	sadd.s32 @!p3 s5, s9  }
0x86: {  	[tilespmem:s11], [sflag:$0x6] =	stream.linear.gather @!p3 [hbm4b:s9+s10], $0x800, $0x38;
	v63 =	vld [tilespmem:$0x0]  }
.Ltmp1:
0x87: {  	s12 =	sand.u32 $0x800, s29;
	s29 =	sadd.s32 $0x1, s1;
	(pc) =	sbr.rel @p1 .LBB2_4-.Ltmp1, $4  }
0x88: {  	s7 =	sshrl.u32 s24, $0x2;
	_ =	swait.ge [sflag:s29], $0x2000  }
0x89: {  	s1 =	sshll.u32 s1, $0xD;
	s3 =	sor.u32 s7, s12;
	[sflag:s29] =	ssyncset.done $0x0  }
0x8a: {  	s1 =	sadd.s32 $0x2000, s1;
	s3 =	sor.u32 $0x1000, s3;
	[sflag:s29] =	ssyncadd.s32 $0xFFFFE000  }
0x8b: {  	[spmem:s2] =	stream.indirect.scatter.add.f32 [tilespmem:s1], [sflag:$0x7], $0x80, s3, s28, $0xb8;
	v63 =	vld [tilespmem:$0x0]  }
0x8c: {  	_ =	swait.ge [sflag:s23], $0x2000  }
0x8d: {  	[sflag:s23] =	ssyncset.done $0x0  }
0x8e: {  	[sflag:s23] =	ssyncadd.s32 $0xFFFFE000  }
0x8f: {  	s0 =	simm.s32 @p0 $0x1FC7;
	[bflag:$0x0] =	sbarrier.arrive $0xFFFF  }
0x90: {  	[hbm:s20], [sflag:s0] =	dma.local @p0 [spmem:s25], $0x1900  }
0x91: {  	s0 =	simm.s32 @p0 $0x7  }
0x92: {  	s1 =	stileid.u32;
	s30 =	sadd.s32 $0x1, s30;
	_ =	swait.ge @p0 [sflag:s0], $0x1900  }
0x93: {  	s1 =	sshll.u32 @!p0 s1, $0x6;
	p1 =	sne.s32 s30, s21;
	[sflag:s0] =	ssyncset.done @p0 $0x0  }
0x94: {  	[sflag:s0] =	ssyncadd.s32 @p0 $0xFFFFE700;
	s0 =	sor.u32 @!p0 $0x1C07, s1;
	s1 =	sshrl.u32 @!p0 s6, $0x3  }
0x95: {  	[hbm:s19], [sflag:s0] =	dma.local @!p0 [spmem:s1], $0x2800  }
.Ltmp2:
0x96: {  	_ = 	snop;
	(pc) =	sbr.rel @p1 .LBB2_1-.Ltmp2, $4  }
0x97: {  	s0 =	simm.s32 @!p0 $0x7  }
0x98: {  	_ =	swait.ge @!p0 [sflag:s0], $0x2800  }
0x99: {  	[sflag:s0] =	ssyncset.done @!p0 $0x0  }
0x9a: {  	[sflag:s0] =	ssyncadd.s32 @!p0 $0xFFFFD800  }
0x9b: {  	_ =	sfence.sel $0x180000  }
0x9c: {  	[bflag:$0x0] =	sbarrier.arrive $0xFFFF  }
0x9d: {  	_ =	strace $0x9000004A  }
0x9e: {  	s0 =	stileid.u32;
	[bflag:$0x2] =	sbarrier.arrive $0xFFFF  }
0x9f: {  	p0 =	sne.s32 s0, $0x0;
	s0 =	rddreg [dreg:$0x2]  }
0xa0: {  	s0 =	sadd.s32 @!p0 $0x100000, s0  }
0xa1: {  	[sflag:s0] =	ssyncadd.tile.s32 @!p0 $0x1;
	_ =	shalt  }
.Lfunc_end2:
_tile_overlayer_lowered:
.L_overlay_start_2:
0xa2: {  	(tag) =	ssettag $0x2  }
0xa3: {  	s0 =	rddreg [dreg:$0x0];
	s2 =	stileid.u32  }
0xa4: {  	s1 =	rddreg [dreg:$0x1];
	p0 =	sne.s32 s2, $0x0  }
0xa5: {  	s3 =	rddreg [dreg:$0x2];
	[bflag:$0x3] =	sbarrier.arrive $0xFFFF;
	s2 =	simm.s32 @!p0 $0x1C07  }
0xa6: {  	[timem:s3], [sflag:s2] =	dma.local @!p0 [hbm:s0], s1  }
0xa7: {  	s0 =	simm.s32 @!p0 $0x7  }
0xa8: {  	_ =	swait.ge @!p0 [sflag:s0], s1  }
0xa9: {  	s1 =	ssub.s32 @!p0 $0x0, s1;
	[sflag:s0] =	ssyncset.done @!p0 $0x0  }
0xaa: {  	[sflag:s0] =	ssyncadd.s32 @!p0 s1  }
0xab: {  	[bflag:$0x3] =	sbarrier.arrive $0xFFFF  }
0xac: {  	_ =	shalt  }

</sc_bundles>
